<compile_context>
chip_gen: v7x
topology: tpu7x:2x2x1
jax: 0.10.2.dev20260603
libtpu: 0.0.44.dev20260713+nightly
codegen_flags: <defaults>
</compile_context>

<pallas_src>
import functools

import jax
import jax.numpy as jnp
from jax import lax
from jax.experimental import pallas as pl
from jax.experimental.pallas import tpu as pltpu
from jax.experimental.pallas import tpu_sc as plsc

_N = 10000
_E = 320000
_D = 128
_NC = 2
_NS = 16
_NW = _NC * _NS
_EPW = _E // _NW
_K = 80
_ITERS = _EPW // _K
_RPW = _N // _NS

_mesh = plsc.VectorSubcoreMesh(core_axis_name="c", subcore_axis_name="s")



@functools.partial(
    pl.kernel,
    mesh=_mesh,
    out_type=[
        jax.ShapeDtypeStruct((_NC * _N,), jnp.float32),
        jax.ShapeDtypeStruct((_NC * _N,), jnp.float32),
    ],
    scratch_types=[
        pltpu.VMEM((_ITERS, _K), jnp.int32),
        pltpu.VMEM((_ITERS, _K), jnp.int32),
        pltpu.VMEM((_K,), jnp.float32),
        pltpu.VMEM((1000,), jnp.float32),
        pltpu.VMEM_SHARED((_N,), jnp.float32),
        pltpu.VMEM_SHARED((_N,), jnp.float32),
        pltpu.SemaphoreType.DMA,
        pltpu.SemaphoreType.DMA,
        pltpu.SemaphoreType.DMA,
        pltpu.SemaphoreType.DMA,
    ],
)
def _deg_kernel(src_hbm, dst_hbm, out_s, out_d,
                src_v, dst_v, ones_v, zeros_v, acc_s, acc_d,
                sa0, sa1, sb0, sb1):
    c = lax.axis_index("c")
    s = lax.axis_index("s")
    w = c * _NS + s

    pltpu.sync_copy(src_hbm.at[w], src_v)
    pltpu.sync_copy(dst_hbm.at[w], dst_v)

    def _fill_ones(i, carry):
        ones_v[pl.ds(i * 16, 16)] = jnp.ones((16,), jnp.float32)
        return carry

    lax.fori_loop(0, _K // 16, _fill_ones, 0)

    def _fill_zeros(i, carry):
        zeros_v[pl.ds(i * 16, 16)] = jnp.zeros((16,), jnp.float32)
        return carry

    lax.fori_loop(0, 1000 // 16, _fill_zeros, 0)

    @pl.when(s < 10)
    def _zero():
        pltpu.sync_copy(zeros_v, acc_s.at[pl.ds(s * 1000, 1000)])
        pltpu.sync_copy(zeros_v, acc_d.at[pl.ds(s * 1000, 1000)])

    plsc.subcore_barrier()

    def _sa(j, sem):
        return ones_v, acc_s.at[src_v.at[j]], sem

    def _sb(j, sem):
        return ones_v, acc_d.at[dst_v.at[j]], sem

    pltpu.async_copy(*_sa(0, sa0), add=True)
    pltpu.async_copy(*_sb(0, sb0), add=True)
    pltpu.async_copy(*_sa(1, sa1), add=True)
    pltpu.async_copy(*_sb(1, sb1), add=True)

    def _body(tt, carry):
        j0 = 2 * tt
        pltpu.make_async_copy(*_sa(j0 - 2, sa0)).wait()
        pltpu.async_copy(*_sa(j0, sa0), add=True)
        pltpu.make_async_copy(*_sb(j0 - 2, sb0)).wait()
        pltpu.async_copy(*_sb(j0, sb0), add=True)
        pltpu.make_async_copy(*_sa(j0 - 1, sa1)).wait()
        pltpu.async_copy(*_sa(j0 + 1, sa1), add=True)
        pltpu.make_async_copy(*_sb(j0 - 1, sb1)).wait()
        pltpu.async_copy(*_sb(j0 + 1, sb1), add=True)
        return carry

    lax.fori_loop(1, (_ITERS - 1) // 2, _body, 0)
    pltpu.make_async_copy(*_sa(_ITERS - 3, sa0)).wait()
    pltpu.async_copy(*_sa(_ITERS - 1, sa0), add=True)
    pltpu.make_async_copy(*_sb(_ITERS - 3, sb0)).wait()
    pltpu.async_copy(*_sb(_ITERS - 1, sb0), add=True)
    pltpu.make_async_copy(*_sa(_ITERS - 2, sa1)).wait()
    pltpu.make_async_copy(*_sb(_ITERS - 2, sb1)).wait()
    pltpu.make_async_copy(*_sa(_ITERS - 1, sa0)).wait()
    pltpu.make_async_copy(*_sb(_ITERS - 1, sb0)).wait()
    plsc.subcore_barrier()

    @pl.when(s < 10)
    def _writeback():
        pltpu.sync_copy(acc_s.at[pl.ds(s * 1000, 1000)], zeros_v)
        pltpu.sync_copy(zeros_v, out_s.at[pl.ds(c * _N + s * 1000, 1000)])
        pltpu.sync_copy(acc_d.at[pl.ds(s * 1000, 1000)], zeros_v)
        pltpu.sync_copy(zeros_v, out_d.at[pl.ds(c * _N + s * 1000, 1000)])


@functools.partial(
    pl.kernel,
    mesh=_mesh,
    out_type=jax.ShapeDtypeStruct((_NC, _N, _D), jnp.float32),
    scratch_types=[
        pltpu.VMEM((_EPW,), jnp.int32),
        pltpu.VMEM((_K,), jnp.int32),
        pltpu.VMEM((_K,), jnp.int32),
        pltpu.VMEM((_K,), jnp.int32),
        pltpu.VMEM((_K, _D), jnp.float32),
        pltpu.VMEM((_K, _D), jnp.float32),
        pltpu.VMEM((_K, _D), jnp.float32),
        pltpu.VMEM_SHARED((_N, _D), jnp.float32),
        pltpu.SemaphoreType.DMA,
        pltpu.SemaphoreType.DMA,
        pltpu.SemaphoreType.DMA,
        pltpu.SemaphoreType.DMA,
        pltpu.SemaphoreType.DMA,
        pltpu.SemaphoreType.DMA,
        pltpu.SemaphoreType.DMA,
        pltpu.SemaphoreType.DMA,
        pltpu.SemaphoreType.DMA,
    ],
)
def _agg_kernel(hs_hbm, srcf_hbm, dstf_hbm, zeros_hbm, out_hbm,
                src_v, st0, st1, st2, rw0, rw1, rw2, acc,
                g0, g1, g2, d0, d1, d2, t0, t1, t2):
    c = lax.axis_index("c")
    s = lax.axis_index("s")
    w = c * _NS + s
    stage = (st0, st1, st2)
    rows = (rw0, rw1, rw2)
    g = (g0, g1, g2)
    d = (d0, d1, d2)
    t = (t0, t1, t2)

    pltpu.sync_copy(srcf_hbm.at[pl.ds(w * _EPW, _EPW)], src_v)
    pltpu.sync_copy(zeros_hbm, rw0)

    def _zq(q, carry):
        m = s + q * _NS

        @pl.when(m < _N // _K)
        def _():
            pltpu.sync_copy(rw0, acc.at[pl.ds(m * _K, _K)])
        return carry

    lax.fori_loop(0, (_N // _K + _NS - 1) // _NS, _zq, 0)
    plsc.subcore_barrier()

    def _gather_args(j, r):
        return hs_hbm.at[src_v.at[pl.ds(j * _K, _K)]], rows[r], g[r]

    def _didx_args(j, r):
        return dstf_hbm.at[pl.ds(w * _EPW + j * _K, _K)], stage[r], d[r]

    def _scat_args(r):
        return rows[r], acc.at[stage[r]], t[r]

    for jj in (0, 1):
        pltpu.async_copy(*_gather_args(jj, jj))
        pltpu.async_copy(*_didx_args(jj, jj))

    def _substep(j, r):
        r2 = (r + 2) % 3

        @pl.when(j >= 1)
        def _():
            pltpu.make_async_copy(*_scat_args(r2)).wait()
        pltpu.async_copy(*_gather_args(j + 2, r2))
        pltpu.async_copy(*_didx_args(j + 2, r2))
        pltpu.make_async_copy(*_gather_args(j, r)).wait()
        pltpu.make_async_copy(*_didx_args(j, r)).wait()
        pltpu.async_copy(*_scat_args(r), add=True)

    def _body(tt, carry):
        j0 = 3 * tt
        _substep(j0, 0)
        _substep(j0 + 1, 1)
        _substep(j0 + 2, 2)
        return carry

    lax.fori_loop(0, (_ITERS - 2) // 3, _body, 0)
    pltpu.make_async_copy(*_scat_args(2)).wait()
    pltpu.make_async_copy(*_gather_args(_ITERS - 2, 0)).wait()
    pltpu.make_async_copy(*_didx_args(_ITERS - 2, 0)).wait()
    pltpu.async_copy(*_scat_args(0), add=True)
    pltpu.make_async_copy(*_gather_args(_ITERS - 1, 1)).wait()
    pltpu.make_async_copy(*_didx_args(_ITERS - 1, 1)).wait()
    pltpu.async_copy(*_scat_args(1), add=True)
    pltpu.make_async_copy(*_scat_args(0)).wait()
    pltpu.make_async_copy(*_scat_args(1)).wait()
    plsc.subcore_barrier()

    def _wq(q, carry):
        m = s + q * _NS

        @pl.when(m < _N // _K)
        def _():
            pltpu.sync_copy(acc.at[pl.ds(m * _K, _K)], rw0)
            pltpu.sync_copy(rw0, out_hbm.at[c, pl.ds(m * _K, _K)])
        return carry

    lax.fori_loop(0, (_N // _K + _NS - 1) // _NS, _wq, 0)



_RB = 1000


_FULL = pl.BlockSpec((_D, _D), lambda i: (0, 0))
_BIAS = pl.BlockSpec((1, _D), lambda i: (0, 0))
_ROWS = pl.BlockSpec((_RB, _D), lambda i: (i, 0))
_COL = pl.BlockSpec((_RB, 1), lambda i: (i, 0))
_AGG = pl.BlockSpec((_NC, _RB, _D), lambda i: (0, i, 0))


def _relu_mm(xb, w_ref, b_ref):
    return jnp.maximum(
        jnp.dot(xb, w_ref[...], preferred_element_type=jnp.float32)
        + b_ref[...], 0.0)


def _prep_body(x_ref, dout_ref, wr_ref, br_ref, hs_ref, res_ref):
    xb = x_ref[...]
    hs_ref[...] = xb * dout_ref[...]
    res_ref[...] = _relu_mm(xb, wr_ref, br_ref)


def _prep(x, dout, wr, br):
    return pl.pallas_call(
        _prep_body,
        grid=(_N // _RB,),
        in_specs=[_ROWS, _COL, _FULL, _BIAS],
        out_specs=[_ROWS, _ROWS],
        out_shape=[
            jax.ShapeDtypeStruct((_N, _D), jnp.float32),
            jax.ShapeDtypeStruct((_N, _D), jnp.float32),
        ],
    )(x, dout, wr, br)


def _layer1_body(agg_ref, din_ref, res1_ref, w_ref, b_ref, dout_ref,
                 wr2_ref, br2_ref, hs1_ref, res2_ref):
    agg = (agg_ref[0] + agg_ref[1]) * din_ref[...]
    h1 = _relu_mm(agg, w_ref, b_ref) + res1_ref[...]
    hs1_ref[...] = h1 * dout_ref[...]
    res2_ref[...] = _relu_mm(h1, wr2_ref, br2_ref)


def _layer1(agg, din, res1, w, b, dout, wr2, br2):
    return pl.pallas_call(
        _layer1_body,
        grid=(_N // _RB,),
        in_specs=[_AGG, _COL, _ROWS, _FULL, _BIAS, _COL, _FULL, _BIAS],
        out_specs=[_ROWS, _ROWS],
        out_shape=[
            jax.ShapeDtypeStruct((_N, _D), jnp.float32),
            jax.ShapeDtypeStruct((_N, _D), jnp.float32),
        ],
    )(agg, din, res1, w, b, dout, wr2, br2)


def _final_body(agg_ref, din_ref, res2_ref, w_ref, b_ref,
                wa_ref, ba_ref, o_ref):
    i = pl.program_id(0)
    agg = (agg_ref[0] + agg_ref[1]) * din_ref[...]
    h2 = _relu_mm(agg, w_ref, b_ref) + res2_ref[...]
    logit = jnp.dot(h2, wa_ref[...], preferred_element_type=jnp.float32) \
        + ba_ref[...]
    wgt = jax.nn.sigmoid(logit)
    psum = jnp.sum(wgt * h2, axis=0, keepdims=True)
    pmax = jnp.max(h2, axis=0, keepdims=True)

    @pl.when(i == 0)
    def _init():
        o_ref[...] = jnp.concatenate([psum, pmax], axis=1)

    @pl.when(i > 0)
    def _acc():
        prev = o_ref[...]
        o_ref[...] = jnp.concatenate(
            [prev[:, :_D] + psum, jnp.maximum(prev[:, _D:], pmax)], axis=1)


def _final(agg, din, res2, w, b, wa, ba):
    return pl.pallas_call(
        _final_body,
        grid=(_N // _RB,),
        in_specs=[_AGG, _COL, _ROWS, _FULL, _BIAS,
                  pl.BlockSpec((_D, 1), lambda i: (0, 0)),
                  pl.BlockSpec((1, 1), lambda i: (0, 0))],
        out_specs=pl.BlockSpec((1, 2 * _D), lambda i: (0, 0)),
        out_shape=jax.ShapeDtypeStruct((1, 2 * _D), jnp.float32),
    )(agg, din, res2, w, b, wa, ba)



def kernel(x, edge_index, W0, b0, Wres0, bres0, W1, b1, Wres1, bres1,
           w_atom, b_atom):
    srcf = edge_index[0]
    dstf = edge_index[1]
    src = edge_index[0].reshape(_NW, _ITERS, _K)
    dst = edge_index[1].reshape(_NW, _ITERS, _K)
    zrows = jnp.zeros((_K, _D), jnp.float32)

    deg_s_part, deg_d_part = _deg_kernel(src, dst)
    di_out = lax.rsqrt(jnp.clip(deg_s_part[:_N] + deg_s_part[_N:], 1.0, None))
    di_in = lax.rsqrt(jnp.clip(deg_d_part[:_N] + deg_d_part[_N:], 1.0, None))
    di_out = di_out[:, None]
    di_in = di_in[:, None]

    hs0, res1 = _prep(x, di_out, Wres0, bres0[None, :])
    agg0 = _agg_kernel(hs0, srcf, dstf, zrows)
    hs1, res2 = _layer1(agg0, di_in, res1, W0, b0[None, :], di_out,
                        Wres1, bres1[None, :])
    agg1 = _agg_kernel(hs1, srcf, dstf, zrows)
    return _final(agg1, di_in, res2, W1, b1[None, :],
                  w_atom, b_atom[None, :])

# --- scband reference (transcript-rebuilt; emitter-appended) ---
"""Pipeline reference for scband-gcnencoder-43293270344034 (READ-ONLY COPY).

The authoritative reference and input builder live on the scoring server;
editing this copy changes nothing except your own understanding.
"""

import jax, jax.numpy as jnp
import numpy as np

N_NODES = 10000
N_EDGES = 320000
D = 128


def setup_inputs(seed: int = 0) -> dict:
    key = jax.random.key(seed)
    ks = jax.random.split(key, 12)
    s = 1.0 / np.sqrt(D)
    inp = {}
    inp["x"] = jax.random.normal(ks[0], (N_NODES, D), dtype=jnp.float32)
    inp["edge_index"] = jax.random.randint(ks[1], (2, N_EDGES), 0, N_NODES).astype(jnp.int32)
    # GraphConv weights per layer (in=128, out=128)
    inp["W0"] = jax.random.uniform(ks[2], (D, D), jnp.float32, -s, s)
    inp["b0"] = jnp.zeros((D,), jnp.float32)
    inp["Wres0"] = jax.random.uniform(ks[3], (D, D), jnp.float32, -s, s)
    inp["bres0"] = jnp.zeros((D,), jnp.float32)
    inp["W1"] = jax.random.uniform(ks[4], (D, D), jnp.float32, -s, s)
    inp["b1"] = jnp.zeros((D,), jnp.float32)
    inp["Wres1"] = jax.random.uniform(ks[5], (D, D), jnp.float32, -s, s)
    inp["bres1"] = jnp.zeros((D,), jnp.float32)
    # WeightedSumAndMax readout: atom_weighting Linear(D, 1)
    inp["w_atom"] = jax.random.uniform(ks[6], (D, 1), jnp.float32, -s, s)
    inp["b_atom"] = jnp.zeros((1,), jnp.float32)
    return inp


def reference(x, edge_index, W0, b0, Wres0, bres0, W1, b1, Wres1, bres1, w_atom, b_atom):
    src = edge_index[0]
    dst = edge_index[1]
    N = x.shape[0]
    # DGL GraphConv norm='both': symmetric normalization with out-degree (src) and in-degree (dst)
    deg_out = jnp.clip(jnp.zeros((N,), jnp.float32).at[src].add(1.0), 1.0, None)
    deg_in = jnp.clip(jnp.zeros((N,), jnp.float32).at[dst].add(1.0), 1.0, None)
    di_out = deg_out ** -0.5
    di_in = deg_in ** -0.5

    def gcn_layer(h, W, b, Wres, bres):
        hs = h * di_out[:, None]
        msg = jnp.take(hs, src, axis=0)
        agg = jnp.zeros((N, h.shape[1]), h.dtype).at[dst].add(msg)
        agg = agg * di_in[:, None]
        new = jax.nn.relu(agg @ W + b)
        # dgllife GCNLayer residual: activation(Linear(h)) added to conv output
        res = jax.nn.relu(h @ Wres + bres)
        return new + res  # dropout p=0.0, batchnorm disabled

    h = gcn_layer(x, W0, b0, Wres0, bres0)
    h = gcn_layer(h, W1, b1, Wres1, bres1)
    # WeightedSumAndMax readout over the single (batched) graph
    w = jax.nn.sigmoid(h @ w_atom + b_atom)  # [N, 1]
    h_g_sum = jnp.sum(w * h, axis=0)
    h_g_max = jnp.max(h, axis=0)
    return jnp.concatenate([h_g_sum, h_g_max])[None, :]  # [1, 2*hidden]

if __name__ == "__main__":
    import jax
    _d = setup_inputs()
    print(jax.jit(kernel)(*tuple(_d.values())))

</pallas_src>

<mosaic_0001>
#map = affine_map<(d0, d1) -> (0, 0)>
#map1 = affine_map<(d0, d1) -> (0)>
#map2 = affine_map<(d0, d1) -> (0, 0, 0)>
module attributes {stable_mosaic.version = 14 : i64} {
  func.func @_agg_kernel(%arg0: i32, %arg1: i32, %arg2: memref<10000x128xf32, #tpu.memory_space<hbm>>, %arg3: memref<320000xi32, #tpu.memory_space<hbm>>, %arg4: memref<320000xi32, #tpu.memory_space<hbm>>, %arg5: memref<80x128xf32, #tpu.memory_space<hbm>>, %arg6: memref<2x10000x128xf32, #tpu.memory_space<hbm>>, %arg7: memref<10000xi32, #tpu.memory_space<vmem>>, %arg8: memref<80xi32, #tpu.memory_space<vmem>>, %arg9: memref<80xi32, #tpu.memory_space<vmem>>, %arg10: memref<80xi32, #tpu.memory_space<vmem>>, %arg11: memref<80x128xf32, #tpu.memory_space<vmem>>, %arg12: memref<80x128xf32, #tpu.memory_space<vmem>>, %arg13: memref<80x128xf32, #tpu.memory_space<vmem>>, %arg14: memref<10000x128xf32, #tpu.memory_space<vmem_shared>>, %arg15: memref<!tpu.dma_semaphore, #tpu.memory_space<semaphore_mem>>, %arg16: memref<!tpu.dma_semaphore, #tpu.memory_space<semaphore_mem>>, %arg17: memref<!tpu.dma_semaphore, #tpu.memory_space<semaphore_mem>>, %arg18: memref<!tpu.dma_semaphore, #tpu.memory_space<semaphore_mem>>, %arg19: memref<!tpu.dma_semaphore, #tpu.memory_space<semaphore_mem>>, %arg20: memref<!tpu.dma_semaphore, #tpu.memory_space<semaphore_mem>>, %arg21: memref<!tpu.dma_semaphore, #tpu.memory_space<semaphore_mem>>, %arg22: memref<!tpu.dma_semaphore, #tpu.memory_space<semaphore_mem>>, %arg23: memref<!tpu.dma_semaphore, #tpu.memory_space<semaphore_mem>>) attributes {dimension_semantics = [#tpu.dimension_semantics<core_parallel>, #tpu.dimension_semantics<subcore_parallel>], iteration_bounds = array<i64: 2, 16>, scalar_prefetch = 0 : i64, scratch_operands = 17 : i64, tpu.core_type = #tpu.core_type<sc_vector_subcore>, window_params = [{transform_indices = #map}, {transform_indices = #map1}, {transform_indices = #map1}, {transform_indices = #map}, {transform_indices = #map2}]} {
    %mul3A = arith.constant 16 : i32
    %mul3A_0 = arith.muli %arg0, %mul3A : i32
    %add3A = arith.addi %mul3A_0, %arg1 : i32
    %mul3A_1 = arith.constant 10000 : i32
    %mul3A_2 = arith.muli %add3A, %mul3A_1 : i32
    "tpu.region"() ({
      %run_scoped3A = tpu.sem_alloc : memref<!tpu.dma_semaphore, #tpu.memory_space<semaphore_mem>>
      %dma_start3A_78 = tpu.memref_slice %arg3[%mul3A_2] : memref<320000xi32, #tpu.memory_space<hbm>> -> memref<10000xi32, #tpu.memory_space<hbm>>
      %dma_start3A_79 = tpu.memref_slice %arg3[%mul3A_2] : memref<320000xi32, #tpu.memory_space<hbm>> -> memref<10000xi32, #tpu.memory_space<hbm>>
      tpu.enqueue_dma source(%dma_start3A_79 : memref<10000xi32, #tpu.memory_space<hbm>>) target(%arg7 : memref<10000xi32, #tpu.memory_space<vmem>>) target_semaphore(%run_scoped3A : memref<!tpu.dma_semaphore, #tpu.memory_space<semaphore_mem>>)
      %dma_wait3A_80 = tpu.memref_slice %arg3[%mul3A_2] : memref<320000xi32, #tpu.memory_space<hbm>> -> memref<10000xi32, #tpu.memory_space<hbm>>
      %dma_wait3A_81 = tpu.memref_slice %arg3[%mul3A_2] : memref<320000xi32, #tpu.memory_space<hbm>> -> memref<10000xi32, #tpu.memory_space<hbm>>
      tpu.wait_dma2 semaphore(%run_scoped3A : memref<!tpu.dma_semaphore, #tpu.memory_space<semaphore_mem>>) src(%dma_wait3A_81 : memref<10000xi32, #tpu.memory_space<hbm>>) dst(%arg7 : memref<10000xi32, #tpu.memory_space<vmem>>)
      tpu.yield
    }) : () -> ()
    "tpu.region"() ({
      %run_scoped3A = tpu.sem_alloc : memref<!tpu.dma_semaphore, #tpu.memory_space<semaphore_mem>>
      tpu.enqueue_dma source(%arg5 : memref<80x128xf32, #tpu.memory_space<hbm>>) target(%arg11 : memref<80x128xf32, #tpu.memory_space<vmem>>) target_semaphore(%run_scoped3A : memref<!tpu.dma_semaphore, #tpu.memory_space<semaphore_mem>>)
      tpu.wait_dma2 semaphore(%run_scoped3A : memref<!tpu.dma_semaphore, #tpu.memory_space<semaphore_mem>>) src(%arg5 : memref<80x128xf32, #tpu.memory_space<hbm>>) dst(%arg11 : memref<80x128xf32, #tpu.memory_space<vmem>>)
      tpu.yield
    }) : () -> ()
    %scan3A = arith.constant 0 : i32
    %scan3A_3 = arith.constant 0 : i32
    %scan3A_4 = arith.constant 8 : i32
    %scan3A_5 = arith.addi %scan3A_3, %scan3A_4 : i32
    %scan3A_6 = arith.constant 1 : i32
    scf.for %scan3A_78 = %scan3A_3 to %scan3A_5 step %scan3A_6  : i32 {
      %mul3A_79 = arith.constant 16 : i32
      %mul3A_80 = arith.muli %scan3A_78, %mul3A_79 : i32
      %add3A_81 = arith.addi %arg1, %mul3A_80 : i32
      %lt3A = arith.constant 125 : i32
      %lt3A_82 = arith.cmpi slt, %add3A_81, %lt3A : i32
      %convert_element_type3A = arith.extui %lt3A_82 : i1 to i32
      %cond3A = arith.constant 0 : i32
      %cond3A_83 = arith.cmpi ne, %convert_element_type3A, %cond3A : i32
      scf.if %cond3A_83 {
        %mul3A_84 = arith.constant 80 : i32
        %mul3A_85 = arith.muli %add3A_81, %mul3A_84 : i32
        "tpu.region"() ({
          %run_scoped3A = tpu.sem_alloc : memref<!tpu.dma_semaphore, #tpu.memory_space<semaphore_mem>>
          %dma_start3A_86 = arith.constant 0 : i32
          %dma_start3A_87 = tpu.memref_slice %arg14[%mul3A_85, %dma_start3A_86] : memref<10000x128xf32, #tpu.memory_space<vmem_shared>> -> memref<80x128xf32, #tpu.memory_space<vmem_shared>>
          %dma_start3A_88 = arith.constant 0 : i32
          %dma_start3A_89 = tpu.memref_slice %arg14[%mul3A_85, %dma_start3A_88] : memref<10000x128xf32, #tpu.memory_space<vmem_shared>> -> memref<80x128xf32, #tpu.memory_space<vmem_shared>>
          tpu.enqueue_dma source(%arg11 : memref<80x128xf32, #tpu.memory_space<vmem>>) target(%dma_start3A_89 : memref<80x128xf32, #tpu.memory_space<vmem_shared>>) target_semaphore(%run_scoped3A : memref<!tpu.dma_semaphore, #tpu.memory_space<semaphore_mem>>)
          %dma_wait3A_90 = arith.constant 0 : i32
          %dma_wait3A_91 = tpu.memref_slice %arg14[%mul3A_85, %dma_wait3A_90] : memref<10000x128xf32, #tpu.memory_space<vmem_shared>> -> memref<80x128xf32, #tpu.memory_space<vmem_shared>>
          %dma_wait3A_92 = arith.constant 0 : i32
          %dma_wait3A_93 = tpu.memref_slice %arg14[%mul3A_85, %dma_wait3A_92] : memref<10000x128xf32, #tpu.memory_space<vmem_shared>> -> memref<80x128xf32, #tpu.memory_space<vmem_shared>>
          tpu.wait_dma2 semaphore(%run_scoped3A : memref<!tpu.dma_semaphore, #tpu.memory_space<semaphore_mem>>) src(%arg11 : memref<80x128xf32, #tpu.memory_space<vmem>>) dst(%dma_wait3A_93 : memref<80x128xf32, #tpu.memory_space<vmem_shared>>)
          tpu.yield
        }) : () -> ()
      } else {
      }
    }
    %scan3A_7 = arith.constant 8 : i32
    %barrier3A = arith.constant 0 : index
    tpu.barrier barrier_id(%barrier3A)
    %dma_start3A = arith.constant 0 : i32
    %dma_start3A_8 = tpu.memref_slice %arg7[%dma_start3A] : memref<10000xi32, #tpu.memory_space<vmem>> -> memref<80xi32, #tpu.memory_space<vmem>>
    %dma_start3A_9 = arith.constant 0 : i32
    %dma_start3A_10 = arith.constant 0 : i32
    %dma_start3A_11 = tpu.memref_slice %arg2[%dma_start3A_9, %dma_start3A_10] : memref<10000x128xf32, #tpu.memory_space<hbm>> -> memref<10000x128xf32, #tpu.memory_space<hbm>>
    tpu.enqueue_indirect_dma source(%dma_start3A_11 : memref<10000x128xf32, #tpu.memory_space<hbm>>) target(%arg11 : memref<80x128xf32, #tpu.memory_space<vmem>>) offsets(%dma_start3A_8 : memref<80xi32, #tpu.memory_space<vmem>>) semaphore(%arg15 : memref<!tpu.dma_semaphore, #tpu.memory_space<semaphore_mem>>)
    %mul3A_12 = arith.constant 10000 : i32
    %mul3A_13 = arith.muli %add3A, %mul3A_12 : i32
    %add3A_14 = arith.constant 0 : i32
    %add3A_15 = arith.addi %mul3A_13, %add3A_14 : i32
    %dma_start3A_16 = tpu.memref_slice %arg4[%add3A_15] : memref<320000xi32, #tpu.memory_space<hbm>> -> memref<80xi32, #tpu.memory_space<hbm>>
    %dma_start3A_17 = tpu.memref_slice %arg4[%add3A_15] : memref<320000xi32, #tpu.memory_space<hbm>> -> memref<80xi32, #tpu.memory_space<hbm>>
    tpu.enqueue_dma source(%dma_start3A_17 : memref<80xi32, #tpu.memory_space<hbm>>) target(%arg8 : memref<80xi32, #tpu.memory_space<vmem>>) target_semaphore(%arg18 : memref<!tpu.dma_semaphore, #tpu.memory_space<semaphore_mem>>)
    %dma_start3A_18 = arith.constant 80 : i32
    %dma_start3A_19 = tpu.memref_slice %arg7[%dma_start3A_18] : memref<10000xi32, #tpu.memory_space<vmem>> -> memref<80xi32, #tpu.memory_space<vmem>>
    %dma_start3A_20 = arith.constant 0 : i32
    %dma_start3A_21 = arith.constant 0 : i32
    %dma_start3A_22 = tpu.memref_slice %arg2[%dma_start3A_20, %dma_start3A_21] : memref<10000x128xf32, #tpu.memory_space<hbm>> -> memref<10000x128xf32, #tpu.memory_space<hbm>>
    tpu.enqueue_indirect_dma source(%dma_start3A_22 : memref<10000x128xf32, #tpu.memory_space<hbm>>) target(%arg12 : memref<80x128xf32, #tpu.memory_space<vmem>>) offsets(%dma_start3A_19 : memref<80xi32, #tpu.memory_space<vmem>>) semaphore(%arg16 : memref<!tpu.dma_semaphore, #tpu.memory_space<semaphore_mem>>)
    %mul3A_23 = arith.constant 10000 : i32
    %mul3A_24 = arith.muli %add3A, %mul3A_23 : i32
    %add3A_25 = arith.constant 80 : i32
    %add3A_26 = arith.addi %mul3A_24, %add3A_25 : i32
    %dma_start3A_27 = tpu.memref_slice %arg4[%add3A_26] : memref<320000xi32, #tpu.memory_space<hbm>> -> memref<80xi32, #tpu.memory_space<hbm>>
    %dma_start3A_28 = tpu.memref_slice %arg4[%add3A_26] : memref<320000xi32, #tpu.memory_space<hbm>> -> memref<80xi32, #tpu.memory_space<hbm>>
    tpu.enqueue_dma source(%dma_start3A_28 : memref<80xi32, #tpu.memory_space<hbm>>) target(%arg9 : memref<80xi32, #tpu.memory_space<vmem>>) target_semaphore(%arg19 : memref<!tpu.dma_semaphore, #tpu.memory_space<semaphore_mem>>)
    %scan3A_29 = arith.constant 0 : i32
    %scan3A_30 = arith.constant 0 : i32
    %scan3A_31 = arith.constant 41 : i32
    %scan3A_32 = arith.addi %scan3A_30, %scan3A_31 : i32
    %scan3A_33 = arith.constant 1 : i32
    scf.for %scan3A_78 = %scan3A_30 to %scan3A_32 step %scan3A_33  : i32 {
      %mul3A_79 = arith.constant 3 : i32
      %mul3A_80 = arith.muli %mul3A_79, %scan3A_78 : i32
      %ge3A = arith.constant 1 : i32
      %ge3A_81 = arith.cmpi sge, %mul3A_80, %ge3A : i32
      %convert_element_type3A = arith.extui %ge3A_81 : i1 to i32
      %cond3A = arith.constant 0 : i32
      %cond3A_82 = arith.cmpi ne, %convert_element_type3A, %cond3A : i32
      scf.if %cond3A_82 {
        %dma_wait3A_196 = arith.constant 0 : i32
        %dma_wait3A_197 = arith.constant 0 : i32
        %dma_wait3A_198 = tpu.memref_slice %arg14[%dma_wait3A_196, %dma_wait3A_197] : memref<10000x128xf32, #tpu.memory_space<vmem_shared>> -> memref<10000x128xf32, #tpu.memory_space<vmem_shared>>
        tpu.wait_indirect_dma semaphore(%arg23 : memref<!tpu.dma_semaphore, #tpu.memory_space<semaphore_mem>>) src(%arg13 : memref<80x128xf32, #tpu.memory_space<vmem>>) dst(%dma_wait3A_198 : memref<10000x128xf32, #tpu.memory_space<vmem_shared>>)
      } else {
      }
      %add3A_83 = arith.constant 2 : i32
      %add3A_84 = arith.addi %mul3A_80, %add3A_83 : i32
      %mul3A_85 = arith.constant 80 : i32
      %mul3A_86 = arith.muli %add3A_84, %mul3A_85 : i32
      %dma_start3A_87 = tpu.memref_slice %arg7[%mul3A_86] : memref<10000xi32, #tpu.memory_space<vmem>> -> memref<80xi32, #tpu.memory_space<vmem>>
      %dma_start3A_88 = arith.constant 0 : i32
      %dma_start3A_89 = arith.constant 0 : i32
      %dma_start3A_90 = tpu.memref_slice %arg2[%dma_start3A_88, %dma_start3A_89] : memref<10000x128xf32, #tpu.memory_space<hbm>> -> memref<10000x128xf32, #tpu.memory_space<hbm>>
      tpu.enqueue_indirect_dma source(%dma_start3A_90 : memref<10000x128xf32, #tpu.memory_space<hbm>>) target(%arg13 : memref<80x128xf32, #tpu.memory_space<vmem>>) offsets(%dma_start3A_87 : memref<80xi32, #tpu.memory_space<vmem>>) semaphore(%arg17 : memref<!tpu.dma_semaphore, #tpu.memory_space<semaphore_mem>>)
      %add3A_91 = arith.constant 2 : i32
      %add3A_92 = arith.addi %mul3A_80, %add3A_91 : i32
      %mul3A_93 = arith.constant 10000 : i32
      %mul3A_94 = arith.muli %add3A, %mul3A_93 : i32
      %mul3A_95 = arith.constant 80 : i32
      %mul3A_96 = arith.muli %add3A_92, %mul3A_95 : i32
      %add3A_97 = arith.addi %mul3A_94, %mul3A_96 : i32
      %dma_start3A_98 = tpu.memref_slice %arg4[%add3A_97] : memref<320000xi32, #tpu.memory_space<hbm>> -> memref<80xi32, #tpu.memory_space<hbm>>
      %dma_start3A_99 = tpu.memref_slice %arg4[%add3A_97] : memref<320000xi32, #tpu.memory_space<hbm>> -> memref<80xi32, #tpu.memory_space<hbm>>
      tpu.enqueue_dma source(%dma_start3A_99 : memref<80xi32, #tpu.memory_space<hbm>>) target(%arg10 : memref<80xi32, #tpu.memory_space<vmem>>) target_semaphore(%arg20 : memref<!tpu.dma_semaphore, #tpu.memory_space<semaphore_mem>>)
      %mul3A_100 = arith.constant 80 : i32
      %mul3A_101 = arith.muli %mul3A_80, %mul3A_100 : i32
      %dma_wait3A_102 = tpu.memref_slice %arg7[%mul3A_101] : memref<10000xi32, #tpu.memory_space<vmem>> -> memref<80xi32, #tpu.memory_space<vmem>>
      %dma_wait3A_103 = arith.constant 0 : i32
      %dma_wait3A_104 = arith.constant 0 : i32
      %dma_wait3A_105 = tpu.memref_slice %arg2[%dma_wait3A_103, %dma_wait3A_104] : memref<10000x128xf32, #tpu.memory_space<hbm>> -> memref<10000x128xf32, #tpu.memory_space<hbm>>
      tpu.wait_indirect_dma semaphore(%arg15 : memref<!tpu.dma_semaphore, #tpu.memory_space<semaphore_mem>>) src(%dma_wait3A_105 : memref<10000x128xf32, #tpu.memory_space<hbm>>) dst(%arg11 : memref<80x128xf32, #tpu.memory_space<vmem>>)
      %mul3A_106 = arith.constant 10000 : i32
      %mul3A_107 = arith.muli %add3A, %mul3A_106 : i32
      %mul3A_108 = arith.constant 80 : i32
      %mul3A_109 = arith.muli %mul3A_80, %mul3A_108 : i32
      %add3A_110 = arith.addi %mul3A_107, %mul3A_109 : i32
      %dma_wait3A_111 = tpu.memref_slice %arg4[%add3A_110] : memref<320000xi32, #tpu.memory_space<hbm>> -> memref<80xi32, #tpu.memory_space<hbm>>
      %dma_wait3A_112 = tpu.memref_slice %arg4[%add3A_110] : memref<320000xi32, #tpu.memory_space<hbm>> -> memref<80xi32, #tpu.memory_space<hbm>>
      tpu.wait_dma2 semaphore(%arg18 : memref<!tpu.dma_semaphore, #tpu.memory_space<semaphore_mem>>) src(%dma_wait3A_112 : memref<80xi32, #tpu.memory_space<hbm>>) dst(%arg8 : memref<80xi32, #tpu.memory_space<vmem>>)
      %dma_start3A_113 = arith.constant 0 : i32
      %dma_start3A_114 = arith.constant 0 : i32
      %dma_start3A_115 = tpu.memref_slice %arg14[%dma_start3A_113, %dma_start3A_114] : memref<10000x128xf32, #tpu.memory_space<vmem_shared>> -> memref<10000x128xf32, #tpu.memory_space<vmem_shared>>
      tpu.enqueue_indirect_dma source(%arg11 : memref<80x128xf32, #tpu.memory_space<vmem>>) target(%dma_start3A_115 : memref<10000x128xf32, #tpu.memory_space<vmem_shared>>) offsets(%arg8 : memref<80xi32, #tpu.memory_space<vmem>>) semaphore(%arg21 : memref<!tpu.dma_semaphore, #tpu.memory_space<semaphore_mem>>) {add = true}
      %add3A_116 = arith.constant 1 : i32
      %add3A_117 = arith.addi %mul3A_80, %add3A_116 : i32
      %ge3A_118 = arith.constant 1 : i32
      %ge3A_119 = arith.cmpi sge, %add3A_117, %ge3A_118 : i32
      %convert_element_type3A_120 = arith.extui %ge3A_119 : i1 to i32
      %cond3A_121 = arith.constant 0 : i32
      %cond3A_122 = arith.cmpi ne, %convert_element_type3A_120, %cond3A_121 : i32
      scf.if %cond3A_122 {
        %dma_wait3A_196 = arith.constant 0 : i32
        %dma_wait3A_197 = arith.constant 0 : i32
        %dma_wait3A_198 = tpu.memref_slice %arg14[%dma_wait3A_196, %dma_wait3A_197] : memref<10000x128xf32, #tpu.memory_space<vmem_shared>> -> memref<10000x128xf32, #tpu.memory_space<vmem_shared>>
        tpu.wait_indirect_dma semaphore(%arg21 : memref<!tpu.dma_semaphore, #tpu.memory_space<semaphore_mem>>) src(%arg11 : memref<80x128xf32, #tpu.memory_space<vmem>>) dst(%dma_wait3A_198 : memref<10000x128xf32, #tpu.memory_space<vmem_shared>>)
      } else {
      }
      %add3A_123 = arith.constant 2 : i32
      %add3A_124 = arith.addi %add3A_117, %add3A_123 : i32
      %mul3A_125 = arith.constant 80 : i32
      %mul3A_126 = arith.muli %add3A_124, %mul3A_125 : i32
      %dma_start3A_127 = tpu.memref_slice %arg7[%mul3A_126] : memref<10000xi32, #tpu.memory_space<vmem>> -> memref<80xi32, #tpu.memory_space<vmem>>
      %dma_start3A_128 = arith.constant 0 : i32
      %dma_start3A_129 = arith.constant 0 : i32
      %dma_start3A_130 = tpu.memref_slice %arg2[%dma_start3A_128, %dma_start3A_129] : memref<10000x128xf32, #tpu.memory_space<hbm>> -> memref<10000x128xf32, #tpu.memory_space<hbm>>
      tpu.enqueue_indirect_dma source(%dma_start3A_130 : memref<10000x128xf32, #tpu.memory_space<hbm>>) target(%arg11 : memref<80x128xf32, #tpu.memory_space<vmem>>) offsets(%dma_start3A_127 : memref<80xi32, #tpu.memory_space<vmem>>) semaphore(%arg15 : memref<!tpu.dma_semaphore, #tpu.memory_space<semaphore_mem>>)
      %add3A_131 = arith.constant 2 : i32
      %add3A_132 = arith.addi %add3A_117, %add3A_131 : i32
      %mul3A_133 = arith.constant 10000 : i32
      %mul3A_134 = arith.muli %add3A, %mul3A_133 : i32
      %mul3A_135 = arith.constant 80 : i32
      %mul3A_136 = arith.muli %add3A_132, %mul3A_135 : i32
      %add3A_137 = arith.addi %mul3A_134, %mul3A_136 : i32
      %dma_start3A_138 = tpu.memref_slice %arg4[%add3A_137] : memref<320000xi32, #tpu.memory_space<hbm>> -> memref<80xi32, #tpu.memory_space<hbm>>
      %dma_start3A_139 = tpu.memref_slice %arg4[%add3A_137] : memref<320000xi32, #tpu.memory_space<hbm>> -> memref<80xi32, #tpu.memory_space<hbm>>
      tpu.enqueue_dma source(%dma_start3A_139 : memref<80xi32, #tpu.memory_space<hbm>>) target(%arg8 : memref<80xi32, #tpu.memory_space<vmem>>) target_semaphore(%arg18 : memref<!tpu.dma_semaphore, #tpu.memory_space<semaphore_mem>>)
      %mul3A_140 = arith.constant 80 : i32
      %mul3A_141 = arith.muli %add3A_117, %mul3A_140 : i32
      %dma_wait3A_142 = tpu.memref_slice %arg7[%mul3A_141] : memref<10000xi32, #tpu.memory_space<vmem>> -> memref<80xi32, #tpu.memory_space<vmem>>
      %dma_wait3A_143 = arith.constant 0 : i32
      %dma_wait3A_144 = arith.constant 0 : i32
      %dma_wait3A_145 = tpu.memref_slice %arg2[%dma_wait3A_143, %dma_wait3A_144] : memref<10000x128xf32, #tpu.memory_space<hbm>> -> memref<10000x128xf32, #tpu.memory_space<hbm>>
      tpu.wait_indirect_dma semaphore(%arg16 : memref<!tpu.dma_semaphore, #tpu.memory_space<semaphore_mem>>) src(%dma_wait3A_145 : memref<10000x128xf32, #tpu.memory_space<hbm>>) dst(%arg12 : memref<80x128xf32, #tpu.memory_space<vmem>>)
      %mul3A_146 = arith.constant 10000 : i32
      %mul3A_147 = arith.muli %add3A, %mul3A_146 : i32
      %mul3A_148 = arith.constant 80 : i32
      %mul3A_149 = arith.muli %add3A_117, %mul3A_148 : i32
      %add3A_150 = arith.addi %mul3A_147, %mul3A_149 : i32
      %dma_wait3A_151 = tpu.memref_slice %arg4[%add3A_150] : memref<320000xi32, #tpu.memory_space<hbm>> -> memref<80xi32, #tpu.memory_space<hbm>>
      %dma_wait3A_152 = tpu.memref_slice %arg4[%add3A_150] : memref<320000xi32, #tpu.memory_space<hbm>> -> memref<80xi32, #tpu.memory_space<hbm>>
      tpu.wait_dma2 semaphore(%arg19 : memref<!tpu.dma_semaphore, #tpu.memory_space<semaphore_mem>>) src(%dma_wait3A_152 : memref<80xi32, #tpu.memory_space<hbm>>) dst(%arg9 : memref<80xi32, #tpu.memory_space<vmem>>)
      %dma_start3A_153 = arith.constant 0 : i32
      %dma_start3A_154 = arith.constant 0 : i32
      %dma_start3A_155 = tpu.memref_slice %arg14[%dma_start3A_153, %dma_start3A_154] : memref<10000x128xf32, #tpu.memory_space<vmem_shared>> -> memref<10000x128xf32, #tpu.memory_space<vmem_shared>>
      tpu.enqueue_indirect_dma source(%arg12 : memref<80x128xf32, #tpu.memory_space<vmem>>) target(%dma_start3A_155 : memref<10000x128xf32, #tpu.memory_space<vmem_shared>>) offsets(%arg9 : memref<80xi32, #tpu.memory_space<vmem>>) semaphore(%arg22 : memref<!tpu.dma_semaphore, #tpu.memory_space<semaphore_mem>>) {add = true}
      %add3A_156 = arith.constant 2 : i32
      %add3A_157 = arith.addi %mul3A_80, %add3A_156 : i32
      %ge3A_158 = arith.constant 1 : i32
      %ge3A_159 = arith.cmpi sge, %add3A_157, %ge3A_158 : i32
      %convert_element_type3A_160 = arith.extui %ge3A_159 : i1 to i32
      %cond3A_161 = arith.constant 0 : i32
      %cond3A_162 = arith.cmpi ne, %convert_element_type3A_160, %cond3A_161 : i32
      scf.if %cond3A_162 {
        %dma_wait3A_196 = arith.constant 0 : i32
        %dma_wait3A_197 = arith.constant 0 : i32
        %dma_wait3A_198 = tpu.memref_slice %arg14[%dma_wait3A_196, %dma_wait3A_197] : memref<10000x128xf32, #tpu.memory_space<vmem_shared>> -> memref<10000x128xf32, #tpu.memory_space<vmem_shared>>
        tpu.wait_indirect_dma semaphore(%arg22 : memref<!tpu.dma_semaphore, #tpu.memory_space<semaphore_mem>>) src(%arg12 : memref<80x128xf32, #tpu.memory_space<vmem>>) dst(%dma_wait3A_198 : memref<10000x128xf32, #tpu.memory_space<vmem_shared>>)
      } else {
      }
      %add3A_163 = arith.constant 2 : i32
      %add3A_164 = arith.addi %add3A_157, %add3A_163 : i32
      %mul3A_165 = arith.constant 80 : i32
      %mul3A_166 = arith.muli %add3A_164, %mul3A_165 : i32
      %dma_start3A_167 = tpu.memref_slice %arg7[%mul3A_166] : memref<10000xi32, #tpu.memory_space<vmem>> -> memref<80xi32, #tpu.memory_space<vmem>>
      %dma_start3A_168 = arith.constant 0 : i32
      %dma_start3A_169 = arith.constant 0 : i32
      %dma_start3A_170 = tpu.memref_slice %arg2[%dma_start3A_168, %dma_start3A_169] : memref<10000x128xf32, #tpu.memory_space<hbm>> -> memref<10000x128xf32, #tpu.memory_space<hbm>>
      tpu.enqueue_indirect_dma source(%dma_start3A_170 : memref<10000x128xf32, #tpu.memory_space<hbm>>) target(%arg12 : memref<80x128xf32, #tpu.memory_space<vmem>>) offsets(%dma_start3A_167 : memref<80xi32, #tpu.memory_space<vmem>>) semaphore(%arg16 : memref<!tpu.dma_semaphore, #tpu.memory_space<semaphore_mem>>)
      %add3A_171 = arith.constant 2 : i32
      %add3A_172 = arith.addi %add3A_157, %add3A_171 : i32
      %mul3A_173 = arith.constant 10000 : i32
      %mul3A_174 = arith.muli %add3A, %mul3A_173 : i32
      %mul3A_175 = arith.constant 80 : i32
      %mul3A_176 = arith.muli %add3A_172, %mul3A_175 : i32
      %add3A_177 = arith.addi %mul3A_174, %mul3A_176 : i32
      %dma_start3A_178 = tpu.memref_slice %arg4[%add3A_177] : memref<320000xi32, #tpu.memory_space<hbm>> -> memref<80xi32, #tpu.memory_space<hbm>>
      %dma_start3A_179 = tpu.memref_slice %arg4[%add3A_177] : memref<320000xi32, #tpu.memory_space<hbm>> -> memref<80xi32, #tpu.memory_space<hbm>>
      tpu.enqueue_dma source(%dma_start3A_179 : memref<80xi32, #tpu.memory_space<hbm>>) target(%arg9 : memref<80xi32, #tpu.memory_space<vmem>>) target_semaphore(%arg19 : memref<!tpu.dma_semaphore, #tpu.memory_space<semaphore_mem>>)
      %mul3A_180 = arith.constant 80 : i32
      %mul3A_181 = arith.muli %add3A_157, %mul3A_180 : i32
      %dma_wait3A_182 = tpu.memref_slice %arg7[%mul3A_181] : memref<10000xi32, #tpu.memory_space<vmem>> -> memref<80xi32, #tpu.memory_space<vmem>>
      %dma_wait3A_183 = arith.constant 0 : i32
      %dma_wait3A_184 = arith.constant 0 : i32
      %dma_wait3A_185 = tpu.memref_slice %arg2[%dma_wait3A_183, %dma_wait3A_184] : memref<10000x128xf32, #tpu.memory_space<hbm>> -> memref<10000x128xf32, #tpu.memory_space<hbm>>
      tpu.wait_indirect_dma semaphore(%arg17 : memref<!tpu.dma_semaphore, #tpu.memory_space<semaphore_mem>>) src(%dma_wait3A_185 : memref<10000x128xf32, #tpu.memory_space<hbm>>) dst(%arg13 : memref<80x128xf32, #tpu.memory_space<vmem>>)
      %mul3A_186 = arith.constant 10000 : i32
      %mul3A_187 = arith.muli %add3A, %mul3A_186 : i32
      %mul3A_188 = arith.constant 80 : i32
      %mul3A_189 = arith.muli %add3A_157, %mul3A_188 : i32
      %add3A_190 = arith.addi %mul3A_187, %mul3A_189 : i32
      %dma_wait3A_191 = tpu.memref_slice %arg4[%add3A_190] : memref<320000xi32, #tpu.memory_space<hbm>> -> memref<80xi32, #tpu.memory_space<hbm>>
      %dma_wait3A_192 = tpu.memref_slice %arg4[%add3A_190] : memref<320000xi32, #tpu.memory_space<hbm>> -> memref<80xi32, #tpu.memory_space<hbm>>
      tpu.wait_dma2 semaphore(%arg20 : memref<!tpu.dma_semaphore, #tpu.memory_space<semaphore_mem>>) src(%dma_wait3A_192 : memref<80xi32, #tpu.memory_space<hbm>>) dst(%arg10 : memref<80xi32, #tpu.memory_space<vmem>>)
      %dma_start3A_193 = arith.constant 0 : i32
      %dma_start3A_194 = arith.constant 0 : i32
      %dma_start3A_195 = tpu.memref_slice %arg14[%dma_start3A_193, %dma_start3A_194] : memref<10000x128xf32, #tpu.memory_space<vmem_shared>> -> memref<10000x128xf32, #tpu.memory_space<vmem_shared>>
      tpu.enqueue_indirect_dma source(%arg13 : memref<80x128xf32, #tpu.memory_space<vmem>>) target(%dma_start3A_195 : memref<10000x128xf32, #tpu.memory_space<vmem_shared>>) offsets(%arg10 : memref<80xi32, #tpu.memory_space<vmem>>) semaphore(%arg23 : memref<!tpu.dma_semaphore, #tpu.memory_space<semaphore_mem>>) {add = true}
    }
    %scan3A_34 = arith.constant 41 : i32
    %dma_wait3A = arith.constant 0 : i32
    %dma_wait3A_35 = arith.constant 0 : i32
    %dma_wait3A_36 = tpu.memref_slice %arg14[%dma_wait3A, %dma_wait3A_35] : memref<10000x128xf32, #tpu.memory_space<vmem_shared>> -> memref<10000x128xf32, #tpu.memory_space<vmem_shared>>
    tpu.wait_indirect_dma semaphore(%arg23 : memref<!tpu.dma_semaphore, #tpu.memory_space<semaphore_mem>>) src(%arg13 : memref<80x128xf32, #tpu.memory_space<vmem>>) dst(%dma_wait3A_36 : memref<10000x128xf32, #tpu.memory_space<vmem_shared>>)
    %dma_wait3A_37 = arith.constant 9840 : i32
    %dma_wait3A_38 = tpu.memref_slice %arg7[%dma_wait3A_37] : memref<10000xi32, #tpu.memory_space<vmem>> -> memref<80xi32, #tpu.memory_space<vmem>>
    %dma_wait3A_39 = arith.constant 0 : i32
    %dma_wait3A_40 = arith.constant 0 : i32
    %dma_wait3A_41 = tpu.memref_slice %arg2[%dma_wait3A_39, %dma_wait3A_40] : memref<10000x128xf32, #tpu.memory_space<hbm>> -> memref<10000x128xf32, #tpu.memory_space<hbm>>
    tpu.wait_indirect_dma semaphore(%arg15 : memref<!tpu.dma_semaphore, #tpu.memory_space<semaphore_mem>>) src(%dma_wait3A_41 : memref<10000x128xf32, #tpu.memory_space<hbm>>) dst(%arg11 : memref<80x128xf32, #tpu.memory_space<vmem>>)
    %mul3A_42 = arith.constant 10000 : i32
    %mul3A_43 = arith.muli %add3A, %mul3A_42 : i32
    %add3A_44 = arith.constant 9840 : i32
    %add3A_45 = arith.addi %mul3A_43, %add3A_44 : i32
    %dma_wait3A_46 = tpu.memref_slice %arg4[%add3A_45] : memref<320000xi32, #tpu.memory_space<hbm>> -> memref<80xi32, #tpu.memory_space<hbm>>
    %dma_wait3A_47 = tpu.memref_slice %arg4[%add3A_45] : memref<320000xi32, #tpu.memory_space<hbm>> -> memref<80xi32, #tpu.memory_space<hbm>>
    tpu.wait_dma2 semaphore(%arg18 : memref<!tpu.dma_semaphore, #tpu.memory_space<semaphore_mem>>) src(%dma_wait3A_47 : memref<80xi32, #tpu.memory_space<hbm>>) dst(%arg8 : memref<80xi32, #tpu.memory_space<vmem>>)
    %dma_start3A_48 = arith.constant 0 : i32
    %dma_start3A_49 = arith.constant 0 : i32
    %dma_start3A_50 = tpu.memref_slice %arg14[%dma_start3A_48, %dma_start3A_49] : memref<10000x128xf32, #tpu.memory_space<vmem_shared>> -> memref<10000x128xf32, #tpu.memory_space<vmem_shared>>
    tpu.enqueue_indirect_dma source(%arg11 : memref<80x128xf32, #tpu.memory_space<vmem>>) target(%dma_start3A_50 : memref<10000x128xf32, #tpu.memory_space<vmem_shared>>) offsets(%arg8 : memref<80xi32, #tpu.memory_space<vmem>>) semaphore(%arg21 : memref<!tpu.dma_semaphore, #tpu.memory_space<semaphore_mem>>) {add = true}
    %dma_wait3A_51 = arith.constant 9920 : i32
    %dma_wait3A_52 = tpu.memref_slice %arg7[%dma_wait3A_51] : memref<10000xi32, #tpu.memory_space<vmem>> -> memref<80xi32, #tpu.memory_space<vmem>>
    %dma_wait3A_53 = arith.constant 0 : i32
    %dma_wait3A_54 = arith.constant 0 : i32
    %dma_wait3A_55 = tpu.memref_slice %arg2[%dma_wait3A_53, %dma_wait3A_54] : memref<10000x128xf32, #tpu.memory_space<hbm>> -> memref<10000x128xf32, #tpu.memory_space<hbm>>
    tpu.wait_indirect_dma semaphore(%arg16 : memref<!tpu.dma_semaphore, #tpu.memory_space<semaphore_mem>>) src(%dma_wait3A_55 : memref<10000x128xf32, #tpu.memory_space<hbm>>) dst(%arg12 : memref<80x128xf32, #tpu.memory_space<vmem>>)
    %mul3A_56 = arith.constant 10000 : i32
    %mul3A_57 = arith.muli %add3A, %mul3A_56 : i32
    %add3A_58 = arith.constant 9920 : i32
    %add3A_59 = arith.addi %mul3A_57, %add3A_58 : i32
    %dma_wait3A_60 = tpu.memref_slice %arg4[%add3A_59] : memref<320000xi32, #tpu.memory_space<hbm>> -> memref<80xi32, #tpu.memory_space<hbm>>
    %dma_wait3A_61 = tpu.memref_slice %arg4[%add3A_59] : memref<320000xi32, #tpu.memory_space<hbm>> -> memref<80xi32, #tpu.memory_space<hbm>>
    tpu.wait_dma2 semaphore(%arg19 : memref<!tpu.dma_semaphore, #tpu.memory_space<semaphore_mem>>) src(%dma_wait3A_61 : memref<80xi32, #tpu.memory_space<hbm>>) dst(%arg9 : memref<80xi32, #tpu.memory_space<vmem>>)
    %dma_start3A_62 = arith.constant 0 : i32
    %dma_start3A_63 = arith.constant 0 : i32
    %dma_start3A_64 = tpu.memref_slice %arg14[%dma_start3A_62, %dma_start3A_63] : memref<10000x128xf32, #tpu.memory_space<vmem_shared>> -> memref<10000x128xf32, #tpu.memory_space<vmem_shared>>
    tpu.enqueue_indirect_dma source(%arg12 : memref<80x128xf32, #tpu.memory_space<vmem>>) target(%dma_start3A_64 : memref<10000x128xf32, #tpu.memory_space<vmem_shared>>) offsets(%arg9 : memref<80xi32, #tpu.memory_space<vmem>>) semaphore(%arg22 : memref<!tpu.dma_semaphore, #tpu.memory_space<semaphore_mem>>) {add = true}
    %dma_wait3A_65 = arith.constant 0 : i32
    %dma_wait3A_66 = arith.constant 0 : i32
    %dma_wait3A_67 = tpu.memref_slice %arg14[%dma_wait3A_65, %dma_wait3A_66] : memref<10000x128xf32, #tpu.memory_space<vmem_shared>> -> memref<10000x128xf32, #tpu.memory_space<vmem_shared>>
    tpu.wait_indirect_dma semaphore(%arg21 : memref<!tpu.dma_semaphore, #tpu.memory_space<semaphore_mem>>) src(%arg11 : memref<80x128xf32, #tpu.memory_space<vmem>>) dst(%dma_wait3A_67 : memref<10000x128xf32, #tpu.memory_space<vmem_shared>>)
    %dma_wait3A_68 = arith.constant 0 : i32
    %dma_wait3A_69 = arith.constant 0 : i32
    %dma_wait3A_70 = tpu.memref_slice %arg14[%dma_wait3A_68, %dma_wait3A_69] : memref<10000x128xf32, #tpu.memory_space<vmem_shared>> -> memref<10000x128xf32, #tpu.memory_space<vmem_shared>>
    tpu.wait_indirect_dma semaphore(%arg22 : memref<!tpu.dma_semaphore, #tpu.memory_space<semaphore_mem>>) src(%arg12 : memref<80x128xf32, #tpu.memory_space<vmem>>) dst(%dma_wait3A_70 : memref<10000x128xf32, #tpu.memory_space<vmem_shared>>)
    %barrier3A_71 = arith.constant 0 : index
    tpu.barrier barrier_id(%barrier3A_71)
    %scan3A_72 = arith.constant 0 : i32
    %scan3A_73 = arith.constant 0 : i32
    %scan3A_74 = arith.constant 8 : i32
    %scan3A_75 = arith.addi %scan3A_73, %scan3A_74 : i32
    %scan3A_76 = arith.constant 1 : i32
    scf.for %scan3A_78 = %scan3A_73 to %scan3A_75 step %scan3A_76  : i32 {
      %mul3A_79 = arith.constant 16 : i32
      %mul3A_80 = arith.muli %scan3A_78, %mul3A_79 : i32
      %add3A_81 = arith.addi %arg1, %mul3A_80 : i32
      %lt3A = arith.constant 125 : i32
      %lt3A_82 = arith.cmpi slt, %add3A_81, %lt3A : i32
      %convert_element_type3A = arith.extui %lt3A_82 : i1 to i32
      %cond3A = arith.constant 0 : i32
      %cond3A_83 = arith.cmpi ne, %convert_element_type3A, %cond3A : i32
      scf.if %cond3A_83 {
        %mul3A_84 = arith.constant 80 : i32
        %mul3A_85 = arith.muli %add3A_81, %mul3A_84 : i32
        "tpu.region"() ({
          %run_scoped3A = tpu.sem_alloc : memref<!tpu.dma_semaphore, #tpu.memory_space<semaphore_mem>>
          %dma_start3A_88 = arith.constant 0 : i32
          %dma_start3A_89 = tpu.memref_slice %arg14[%mul3A_85, %dma_start3A_88] : memref<10000x128xf32, #tpu.memory_space<vmem_shared>> -> memref<80x128xf32, #tpu.memory_space<vmem_shared>>
          %dma_start3A_90 = arith.constant 0 : i32
          %dma_start3A_91 = tpu.memref_slice %arg14[%mul3A_85, %dma_start3A_90] : memref<10000x128xf32, #tpu.memory_space<vmem_shared>> -> memref<80x128xf32, #tpu.memory_space<vmem_shared>>
          tpu.enqueue_dma source(%dma_start3A_91 : memref<80x128xf32, #tpu.memory_space<vmem_shared>>) target(%arg11 : memref<80x128xf32, #tpu.memory_space<vmem>>) target_semaphore(%run_scoped3A : memref<!tpu.dma_semaphore, #tpu.memory_space<semaphore_mem>>)
          %dma_wait3A_92 = arith.constant 0 : i32
          %dma_wait3A_93 = tpu.memref_slice %arg14[%mul3A_85, %dma_wait3A_92] : memref<10000x128xf32, #tpu.memory_space<vmem_shared>> -> memref<80x128xf32, #tpu.memory_space<vmem_shared>>
          %dma_wait3A_94 = arith.constant 0 : i32
          %dma_wait3A_95 = tpu.memref_slice %arg14[%mul3A_85, %dma_wait3A_94] : memref<10000x128xf32, #tpu.memory_space<vmem_shared>> -> memref<80x128xf32, #tpu.memory_space<vmem_shared>>
          tpu.wait_dma2 semaphore(%run_scoped3A : memref<!tpu.dma_semaphore, #tpu.memory_space<semaphore_mem>>) src(%dma_wait3A_95 : memref<80x128xf32, #tpu.memory_space<vmem_shared>>) dst(%arg11 : memref<80x128xf32, #tpu.memory_space<vmem>>)
          tpu.yield
        }) : () -> ()
        %mul3A_86 = arith.constant 80 : i32
        %mul3A_87 = arith.muli %add3A_81, %mul3A_86 : i32
        "tpu.region"() ({
          %run_scoped3A = tpu.sem_alloc : memref<!tpu.dma_semaphore, #tpu.memory_space<semaphore_mem>>
          %dma_start3A_88 = arith.constant 0 : i32
          %dma_start3A_89 = tpu.memref_slice %arg6[%arg0, %mul3A_87, %dma_start3A_88] : memref<2x10000x128xf32, #tpu.memory_space<hbm>> -> memref<1x80x128xf32, #tpu.memory_space<hbm>>
          %dma_start3A_90 = tpu.memref_squeeze %dma_start3A_89 : memref<1x80x128xf32, #tpu.memory_space<hbm>> -> memref<80x128xf32, #tpu.memory_space<hbm>>
          %dma_start3A_91 = arith.constant 0 : i32
          %dma_start3A_92 = tpu.memref_slice %arg6[%arg0, %mul3A_87, %dma_start3A_91] : memref<2x10000x128xf32, #tpu.memory_space<hbm>> -> memref<1x80x128xf32, #tpu.memory_space<hbm>>
          %dma_start3A_93 = tpu.memref_squeeze %dma_start3A_92 : memref<1x80x128xf32, #tpu.memory_space<hbm>> -> memref<80x128xf32, #tpu.memory_space<hbm>>
          tpu.enqueue_dma source(%arg11 : memref<80x128xf32, #tpu.memory_space<vmem>>) target(%dma_start3A_93 : memref<80x128xf32, #tpu.memory_space<hbm>>) target_semaphore(%run_scoped3A : memref<!tpu.dma_semaphore, #tpu.memory_space<semaphore_mem>>)
          %dma_wait3A_94 = arith.constant 0 : i32
          %dma_wait3A_95 = tpu.memref_slice %arg6[%arg0, %mul3A_87, %dma_wait3A_94] : memref<2x10000x128xf32, #tpu.memory_space<hbm>> -> memref<1x80x128xf32, #tpu.memory_space<hbm>>
          %dma_wait3A_96 = tpu.memref_squeeze %dma_wait3A_95 : memref<1x80x128xf32, #tpu.memory_space<hbm>> -> memref<80x128xf32, #tpu.memory_space<hbm>>
          %dma_wait3A_97 = arith.constant 0 : i32
          %dma_wait3A_98 = tpu.memref_slice %arg6[%arg0, %mul3A_87, %dma_wait3A_97] : memref<2x10000x128xf32, #tpu.memory_space<hbm>> -> memref<1x80x128xf32, #tpu.memory_space<hbm>>
          %dma_wait3A_99 = tpu.memref_squeeze %dma_wait3A_98 : memref<1x80x128xf32, #tpu.memory_space<hbm>> -> memref<80x128xf32, #tpu.memory_space<hbm>>
          tpu.wait_dma2 semaphore(%run_scoped3A : memref<!tpu.dma_semaphore, #tpu.memory_space<semaphore_mem>>) src(%arg11 : memref<80x128xf32, #tpu.memory_space<vmem>>) dst(%dma_wait3A_99 : memref<80x128xf32, #tpu.memory_space<hbm>>)
          tpu.yield
        }) : () -> ()
      } else {
      }
    }
    %scan3A_77 = arith.constant 8 : i32
    return
  }
}

#map = affine_map<(d0, d1) -> (0, 0)>
#map1 = affine_map<(d0, d1) -> (0)>
#map2 = affine_map<(d0, d1) -> (0, 0, 0)>
module attributes {stable_mosaic.version = 14 : i64} {
  func.func @_agg_kernel(%arg0: i32, %arg1: i32, %arg2: memref<10000x128xf32, #tpu.memory_space<hbm>>, %arg3: memref<320000xi32, #tpu.memory_space<hbm>>, %arg4: memref<320000xi32, #tpu.memory_space<hbm>>, %arg5: memref<80x128xf32, #tpu.memory_space<hbm>>, %arg6: memref<2x10000x128xf32, #tpu.memory_space<hbm>>, %arg7: memref<10000xi32, #tpu.memory_space<vmem>>, %arg8: memref<80xi32, #tpu.memory_space<vmem>>, %arg9: memref<80xi32, #tpu.memory_space<vmem>>, %arg10: memref<80xi32, #tpu.memory_space<vmem>>, %arg11: memref<80x128xf32, #tpu.memory_space<vmem>>, %arg12: memref<80x128xf32, #tpu.memory_space<vmem>>, %arg13: memref<80x128xf32, #tpu.memory_space<vmem>>, %arg14: memref<10000x128xf32, #tpu.memory_space<vmem_shared>>, %arg15: memref<!tpu.dma_semaphore, #tpu.memory_space<semaphore_mem>>, %arg16: memref<!tpu.dma_semaphore, #tpu.memory_space<semaphore_mem>>, %arg17: memref<!tpu.dma_semaphore, #tpu.memory_space<semaphore_mem>>, %arg18: memref<!tpu.dma_semaphore, #tpu.memory_space<semaphore_mem>>, %arg19: memref<!tpu.dma_semaphore, #tpu.memory_space<semaphore_mem>>, %arg20: memref<!tpu.dma_semaphore, #tpu.memory_space<semaphore_mem>>, %arg21: memref<!tpu.dma_semaphore, #tpu.memory_space<semaphore_mem>>, %arg22: memref<!tpu.dma_semaphore, #tpu.memory_space<semaphore_mem>>, %arg23: memref<!tpu.dma_semaphore, #tpu.memory_space<semaphore_mem>>) attributes {dimension_semantics = [#tpu.dimension_semantics<core_parallel>, #tpu.dimension_semantics<subcore_parallel>], iteration_bounds = array<i64: 2, 16>, scalar_prefetch = 0 : i64, scratch_operands = 17 : i64, tpu.core_type = #tpu.core_type<sc_vector_subcore>, window_params = [{transform_indices = #map}, {transform_indices = #map1}, {transform_indices = #map1}, {transform_indices = #map}, {transform_indices = #map2}]} {
    %mul3A = arith.constant 16 : i32
    %mul3A_0 = arith.muli %arg0, %mul3A : i32
    %add3A = arith.addi %mul3A_0, %arg1 : i32
    %mul3A_1 = arith.constant 10000 : i32
    %mul3A_2 = arith.muli %add3A, %mul3A_1 : i32
    "tpu.region"() ({
      %run_scoped3A = tpu.sem_alloc : memref<!tpu.dma_semaphore, #tpu.memory_space<semaphore_mem>>
      %dma_start3A_78 = tpu.memref_slice %arg3[%mul3A_2] : memref<320000xi32, #tpu.memory_space<hbm>> -> memref<10000xi32, #tpu.memory_space<hbm>>
      %dma_start3A_79 = tpu.memref_slice %arg3[%mul3A_2] : memref<320000xi32, #tpu.memory_space<hbm>> -> memref<10000xi32, #tpu.memory_space<hbm>>
      tpu.enqueue_dma source(%dma_start3A_79 : memref<10000xi32, #tpu.memory_space<hbm>>) target(%arg7 : memref<10000xi32, #tpu.memory_space<vmem>>) target_semaphore(%run_scoped3A : memref<!tpu.dma_semaphore, #tpu.memory_space<semaphore_mem>>)
      %dma_wait3A_80 = tpu.memref_slice %arg3[%mul3A_2] : memref<320000xi32, #tpu.memory_space<hbm>> -> memref<10000xi32, #tpu.memory_space<hbm>>
      %dma_wait3A_81 = tpu.memref_slice %arg3[%mul3A_2] : memref<320000xi32, #tpu.memory_space<hbm>> -> memref<10000xi32, #tpu.memory_space<hbm>>
      tpu.wait_dma2 semaphore(%run_scoped3A : memref<!tpu.dma_semaphore, #tpu.memory_space<semaphore_mem>>) src(%dma_wait3A_81 : memref<10000xi32, #tpu.memory_space<hbm>>) dst(%arg7 : memref<10000xi32, #tpu.memory_space<vmem>>)
      tpu.yield
    }) : () -> ()
    "tpu.region"() ({
      %run_scoped3A = tpu.sem_alloc : memref<!tpu.dma_semaphore, #tpu.memory_space<semaphore_mem>>
      tpu.enqueue_dma source(%arg5 : memref<80x128xf32, #tpu.memory_space<hbm>>) target(%arg11 : memref<80x128xf32, #tpu.memory_space<vmem>>) target_semaphore(%run_scoped3A : memref<!tpu.dma_semaphore, #tpu.memory_space<semaphore_mem>>)
      tpu.wait_dma2 semaphore(%run_scoped3A : memref<!tpu.dma_semaphore, #tpu.memory_space<semaphore_mem>>) src(%arg5 : memref<80x128xf32, #tpu.memory_space<hbm>>) dst(%arg11 : memref<80x128xf32, #tpu.memory_space<vmem>>)
      tpu.yield
    }) : () -> ()
    %scan3A = arith.constant 0 : i32
    %scan3A_3 = arith.constant 0 : i32
    %scan3A_4 = arith.constant 8 : i32
    %scan3A_5 = arith.addi %scan3A_3, %scan3A_4 : i32
    %scan3A_6 = arith.constant 1 : i32
    scf.for %scan3A_78 = %scan3A_3 to %scan3A_5 step %scan3A_6  : i32 {
      %mul3A_79 = arith.constant 16 : i32
      %mul3A_80 = arith.muli %scan3A_78, %mul3A_79 : i32
      %add3A_81 = arith.addi %arg1, %mul3A_80 : i32
      %lt3A = arith.constant 125 : i32
      %lt3A_82 = arith.cmpi slt, %add3A_81, %lt3A : i32
      %convert_element_type3A = arith.extui %lt3A_82 : i1 to i32
      %cond3A = arith.constant 0 : i32
      %cond3A_83 = arith.cmpi ne, %convert_element_type3A, %cond3A : i32
      scf.if %cond3A_83 {
        %mul3A_84 = arith.constant 80 : i32
        %mul3A_85 = arith.muli %add3A_81, %mul3A_84 : i32
        "tpu.region"() ({
          %run_scoped3A = tpu.sem_alloc : memref<!tpu.dma_semaphore, #tpu.memory_space<semaphore_mem>>
          %dma_start3A_86 = arith.constant 0 : i32
          %dma_start3A_87 = tpu.memref_slice %arg14[%mul3A_85, %dma_start3A_86] : memref<10000x128xf32, #tpu.memory_space<vmem_shared>> -> memref<80x128xf32, #tpu.memory_space<vmem_shared>>
          %dma_start3A_88 = arith.constant 0 : i32
          %dma_start3A_89 = tpu.memref_slice %arg14[%mul3A_85, %dma_start3A_88] : memref<10000x128xf32, #tpu.memory_space<vmem_shared>> -> memref<80x128xf32, #tpu.memory_space<vmem_shared>>
          tpu.enqueue_dma source(%arg11 : memref<80x128xf32, #tpu.memory_space<vmem>>) target(%dma_start3A_89 : memref<80x128xf32, #tpu.memory_space<vmem_shared>>) target_semaphore(%run_scoped3A : memref<!tpu.dma_semaphore, #tpu.memory_space<semaphore_mem>>)
          %dma_wait3A_90 = arith.constant 0 : i32
          %dma_wait3A_91 = tpu.memref_slice %arg14[%mul3A_85, %dma_wait3A_90] : memref<10000x128xf32, #tpu.memory_space<vmem_shared>> -> memref<80x128xf32, #tpu.memory_space<vmem_shared>>
          %dma_wait3A_92 = arith.constant 0 : i32
          %dma_wait3A_93 = tpu.memref_slice %arg14[%mul3A_85, %dma_wait3A_92] : memref<10000x128xf32, #tpu.memory_space<vmem_shared>> -> memref<80x128xf32, #tpu.memory_space<vmem_shared>>
          tpu.wait_dma2 semaphore(%run_scoped3A : memref<!tpu.dma_semaphore, #tpu.memory_space<semaphore_mem>>) src(%arg11 : memref<80x128xf32, #tpu.memory_space<vmem>>) dst(%dma_wait3A_93 : memref<80x128xf32, #tpu.memory_space<vmem_shared>>)
          tpu.yield
        }) : () -> ()
      } else {
      }
    }
    %scan3A_7 = arith.constant 8 : i32
    %barrier3A = arith.constant 0 : index
    tpu.barrier barrier_id(%barrier3A)
    %dma_start3A = arith.constant 0 : i32
    %dma_start3A_8 = tpu.memref_slice %arg7[%dma_start3A] : memref<10000xi32, #tpu.memory_space<vmem>> -> memref<80xi32, #tpu.memory_space<vmem>>
    %dma_start3A_9 = arith.constant 0 : i32
    %dma_start3A_10 = arith.constant 0 : i32
    %dma_start3A_11 = tpu.memref_slice %arg2[%dma_start3A_9, %dma_start3A_10] : memref<10000x128xf32, #tpu.memory_space<hbm>> -> memref<10000x128xf32, #tpu.memory_space<hbm>>
    tpu.enqueue_indirect_dma source(%dma_start3A_11 : memref<10000x128xf32, #tpu.memory_space<hbm>>) target(%arg11 : memref<80x128xf32, #tpu.memory_space<vmem>>) offsets(%dma_start3A_8 : memref<80xi32, #tpu.memory_space<vmem>>) semaphore(%arg15 : memref<!tpu.dma_semaphore, #tpu.memory_space<semaphore_mem>>)
    %mul3A_12 = arith.constant 10000 : i32
    %mul3A_13 = arith.muli %add3A, %mul3A_12 : i32
    %add3A_14 = arith.constant 0 : i32
    %add3A_15 = arith.addi %mul3A_13, %add3A_14 : i32
    %dma_start3A_16 = tpu.memref_slice %arg4[%add3A_15] : memref<320000xi32, #tpu.memory_space<hbm>> -> memref<80xi32, #tpu.memory_space<hbm>>
    %dma_start3A_17 = tpu.memref_slice %arg4[%add3A_15] : memref<320000xi32, #tpu.memory_space<hbm>> -> memref<80xi32, #tpu.memory_space<hbm>>
    tpu.enqueue_dma source(%dma_start3A_17 : memref<80xi32, #tpu.memory_space<hbm>>) target(%arg8 : memref<80xi32, #tpu.memory_space<vmem>>) target_semaphore(%arg18 : memref<!tpu.dma_semaphore, #tpu.memory_space<semaphore_mem>>)
    %dma_start3A_18 = arith.constant 80 : i32
    %dma_start3A_19 = tpu.memref_slice %arg7[%dma_start3A_18] : memref<10000xi32, #tpu.memory_space<vmem>> -> memref<80xi32, #tpu.memory_space<vmem>>
    %dma_start3A_20 = arith.constant 0 : i32
    %dma_start3A_21 = arith.constant 0 : i32
    %dma_start3A_22 = tpu.memref_slice %arg2[%dma_start3A_20, %dma_start3A_21] : memref<10000x128xf32, #tpu.memory_space<hbm>> -> memref<10000x128xf32, #tpu.memory_space<hbm>>
    tpu.enqueue_indirect_dma source(%dma_start3A_22 : memref<10000x128xf32, #tpu.memory_space<hbm>>) target(%arg12 : memref<80x128xf32, #tpu.memory_space<vmem>>) offsets(%dma_start3A_19 : memref<80xi32, #tpu.memory_space<vmem>>) semaphore(%arg16 : memref<!tpu.dma_semaphore, #tpu.memory_space<semaphore_mem>>)
    %mul3A_23 = arith.constant 10000 : i32
    %mul3A_24 = arith.muli %add3A, %mul3A_23 : i32
    %add3A_25 = arith.constant 80 : i32
    %add3A_26 = arith.addi %mul3A_24, %add3A_25 : i32
    %dma_start3A_27 = tpu.memref_slice %arg4[%add3A_26] : memref<320000xi32, #tpu.memory_space<hbm>> -> memref<80xi32, #tpu.memory_space<hbm>>
    %dma_start3A_28 = tpu.memref_slice %arg4[%add3A_26] : memref<320000xi32, #tpu.memory_space<hbm>> -> memref<80xi32, #tpu.memory_space<hbm>>
    tpu.enqueue_dma source(%dma_start3A_28 : memref<80xi32, #tpu.memory_space<hbm>>) target(%arg9 : memref<80xi32, #tpu.memory_space<vmem>>) target_semaphore(%arg19 : memref<!tpu.dma_semaphore, #tpu.memory_space<semaphore_mem>>)
    %scan3A_29 = arith.constant 0 : i32
    %scan3A_30 = arith.constant 0 : i32
    %scan3A_31 = arith.constant 41 : i32
    %scan3A_32 = arith.addi %scan3A_30, %scan3A_31 : i32
    %scan3A_33 = arith.constant 1 : i32
    scf.for %scan3A_78 = %scan3A_30 to %scan3A_32 step %scan3A_33  : i32 {
      %mul3A_79 = arith.constant 3 : i32
      %mul3A_80 = arith.muli %mul3A_79, %scan3A_78 : i32
      %ge3A = arith.constant 1 : i32
      %ge3A_81 = arith.cmpi sge, %mul3A_80, %ge3A : i32
      %convert_element_type3A = arith.extui %ge3A_81 : i1 to i32
      %cond3A = arith.constant 0 : i32
      %cond3A_82 = arith.cmpi ne, %convert_element_type3A, %cond3A : i32
      scf.if %cond3A_82 {
        %dma_wait3A_196 = arith.constant 0 : i32
        %dma_wait3A_197 = arith.constant 0 : i32
        %dma_wait3A_198 = tpu.memref_slice %arg14[%dma_wait3A_196, %dma_wait3A_197] : memref<10000x128xf32, #tpu.memory_space<vmem_shared>> -> memref<10000x128xf32, #tpu.memory_space<vmem_shared>>
        tpu.wait_indirect_dma semaphore(%arg23 : memref<!tpu.dma_semaphore, #tpu.memory_space<semaphore_mem>>) src(%arg13 : memref<80x128xf32, #tpu.memory_space<vmem>>) dst(%dma_wait3A_198 : memref<10000x128xf32, #tpu.memory_space<vmem_shared>>)
      } else {
      }
      %add3A_83 = arith.constant 2 : i32
      %add3A_84 = arith.addi %mul3A_80, %add3A_83 : i32
      %mul3A_85 = arith.constant 80 : i32
      %mul3A_86 = arith.muli %add3A_84, %mul3A_85 : i32
      %dma_start3A_87 = tpu.memref_slice %arg7[%mul3A_86] : memref<10000xi32, #tpu.memory_space<vmem>> -> memref<80xi32, #tpu.memory_space<vmem>>
      %dma_start3A_88 = arith.constant 0 : i32
      %dma_start3A_89 = arith.constant 0 : i32
      %dma_start3A_90 = tpu.memref_slice %arg2[%dma_start3A_88, %dma_start3A_89] : memref<10000x128xf32, #tpu.memory_space<hbm>> -> memref<10000x128xf32, #tpu.memory_space<hbm>>
      tpu.enqueue_indirect_dma source(%dma_start3A_90 : memref<10000x128xf32, #tpu.memory_space<hbm>>) target(%arg13 : memref<80x128xf32, #tpu.memory_space<vmem>>) offsets(%dma_start3A_87 : memref<80xi32, #tpu.memory_space<vmem>>) semaphore(%arg17 : memref<!tpu.dma_semaphore, #tpu.memory_space<semaphore_mem>>)
      %add3A_91 = arith.constant 2 : i32
      %add3A_92 = arith.addi %mul3A_80, %add3A_91 : i32
      %mul3A_93 = arith.constant 10000 : i32
      %mul3A_94 = arith.muli %add3A, %mul3A_93 : i32
      %mul3A_95 = arith.constant 80 : i32
      %mul3A_96 = arith.muli %add3A_92, %mul3A_95 : i32
      %add3A_97 = arith.addi %mul3A_94, %mul3A_96 : i32
      %dma_start3A_98 = tpu.memref_slice %arg4[%add3A_97] : memref<320000xi32, #tpu.memory_space<hbm>> -> memref<80xi32, #tpu.memory_space<hbm>>
      %dma_start3A_99 = tpu.memref_slice %arg4[%add3A_97] : memref<320000xi32, #tpu.memory_space<hbm>> -> memref<80xi32, #tpu.memory_space<hbm>>
      tpu.enqueue_dma source(%dma_start3A_99 : memref<80xi32, #tpu.memory_space<hbm>>) target(%arg10 : memref<80xi32, #tpu.memory_space<vmem>>) target_semaphore(%arg20 : memref<!tpu.dma_semaphore, #tpu.memory_space<semaphore_mem>>)
      %mul3A_100 = arith.constant 80 : i32
      %mul3A_101 = arith.muli %mul3A_80, %mul3A_100 : i32
      %dma_wait3A_102 = tpu.memref_slice %arg7[%mul3A_101] : memref<10000xi32, #tpu.memory_space<vmem>> -> memref<80xi32, #tpu.memory_space<vmem>>
      %dma_wait3A_103 = arith.constant 0 : i32
      %dma_wait3A_104 = arith.constant 0 : i32
      %dma_wait3A_105 = tpu.memref_slice %arg2[%dma_wait3A_103, %dma_wait3A_104] : memref<10000x128xf32, #tpu.memory_space<hbm>> -> memref<10000x128xf32, #tpu.memory_space<hbm>>
      tpu.wait_indirect_dma semaphore(%arg15 : memref<!tpu.dma_semaphore, #tpu.memory_space<semaphore_mem>>) src(%dma_wait3A_105 : memref<10000x128xf32, #tpu.memory_space<hbm>>) dst(%arg11 : memref<80x128xf32, #tpu.memory_space<vmem>>)
      %mul3A_106 = arith.constant 10000 : i32
      %mul3A_107 = arith.muli %add3A, %mul3A_106 : i32
      %mul3A_108 = arith.constant 80 : i32
      %mul3A_109 = arith.muli %mul3A_80, %mul3A_108 : i32
      %add3A_110 = arith.addi %mul3A_107, %mul3A_109 : i32
      %dma_wait3A_111 = tpu.memref_slice %arg4[%add3A_110] : memref<320000xi32, #tpu.memory_space<hbm>> -> memref<80xi32, #tpu.memory_space<hbm>>
      %dma_wait3A_112 = tpu.memref_slice %arg4[%add3A_110] : memref<320000xi32, #tpu.memory_space<hbm>> -> memref<80xi32, #tpu.memory_space<hbm>>
      tpu.wait_dma2 semaphore(%arg18 : memref<!tpu.dma_semaphore, #tpu.memory_space<semaphore_mem>>) src(%dma_wait3A_112 : memref<80xi32, #tpu.memory_space<hbm>>) dst(%arg8 : memref<80xi32, #tpu.memory_space<vmem>>)
      %dma_start3A_113 = arith.constant 0 : i32
      %dma_start3A_114 = arith.constant 0 : i32
      %dma_start3A_115 = tpu.memref_slice %arg14[%dma_start3A_113, %dma_start3A_114] : memref<10000x128xf32, #tpu.memory_space<vmem_shared>> -> memref<10000x128xf32, #tpu.memory_space<vmem_shared>>
      tpu.enqueue_indirect_dma source(%arg11 : memref<80x128xf32, #tpu.memory_space<vmem>>) target(%dma_start3A_115 : memref<10000x128xf32, #tpu.memory_space<vmem_shared>>) offsets(%arg8 : memref<80xi32, #tpu.memory_space<vmem>>) semaphore(%arg21 : memref<!tpu.dma_semaphore, #tpu.memory_space<semaphore_mem>>) {add = true}
      %add3A_116 = arith.constant 1 : i32
      %add3A_117 = arith.addi %mul3A_80, %add3A_116 : i32
      %ge3A_118 = arith.constant 1 : i32
      %ge3A_119 = arith.cmpi sge, %add3A_117, %ge3A_118 : i32
      %convert_element_type3A_120 = arith.extui %ge3A_119 : i1 to i32
      %cond3A_121 = arith.constant 0 : i32
      %cond3A_122 = arith.cmpi ne, %convert_element_type3A_120, %cond3A_121 : i32
      scf.if %cond3A_122 {
        %dma_wait3A_196 = arith.constant 0 : i32
        %dma_wait3A_197 = arith.constant 0 : i32
        %dma_wait3A_198 = tpu.memref_slice %arg14[%dma_wait3A_196, %dma_wait3A_197] : memref<10000x128xf32, #tpu.memory_space<vmem_shared>> -> memref<10000x128xf32, #tpu.memory_space<vmem_shared>>
        tpu.wait_indirect_dma semaphore(%arg21 : memref<!tpu.dma_semaphore, #tpu.memory_space<semaphore_mem>>) src(%arg11 : memref<80x128xf32, #tpu.memory_space<vmem>>) dst(%dma_wait3A_198 : memref<10000x128xf32, #tpu.memory_space<vmem_shared>>)
      } else {
      }
      %add3A_123 = arith.constant 2 : i32
      %add3A_124 = arith.addi %add3A_117, %add3A_123 : i32
      %mul3A_125 = arith.constant 80 : i32
      %mul3A_126 = arith.muli %add3A_124, %mul3A_125 : i32
      %dma_start3A_127 = tpu.memref_slice %arg7[%mul3A_126] : memref<10000xi32, #tpu.memory_space<vmem>> -> memref<80xi32, #tpu.memory_space<vmem>>
      %dma_start3A_128 = arith.constant 0 : i32
      %dma_start3A_129 = arith.constant 0 : i32
      %dma_start3A_130 = tpu.memref_slice %arg2[%dma_start3A_128, %dma_start3A_129] : memref<10000x128xf32, #tpu.memory_space<hbm>> -> memref<10000x128xf32, #tpu.memory_space<hbm>>
      tpu.enqueue_indirect_dma source(%dma_start3A_130 : memref<10000x128xf32, #tpu.memory_space<hbm>>) target(%arg11 : memref<80x128xf32, #tpu.memory_space<vmem>>) offsets(%dma_start3A_127 : memref<80xi32, #tpu.memory_space<vmem>>) semaphore(%arg15 : memref<!tpu.dma_semaphore, #tpu.memory_space<semaphore_mem>>)
      %add3A_131 = arith.constant 2 : i32
      %add3A_132 = arith.addi %add3A_117, %add3A_131 : i32
      %mul3A_133 = arith.constant 10000 : i32
      %mul3A_134 = arith.muli %add3A, %mul3A_133 : i32
      %mul3A_135 = arith.constant 80 : i32
      %mul3A_136 = arith.muli %add3A_132, %mul3A_135 : i32
      %add3A_137 = arith.addi %mul3A_134, %mul3A_136 : i32
      %dma_start3A_138 = tpu.memref_slice %arg4[%add3A_137] : memref<320000xi32, #tpu.memory_space<hbm>> -> memref<80xi32, #tpu.memory_space<hbm>>
      %dma_start3A_139 = tpu.memref_slice %arg4[%add3A_137] : memref<320000xi32, #tpu.memory_space<hbm>> -> memref<80xi32, #tpu.memory_space<hbm>>
      tpu.enqueue_dma source(%dma_start3A_139 : memref<80xi32, #tpu.memory_space<hbm>>) target(%arg8 : memref<80xi32, #tpu.memory_space<vmem>>) target_semaphore(%arg18 : memref<!tpu.dma_semaphore, #tpu.memory_space<semaphore_mem>>)
      %mul3A_140 = arith.constant 80 : i32
      %mul3A_141 = arith.muli %add3A_117, %mul3A_140 : i32
      %dma_wait3A_142 = tpu.memref_slice %arg7[%mul3A_141] : memref<10000xi32, #tpu.memory_space<vmem>> -> memref<80xi32, #tpu.memory_space<vmem>>
      %dma_wait3A_143 = arith.constant 0 : i32
      %dma_wait3A_144 = arith.constant 0 : i32
      %dma_wait3A_145 = tpu.memref_slice %arg2[%dma_wait3A_143, %dma_wait3A_144] : memref<10000x128xf32, #tpu.memory_space<hbm>> -> memref<10000x128xf32, #tpu.memory_space<hbm>>
      tpu.wait_indirect_dma semaphore(%arg16 : memref<!tpu.dma_semaphore, #tpu.memory_space<semaphore_mem>>) src(%dma_wait3A_145 : memref<10000x128xf32, #tpu.memory_space<hbm>>) dst(%arg12 : memref<80x128xf32, #tpu.memory_space<vmem>>)
      %mul3A_146 = arith.constant 10000 : i32
      %mul3A_147 = arith.muli %add3A, %mul3A_146 : i32
      %mul3A_148 = arith.constant 80 : i32
      %mul3A_149 = arith.muli %add3A_117, %mul3A_148 : i32
      %add3A_150 = arith.addi %mul3A_147, %mul3A_149 : i32
      %dma_wait3A_151 = tpu.memref_slice %arg4[%add3A_150] : memref<320000xi32, #tpu.memory_space<hbm>> -> memref<80xi32, #tpu.memory_space<hbm>>
      %dma_wait3A_152 = tpu.memref_slice %arg4[%add3A_150] : memref<320000xi32, #tpu.memory_space<hbm>> -> memref<80xi32, #tpu.memory_space<hbm>>
      tpu.wait_dma2 semaphore(%arg19 : memref<!tpu.dma_semaphore, #tpu.memory_space<semaphore_mem>>) src(%dma_wait3A_152 : memref<80xi32, #tpu.memory_space<hbm>>) dst(%arg9 : memref<80xi32, #tpu.memory_space<vmem>>)
      %dma_start3A_153 = arith.constant 0 : i32
      %dma_start3A_154 = arith.constant 0 : i32
      %dma_start3A_155 = tpu.memref_slice %arg14[%dma_start3A_153, %dma_start3A_154] : memref<10000x128xf32, #tpu.memory_space<vmem_shared>> -> memref<10000x128xf32, #tpu.memory_space<vmem_shared>>
      tpu.enqueue_indirect_dma source(%arg12 : memref<80x128xf32, #tpu.memory_space<vmem>>) target(%dma_start3A_155 : memref<10000x128xf32, #tpu.memory_space<vmem_shared>>) offsets(%arg9 : memref<80xi32, #tpu.memory_space<vmem>>) semaphore(%arg22 : memref<!tpu.dma_semaphore, #tpu.memory_space<semaphore_mem>>) {add = true}
      %add3A_156 = arith.constant 2 : i32
      %add3A_157 = arith.addi %mul3A_80, %add3A_156 : i32
      %ge3A_158 = arith.constant 1 : i32
      %ge3A_159 = arith.cmpi sge, %add3A_157, %ge3A_158 : i32
      %convert_element_type3A_160 = arith.extui %ge3A_159 : i1 to i32
      %cond3A_161 = arith.constant 0 : i32
      %cond3A_162 = arith.cmpi ne, %convert_element_type3A_160, %cond3A_161 : i32
      scf.if %cond3A_162 {
        %dma_wait3A_196 = arith.constant 0 : i32
        %dma_wait3A_197 = arith.constant 0 : i32
        %dma_wait3A_198 = tpu.memref_slice %arg14[%dma_wait3A_196, %dma_wait3A_197] : memref<10000x128xf32, #tpu.memory_space<vmem_shared>> -> memref<10000x128xf32, #tpu.memory_space<vmem_shared>>
        tpu.wait_indirect_dma semaphore(%arg22 : memref<!tpu.dma_semaphore, #tpu.memory_space<semaphore_mem>>) src(%arg12 : memref<80x128xf32, #tpu.memory_space<vmem>>) dst(%dma_wait3A_198 : memref<10000x128xf32, #tpu.memory_space<vmem_shared>>)
      } else {
      }
      %add3A_163 = arith.constant 2 : i32
      %add3A_164 = arith.addi %add3A_157, %add3A_163 : i32
      %mul3A_165 = arith.constant 80 : i32
      %mul3A_166 = arith.muli %add3A_164, %mul3A_165 : i32
      %dma_start3A_167 = tpu.memref_slice %arg7[%mul3A_166] : memref<10000xi32, #tpu.memory_space<vmem>> -> memref<80xi32, #tpu.memory_space<vmem>>
      %dma_start3A_168 = arith.constant 0 : i32
      %dma_start3A_169 = arith.constant 0 : i32
      %dma_start3A_170 = tpu.memref_slice %arg2[%dma_start3A_168, %dma_start3A_169] : memref<10000x128xf32, #tpu.memory_space<hbm>> -> memref<10000x128xf32, #tpu.memory_space<hbm>>
      tpu.enqueue_indirect_dma source(%dma_start3A_170 : memref<10000x128xf32, #tpu.memory_space<hbm>>) target(%arg12 : memref<80x128xf32, #tpu.memory_space<vmem>>) offsets(%dma_start3A_167 : memref<80xi32, #tpu.memory_space<vmem>>) semaphore(%arg16 : memref<!tpu.dma_semaphore, #tpu.memory_space<semaphore_mem>>)
      %add3A_171 = arith.constant 2 : i32
      %add3A_172 = arith.addi %add3A_157, %add3A_171 : i32
      %mul3A_173 = arith.constant 10000 : i32
      %mul3A_174 = arith.muli %add3A, %mul3A_173 : i32
      %mul3A_175 = arith.constant 80 : i32
      %mul3A_176 = arith.muli %add3A_172, %mul3A_175 : i32
      %add3A_177 = arith.addi %mul3A_174, %mul3A_176 : i32
      %dma_start3A_178 = tpu.memref_slice %arg4[%add3A_177] : memref<320000xi32, #tpu.memory_space<hbm>> -> memref<80xi32, #tpu.memory_space<hbm>>
      %dma_start3A_179 = tpu.memref_slice %arg4[%add3A_177] : memref<320000xi32, #tpu.memory_space<hbm>> -> memref<80xi32, #tpu.memory_space<hbm>>
      tpu.enqueue_dma source(%dma_start3A_179 : memref<80xi32, #tpu.memory_space<hbm>>) target(%arg9 : memref<80xi32, #tpu.memory_space<vmem>>) target_semaphore(%arg19 : memref<!tpu.dma_semaphore, #tpu.memory_space<semaphore_mem>>)
      %mul3A_180 = arith.constant 80 : i32
      %mul3A_181 = arith.muli %add3A_157, %mul3A_180 : i32
      %dma_wait3A_182 = tpu.memref_slice %arg7[%mul3A_181] : memref<10000xi32, #tpu.memory_space<vmem>> -> memref<80xi32, #tpu.memory_space<vmem>>
      %dma_wait3A_183 = arith.constant 0 : i32
      %dma_wait3A_184 = arith.constant 0 : i32
      %dma_wait3A_185 = tpu.memref_slice %arg2[%dma_wait3A_183, %dma_wait3A_184] : memref<10000x128xf32, #tpu.memory_space<hbm>> -> memref<10000x128xf32, #tpu.memory_space<hbm>>
      tpu.wait_indirect_dma semaphore(%arg17 : memref<!tpu.dma_semaphore, #tpu.memory_space<semaphore_mem>>) src(%dma_wait3A_185 : memref<10000x128xf32, #tpu.memory_space<hbm>>) dst(%arg13 : memref<80x128xf32, #tpu.memory_space<vmem>>)
      %mul3A_186 = arith.constant 10000 : i32
      %mul3A_187 = arith.muli %add3A, %mul3A_186 : i32
      %mul3A_188 = arith.constant 80 : i32
      %mul3A_189 = arith.muli %add3A_157, %mul3A_188 : i32
      %add3A_190 = arith.addi %mul3A_187, %mul3A_189 : i32
      %dma_wait3A_191 = tpu.memref_slice %arg4[%add3A_190] : memref<320000xi32, #tpu.memory_space<hbm>> -> memref<80xi32, #tpu.memory_space<hbm>>
      %dma_wait3A_192 = tpu.memref_slice %arg4[%add3A_190] : memref<320000xi32, #tpu.memory_space<hbm>> -> memref<80xi32, #tpu.memory_space<hbm>>
      tpu.wait_dma2 semaphore(%arg20 : memref<!tpu.dma_semaphore, #tpu.memory_space<semaphore_mem>>) src(%dma_wait3A_192 : memref<80xi32, #tpu.memory_space<hbm>>) dst(%arg10 : memref<80xi32, #tpu.memory_space<vmem>>)
      %dma_start3A_193 = arith.constant 0 : i32
      %dma_start3A_194 = arith.constant 0 : i32
      %dma_start3A_195 = tpu.memref_slice %arg14[%dma_start3A_193, %dma_start3A_194] : memref<10000x128xf32, #tpu.memory_space<vmem_shared>> -> memref<10000x128xf32, #tpu.memory_space<vmem_shared>>
      tpu.enqueue_indirect_dma source(%arg13 : memref<80x128xf32, #tpu.memory_space<vmem>>) target(%dma_start3A_195 : memref<10000x128xf32, #tpu.memory_space<vmem_shared>>) offsets(%arg10 : memref<80xi32, #tpu.memory_space<vmem>>) semaphore(%arg23 : memref<!tpu.dma_semaphore, #tpu.memory_space<semaphore_mem>>) {add = true}
    }
    %scan3A_34 = arith.constant 41 : i32
    %dma_wait3A = arith.constant 0 : i32
    %dma_wait3A_35 = arith.constant 0 : i32
    %dma_wait3A_36 = tpu.memref_slice %arg14[%dma_wait3A, %dma_wait3A_35] : memref<10000x128xf32, #tpu.memory_space<vmem_shared>> -> memref<10000x128xf32, #tpu.memory_space<vmem_shared>>
    tpu.wait_indirect_dma semaphore(%arg23 : memref<!tpu.dma_semaphore, #tpu.memory_space<semaphore_mem>>) src(%arg13 : memref<80x128xf32, #tpu.memory_space<vmem>>) dst(%dma_wait3A_36 : memref<10000x128xf32, #tpu.memory_space<vmem_shared>>)
    %dma_wait3A_37 = arith.constant 9840 : i32
    %dma_wait3A_38 = tpu.memref_slice %arg7[%dma_wait3A_37] : memref<10000xi32, #tpu.memory_space<vmem>> -> memref<80xi32, #tpu.memory_space<vmem>>
    %dma_wait3A_39 = arith.constant 0 : i32
    %dma_wait3A_40 = arith.constant 0 : i32
    %dma_wait3A_41 = tpu.memref_slice %arg2[%dma_wait3A_39, %dma_wait3A_40] : memref<10000x128xf32, #tpu.memory_space<hbm>> -> memref<10000x128xf32, #tpu.memory_space<hbm>>
    tpu.wait_indirect_dma semaphore(%arg15 : memref<!tpu.dma_semaphore, #tpu.memory_space<semaphore_mem>>) src(%dma_wait3A_41 : memref<10000x128xf32, #tpu.memory_space<hbm>>) dst(%arg11 : memref<80x128xf32, #tpu.memory_space<vmem>>)
    %mul3A_42 = arith.constant 10000 : i32
    %mul3A_43 = arith.muli %add3A, %mul3A_42 : i32
    %add3A_44 = arith.constant 9840 : i32
    %add3A_45 = arith.addi %mul3A_43, %add3A_44 : i32
    %dma_wait3A_46 = tpu.memref_slice %arg4[%add3A_45] : memref<320000xi32, #tpu.memory_space<hbm>> -> memref<80xi32, #tpu.memory_space<hbm>>
    %dma_wait3A_47 = tpu.memref_slice %arg4[%add3A_45] : memref<320000xi32, #tpu.memory_space<hbm>> -> memref<80xi32, #tpu.memory_space<hbm>>
    tpu.wait_dma2 semaphore(%arg18 : memref<!tpu.dma_semaphore, #tpu.memory_space<semaphore_mem>>) src(%dma_wait3A_47 : memref<80xi32, #tpu.memory_space<hbm>>) dst(%arg8 : memref<80xi32, #tpu.memory_space<vmem>>)
    %dma_start3A_48 = arith.constant 0 : i32
    %dma_start3A_49 = arith.constant 0 : i32
    %dma_start3A_50 = tpu.memref_slice %arg14[%dma_start3A_48, %dma_start3A_49] : memref<10000x128xf32, #tpu.memory_space<vmem_shared>> -> memref<10000x128xf32, #tpu.memory_space<vmem_shared>>
    tpu.enqueue_indirect_dma source(%arg11 : memref<80x128xf32, #tpu.memory_space<vmem>>) target(%dma_start3A_50 : memref<10000x128xf32, #tpu.memory_space<vmem_shared>>) offsets(%arg8 : memref<80xi32, #tpu.memory_space<vmem>>) semaphore(%arg21 : memref<!tpu.dma_semaphore, #tpu.memory_space<semaphore_mem>>) {add = true}
    %dma_wait3A_51 = arith.constant 9920 : i32
    %dma_wait3A_52 = tpu.memref_slice %arg7[%dma_wait3A_51] : memref<10000xi32, #tpu.memory_space<vmem>> -> memref<80xi32, #tpu.memory_space<vmem>>
    %dma_wait3A_53 = arith.constant 0 : i32
    %dma_wait3A_54 = arith.constant 0 : i32
    %dma_wait3A_55 = tpu.memref_slice %arg2[%dma_wait3A_53, %dma_wait3A_54] : memref<10000x128xf32, #tpu.memory_space<hbm>> -> memref<10000x128xf32, #tpu.memory_space<hbm>>
    tpu.wait_indirect_dma semaphore(%arg16 : memref<!tpu.dma_semaphore, #tpu.memory_space<semaphore_mem>>) src(%dma_wait3A_55 : memref<10000x128xf32, #tpu.memory_space<hbm>>) dst(%arg12 : memref<80x128xf32, #tpu.memory_space<vmem>>)
    %mul3A_56 = arith.constant 10000 : i32
    %mul3A_57 = arith.muli %add3A, %mul3A_56 : i32
    %add3A_58 = arith.constant 9920 : i32
    %add3A_59 = arith.addi %mul3A_57, %add3A_58 : i32
    %dma_wait3A_60 = tpu.memref_slice %arg4[%add3A_59] : memref<320000xi32, #tpu.memory_space<hbm>> -> memref<80xi32, #tpu.memory_space<hbm>>
    %dma_wait3A_61 = tpu.memref_slice %arg4[%add3A_59] : memref<320000xi32, #tpu.memory_space<hbm>> -> memref<80xi32, #tpu.memory_space<hbm>>
    tpu.wait_dma2 semaphore(%arg19 : memref<!tpu.dma_semaphore, #tpu.memory_space<semaphore_mem>>) src(%dma_wait3A_61 : memref<80xi32, #tpu.memory_space<hbm>>) dst(%arg9 : memref<80xi32, #tpu.memory_space<vmem>>)
    %dma_start3A_62 = arith.constant 0 : i32
    %dma_start3A_63 = arith.constant 0 : i32
    %dma_start3A_64 = tpu.memref_slice %arg14[%dma_start3A_62, %dma_start3A_63] : memref<10000x128xf32, #tpu.memory_space<vmem_shared>> -> memref<10000x128xf32, #tpu.memory_space<vmem_shared>>
    tpu.enqueue_indirect_dma source(%arg12 : memref<80x128xf32, #tpu.memory_space<vmem>>) target(%dma_start3A_64 : memref<10000x128xf32, #tpu.memory_space<vmem_shared>>) offsets(%arg9 : memref<80xi32, #tpu.memory_space<vmem>>) semaphore(%arg22 : memref<!tpu.dma_semaphore, #tpu.memory_space<semaphore_mem>>) {add = true}
    %dma_wait3A_65 = arith.constant 0 : i32
    %dma_wait3A_66 = arith.constant 0 : i32
    %dma_wait3A_67 = tpu.memref_slice %arg14[%dma_wait3A_65, %dma_wait3A_66] : memref<10000x128xf32, #tpu.memory_space<vmem_shared>> -> memref<10000x128xf32, #tpu.memory_space<vmem_shared>>
    tpu.wait_indirect_dma semaphore(%arg21 : memref<!tpu.dma_semaphore, #tpu.memory_space<semaphore_mem>>) src(%arg11 : memref<80x128xf32, #tpu.memory_space<vmem>>) dst(%dma_wait3A_67 : memref<10000x128xf32, #tpu.memory_space<vmem_shared>>)
    %dma_wait3A_68 = arith.constant 0 : i32
    %dma_wait3A_69 = arith.constant 0 : i32
    %dma_wait3A_70 = tpu.memref_slice %arg14[%dma_wait3A_68, %dma_wait3A_69] : memref<10000x128xf32, #tpu.memory_space<vmem_shared>> -> memref<10000x128xf32, #tpu.memory_space<vmem_shared>>
    tpu.wait_indirect_dma semaphore(%arg22 : memref<!tpu.dma_semaphore, #tpu.memory_space<semaphore_mem>>) src(%arg12 : memref<80x128xf32, #tpu.memory_space<vmem>>) dst(%dma_wait3A_70 : memref<10000x128xf32, #tpu.memory_space<vmem_shared>>)
    %barrier3A_71 = arith.constant 0 : index
    tpu.barrier barrier_id(%barrier3A_71)
    %scan3A_72 = arith.constant 0 : i32
    %scan3A_73 = arith.constant 0 : i32
    %scan3A_74 = arith.constant 8 : i32
    %scan3A_75 = arith.addi %scan3A_73, %scan3A_74 : i32
    %scan3A_76 = arith.constant 1 : i32
    scf.for %scan3A_78 = %scan3A_73 to %scan3A_75 step %scan3A_76  : i32 {
      %mul3A_79 = arith.constant 16 : i32
      %mul3A_80 = arith.muli %scan3A_78, %mul3A_79 : i32
      %add3A_81 = arith.addi %arg1, %mul3A_80 : i32
      %lt3A = arith.constant 125 : i32
      %lt3A_82 = arith.cmpi slt, %add3A_81, %lt3A : i32
      %convert_element_type3A = arith.extui %lt3A_82 : i1 to i32
      %cond3A = arith.constant 0 : i32
      %cond3A_83 = arith.cmpi ne, %convert_element_type3A, %cond3A : i32
      scf.if %cond3A_83 {
        %mul3A_84 = arith.constant 80 : i32
        %mul3A_85 = arith.muli %add3A_81, %mul3A_84 : i32
        "tpu.region"() ({
          %run_scoped3A = tpu.sem_alloc : memref<!tpu.dma_semaphore, #tpu.memory_space<semaphore_mem>>
          %dma_start3A_88 = arith.constant 0 : i32
          %dma_start3A_89 = tpu.memref_slice %arg14[%mul3A_85, %dma_start3A_88] : memref<10000x128xf32, #tpu.memory_space<vmem_shared>> -> memref<80x128xf32, #tpu.memory_space<vmem_shared>>
          %dma_start3A_90 = arith.constant 0 : i32
          %dma_start3A_91 = tpu.memref_slice %arg14[%mul3A_85, %dma_start3A_90] : memref<10000x128xf32, #tpu.memory_space<vmem_shared>> -> memref<80x128xf32, #tpu.memory_space<vmem_shared>>
          tpu.enqueue_dma source(%dma_start3A_91 : memref<80x128xf32, #tpu.memory_space<vmem_shared>>) target(%arg11 : memref<80x128xf32, #tpu.memory_space<vmem>>) target_semaphore(%run_scoped3A : memref<!tpu.dma_semaphore, #tpu.memory_space<semaphore_mem>>)
          %dma_wait3A_92 = arith.constant 0 : i32
          %dma_wait3A_93 = tpu.memref_slice %arg14[%mul3A_85, %dma_wait3A_92] : memref<10000x128xf32, #tpu.memory_space<vmem_shared>> -> memref<80x128xf32, #tpu.memory_space<vmem_shared>>
          %dma_wait3A_94 = arith.constant 0 : i32
          %dma_wait3A_95 = tpu.memref_slice %arg14[%mul3A_85, %dma_wait3A_94] : memref<10000x128xf32, #tpu.memory_space<vmem_shared>> -> memref<80x128xf32, #tpu.memory_space<vmem_shared>>
          tpu.wait_dma2 semaphore(%run_scoped3A : memref<!tpu.dma_semaphore, #tpu.memory_space<semaphore_mem>>) src(%dma_wait3A_95 : memref<80x128xf32, #tpu.memory_space<vmem_shared>>) dst(%arg11 : memref<80x128xf32, #tpu.memory_space<vmem>>)
          tpu.yield
        }) : () -> ()
        %mul3A_86 = arith.constant 80 : i32
        %mul3A_87 = arith.muli %add3A_81, %mul3A_86 : i32
        "tpu.region"() ({
          %run_scoped3A = tpu.sem_alloc : memref<!tpu.dma_semaphore, #tpu.memory_space<semaphore_mem>>
          %dma_start3A_88 = arith.constant 0 : i32
          %dma_start3A_89 = tpu.memref_slice %arg6[%arg0, %mul3A_87, %dma_start3A_88] : memref<2x10000x128xf32, #tpu.memory_space<hbm>> -> memref<1x80x128xf32, #tpu.memory_space<hbm>>
          %dma_start3A_90 = tpu.memref_squeeze %dma_start3A_89 : memref<1x80x128xf32, #tpu.memory_space<hbm>> -> memref<80x128xf32, #tpu.memory_space<hbm>>
          %dma_start3A_91 = arith.constant 0 : i32
          %dma_start3A_92 = tpu.memref_slice %arg6[%arg0, %mul3A_87, %dma_start3A_91] : memref<2x10000x128xf32, #tpu.memory_space<hbm>> -> memref<1x80x128xf32, #tpu.memory_space<hbm>>
          %dma_start3A_93 = tpu.memref_squeeze %dma_start3A_92 : memref<1x80x128xf32, #tpu.memory_space<hbm>> -> memref<80x128xf32, #tpu.memory_space<hbm>>
          tpu.enqueue_dma source(%arg11 : memref<80x128xf32, #tpu.memory_space<vmem>>) target(%dma_start3A_93 : memref<80x128xf32, #tpu.memory_space<hbm>>) target_semaphore(%run_scoped3A : memref<!tpu.dma_semaphore, #tpu.memory_space<semaphore_mem>>)
          %dma_wait3A_94 = arith.constant 0 : i32
          %dma_wait3A_95 = tpu.memref_slice %arg6[%arg0, %mul3A_87, %dma_wait3A_94] : memref<2x10000x128xf32, #tpu.memory_space<hbm>> -> memref<1x80x128xf32, #tpu.memory_space<hbm>>
          %dma_wait3A_96 = tpu.memref_squeeze %dma_wait3A_95 : memref<1x80x128xf32, #tpu.memory_space<hbm>> -> memref<80x128xf32, #tpu.memory_space<hbm>>
          %dma_wait3A_97 = arith.constant 0 : i32
          %dma_wait3A_98 = tpu.memref_slice %arg6[%arg0, %mul3A_87, %dma_wait3A_97] : memref<2x10000x128xf32, #tpu.memory_space<hbm>> -> memref<1x80x128xf32, #tpu.memory_space<hbm>>
          %dma_wait3A_99 = tpu.memref_squeeze %dma_wait3A_98 : memref<1x80x128xf32, #tpu.memory_space<hbm>> -> memref<80x128xf32, #tpu.memory_space<hbm>>
          tpu.wait_dma2 semaphore(%run_scoped3A : memref<!tpu.dma_semaphore, #tpu.memory_space<semaphore_mem>>) src(%arg11 : memref<80x128xf32, #tpu.memory_space<vmem>>) dst(%dma_wait3A_99 : memref<80x128xf32, #tpu.memory_space<hbm>>)
          tpu.yield
        }) : () -> ()
      } else {
      }
    }
    %scan3A_77 = arith.constant 8 : i32
    return
  }
}

#map = affine_map<(d0, d1) -> (0, 0, 0)>
#map1 = affine_map<(d0, d1) -> (0)>
module attributes {stable_mosaic.version = 14 : i64} {
  func.func @_deg_kernel(%arg0: i32, %arg1: i32, %arg2: memref<32x125x80xi32, #tpu.memory_space<hbm>>, %arg3: memref<32x125x80xi32, #tpu.memory_space<hbm>>, %arg4: memref<20000xf32, #tpu.memory_space<hbm>>, %arg5: memref<20000xf32, #tpu.memory_space<hbm>>, %arg6: memref<125x80xi32, #tpu.memory_space<vmem>>, %arg7: memref<125x80xi32, #tpu.memory_space<vmem>>, %arg8: memref<80xf32, #tpu.memory_space<vmem>>, %arg9: memref<1000xf32, #tpu.memory_space<vmem>>, %arg10: memref<10000xf32, #tpu.memory_space<vmem_shared>>, %arg11: memref<10000xf32, #tpu.memory_space<vmem_shared>>, %arg12: memref<!tpu.dma_semaphore, #tpu.memory_space<semaphore_mem>>, %arg13: memref<!tpu.dma_semaphore, #tpu.memory_space<semaphore_mem>>, %arg14: memref<!tpu.dma_semaphore, #tpu.memory_space<semaphore_mem>>, %arg15: memref<!tpu.dma_semaphore, #tpu.memory_space<semaphore_mem>>) attributes {dimension_semantics = [#tpu.dimension_semantics<core_parallel>, #tpu.dimension_semantics<subcore_parallel>], iteration_bounds = array<i64: 2, 16>, scalar_prefetch = 0 : i64, scratch_operands = 10 : i64, tpu.core_type = #tpu.core_type<sc_vector_subcore>, window_params = [{transform_indices = #map}, {transform_indices = #map}, {transform_indices = #map1}, {transform_indices = #map1}]} {
    %mul3A = arith.constant 16 : i32
    %mul3A_0 = arith.muli %arg0, %mul3A : i32
    %add3A = arith.addi %mul3A_0, %arg1 : i32
    "tpu.region"() ({
      %run_scoped3A = tpu.sem_alloc : memref<!tpu.dma_semaphore, #tpu.memory_space<semaphore_mem>>
      %dma_start3A_96 = arith.constant 0 : i32
      %dma_start3A_97 = arith.constant 0 : i32
      %dma_start3A_98 = tpu.memref_slice %arg2[%add3A, %dma_start3A_96, %dma_start3A_97] : memref<32x125x80xi32, #tpu.memory_space<hbm>> -> memref<1x125x80xi32, #tpu.memory_space<hbm>>
      %dma_start3A_99 = tpu.memref_squeeze %dma_start3A_98 : memref<1x125x80xi32, #tpu.memory_space<hbm>> -> memref<125x80xi32, #tpu.memory_space<hbm>>
      %dma_start3A_100 = arith.constant 0 : i32
      %dma_start3A_101 = arith.constant 0 : i32
      %dma_start3A_102 = tpu.memref_slice %arg2[%add3A, %dma_start3A_100, %dma_start3A_101] : memref<32x125x80xi32, #tpu.memory_space<hbm>> -> memref<1x125x80xi32, #tpu.memory_space<hbm>>
      %dma_start3A_103 = tpu.memref_squeeze %dma_start3A_102 : memref<1x125x80xi32, #tpu.memory_space<hbm>> -> memref<125x80xi32, #tpu.memory_space<hbm>>
      tpu.enqueue_dma source(%dma_start3A_103 : memref<125x80xi32, #tpu.memory_space<hbm>>) target(%arg6 : memref<125x80xi32, #tpu.memory_space<vmem>>) target_semaphore(%run_scoped3A : memref<!tpu.dma_semaphore, #tpu.memory_space<semaphore_mem>>)
      %dma_wait3A_104 = arith.constant 0 : i32
      %dma_wait3A_105 = arith.constant 0 : i32
      %dma_wait3A_106 = tpu.memref_slice %arg2[%add3A, %dma_wait3A_104, %dma_wait3A_105] : memref<32x125x80xi32, #tpu.memory_space<hbm>> -> memref<1x125x80xi32, #tpu.memory_space<hbm>>
      %dma_wait3A_107 = tpu.memref_squeeze %dma_wait3A_106 : memref<1x125x80xi32, #tpu.memory_space<hbm>> -> memref<125x80xi32, #tpu.memory_space<hbm>>
      %dma_wait3A_108 = arith.constant 0 : i32
      %dma_wait3A_109 = arith.constant 0 : i32
      %dma_wait3A_110 = tpu.memref_slice %arg2[%add3A, %dma_wait3A_108, %dma_wait3A_109] : memref<32x125x80xi32, #tpu.memory_space<hbm>> -> memref<1x125x80xi32, #tpu.memory_space<hbm>>
      %dma_wait3A_111 = tpu.memref_squeeze %dma_wait3A_110 : memref<1x125x80xi32, #tpu.memory_space<hbm>> -> memref<125x80xi32, #tpu.memory_space<hbm>>
      tpu.wait_dma2 semaphore(%run_scoped3A : memref<!tpu.dma_semaphore, #tpu.memory_space<semaphore_mem>>) src(%dma_wait3A_111 : memref<125x80xi32, #tpu.memory_space<hbm>>) dst(%arg6 : memref<125x80xi32, #tpu.memory_space<vmem>>)
      tpu.yield
    }) : () -> ()
    "tpu.region"() ({
      %run_scoped3A = tpu.sem_alloc : memref<!tpu.dma_semaphore, #tpu.memory_space<semaphore_mem>>
      %dma_start3A_96 = arith.constant 0 : i32
      %dma_start3A_97 = arith.constant 0 : i32
      %dma_start3A_98 = tpu.memref_slice %arg3[%add3A, %dma_start3A_96, %dma_start3A_97] : memref<32x125x80xi32, #tpu.memory_space<hbm>> -> memref<1x125x80xi32, #tpu.memory_space<hbm>>
      %dma_start3A_99 = tpu.memref_squeeze %dma_start3A_98 : memref<1x125x80xi32, #tpu.memory_space<hbm>> -> memref<125x80xi32, #tpu.memory_space<hbm>>
      %dma_start3A_100 = arith.constant 0 : i32
      %dma_start3A_101 = arith.constant 0 : i32
      %dma_start3A_102 = tpu.memref_slice %arg3[%add3A, %dma_start3A_100, %dma_start3A_101] : memref<32x125x80xi32, #tpu.memory_space<hbm>> -> memref<1x125x80xi32, #tpu.memory_space<hbm>>
      %dma_start3A_103 = tpu.memref_squeeze %dma_start3A_102 : memref<1x125x80xi32, #tpu.memory_space<hbm>> -> memref<125x80xi32, #tpu.memory_space<hbm>>
      tpu.enqueue_dma source(%dma_start3A_103 : memref<125x80xi32, #tpu.memory_space<hbm>>) target(%arg7 : memref<125x80xi32, #tpu.memory_space<vmem>>) target_semaphore(%run_scoped3A : memref<!tpu.dma_semaphore, #tpu.memory_space<semaphore_mem>>)
      %dma_wait3A_104 = arith.constant 0 : i32
      %dma_wait3A_105 = arith.constant 0 : i32
      %dma_wait3A_106 = tpu.memref_slice %arg3[%add3A, %dma_wait3A_104, %dma_wait3A_105] : memref<32x125x80xi32, #tpu.memory_space<hbm>> -> memref<1x125x80xi32, #tpu.memory_space<hbm>>
      %dma_wait3A_107 = tpu.memref_squeeze %dma_wait3A_106 : memref<1x125x80xi32, #tpu.memory_space<hbm>> -> memref<125x80xi32, #tpu.memory_space<hbm>>
      %dma_wait3A_108 = arith.constant 0 : i32
      %dma_wait3A_109 = arith.constant 0 : i32
      %dma_wait3A_110 = tpu.memref_slice %arg3[%add3A, %dma_wait3A_108, %dma_wait3A_109] : memref<32x125x80xi32, #tpu.memory_space<hbm>> -> memref<1x125x80xi32, #tpu.memory_space<hbm>>
      %dma_wait3A_111 = tpu.memref_squeeze %dma_wait3A_110 : memref<1x125x80xi32, #tpu.memory_space<hbm>> -> memref<125x80xi32, #tpu.memory_space<hbm>>
      tpu.wait_dma2 semaphore(%run_scoped3A : memref<!tpu.dma_semaphore, #tpu.memory_space<semaphore_mem>>) src(%dma_wait3A_111 : memref<125x80xi32, #tpu.memory_space<hbm>>) dst(%arg7 : memref<125x80xi32, #tpu.memory_space<vmem>>)
      tpu.yield
    }) : () -> ()
    %scan3A = arith.constant 0 : i32
    %scan3A_1 = arith.constant 0 : i32
    %scan3A_2 = arith.constant 5 : i32
    %scan3A_3 = arith.addi %scan3A_1, %scan3A_2 : i32
    %scan3A_4 = arith.constant 1 : i32
    scf.for %scan3A_96 = %scan3A_1 to %scan3A_3 step %scan3A_4  : i32 {
      %broadcast_in_dim3A = arith.constant 1.000000e+00 : f32
      %broadcast_in_dim3A_97 = vector.broadcast %broadcast_in_dim3A : f32 to vector<16xf32>
      %mul3A_98 = arith.constant 16 : i32
      %mul3A_99 = arith.muli %scan3A_96, %mul3A_98 : i32
      %swap3A = arith.index_cast %mul3A_99 : i32 to index
      %swap3A_100 = tpu.vector_load %arg8[%swap3A] {strides = array<i32>} : memref<80xf32, #tpu.memory_space<vmem>>, vector<16xf32>,
      %swap3A_101 = vector.shape_cast %swap3A_100 : vector<16xf32> to vector<16xf32>
      %swap3A_102 = vector.shape_cast %broadcast_in_dim3A_97 : vector<16xf32> to vector<16xf32>
      tpu.vector_store %arg8[%swap3A], %swap3A_102 {strides = array<i32>} : memref<80xf32, #tpu.memory_space<vmem>>, vector<16xf32>,
    }
    %scan3A_5 = arith.constant 5 : i32
    %scan3A_6 = arith.constant 0 : i32
    %scan3A_7 = arith.constant 0 : i32
    %scan3A_8 = arith.constant 62 : i32
    %scan3A_9 = arith.addi %scan3A_7, %scan3A_8 : i32
    %scan3A_10 = arith.constant 1 : i32
    scf.for %scan3A_96 = %scan3A_7 to %scan3A_9 step %scan3A_10  : i32 {
      %broadcast_in_dim3A = arith.constant 0.000000e+00 : f32
      %broadcast_in_dim3A_97 = vector.broadcast %broadcast_in_dim3A : f32 to vector<16xf32>
      %mul3A_98 = arith.constant 16 : i32
      %mul3A_99 = arith.muli %scan3A_96, %mul3A_98 : i32
      %swap3A = arith.index_cast %mul3A_99 : i32 to index
      %swap3A_100 = tpu.vector_load %arg9[%swap3A] {strides = array<i32>} : memref<1000xf32, #tpu.memory_space<vmem>>, vector<16xf32>,
      %swap3A_101 = vector.shape_cast %swap3A_100 : vector<16xf32> to vector<16xf32>
      %swap3A_102 = vector.shape_cast %broadcast_in_dim3A_97 : vector<16xf32> to vector<16xf32>
      tpu.vector_store %arg9[%swap3A], %swap3A_102 {strides = array<i32>} : memref<1000xf32, #tpu.memory_space<vmem>>, vector<16xf32>,
    }
    %scan3A_11 = arith.constant 62 : i32
    %lt3A = arith.constant 10 : i32
    %lt3A_12 = arith.cmpi slt, %arg1, %lt3A : i32
    %convert_element_type3A = arith.extui %lt3A_12 : i1 to i32
    %cond3A = arith.constant 0 : i32
    %cond3A_13 = arith.cmpi ne, %convert_element_type3A, %cond3A : i32
    scf.if %cond3A_13 {
      %mul3A_96 = arith.constant 1000 : i32
      %mul3A_97 = arith.muli %arg1, %mul3A_96 : i32
      "tpu.region"() ({
        %run_scoped3A = tpu.sem_alloc : memref<!tpu.dma_semaphore, #tpu.memory_space<semaphore_mem>>
        %dma_start3A_100 = tpu.memref_slice %arg10[%mul3A_97] : memref<10000xf32, #tpu.memory_space<vmem_shared>> -> memref<1000xf32, #tpu.memory_space<vmem_shared>>
        %dma_start3A_101 = tpu.memref_slice %arg10[%mul3A_97] : memref<10000xf32, #tpu.memory_space<vmem_shared>> -> memref<1000xf32, #tpu.memory_space<vmem_shared>>
        tpu.enqueue_dma source(%arg9 : memref<1000xf32, #tpu.memory_space<vmem>>) target(%dma_start3A_101 : memref<1000xf32, #tpu.memory_space<vmem_shared>>) target_semaphore(%run_scoped3A : memref<!tpu.dma_semaphore, #tpu.memory_space<semaphore_mem>>)
        %dma_wait3A_102 = tpu.memref_slice %arg10[%mul3A_97] : memref<10000xf32, #tpu.memory_space<vmem_shared>> -> memref<1000xf32, #tpu.memory_space<vmem_shared>>
        %dma_wait3A_103 = tpu.memref_slice %arg10[%mul3A_97] : memref<10000xf32, #tpu.memory_space<vmem_shared>> -> memref<1000xf32, #tpu.memory_space<vmem_shared>>
        tpu.wait_dma2 semaphore(%run_scoped3A : memref<!tpu.dma_semaphore, #tpu.memory_space<semaphore_mem>>) src(%arg9 : memref<1000xf32, #tpu.memory_space<vmem>>) dst(%dma_wait3A_103 : memref<1000xf32, #tpu.memory_space<vmem_shared>>)
        tpu.yield
      }) : () -> ()
      %mul3A_98 = arith.constant 1000 : i32
      %mul3A_99 = arith.muli %arg1, %mul3A_98 : i32
      "tpu.region"() ({
        %run_scoped3A = tpu.sem_alloc : memref<!tpu.dma_semaphore, #tpu.memory_space<semaphore_mem>>
        %dma_start3A_100 = tpu.memref_slice %arg11[%mul3A_99] : memref<10000xf32, #tpu.memory_space<vmem_shared>> -> memref<1000xf32, #tpu.memory_space<vmem_shared>>
        %dma_start3A_101 = tpu.memref_slice %arg11[%mul3A_99] : memref<10000xf32, #tpu.memory_space<vmem_shared>> -> memref<1000xf32, #tpu.memory_space<vmem_shared>>
        tpu.enqueue_dma source(%arg9 : memref<1000xf32, #tpu.memory_space<vmem>>) target(%dma_start3A_101 : memref<1000xf32, #tpu.memory_space<vmem_shared>>) target_semaphore(%run_scoped3A : memref<!tpu.dma_semaphore, #tpu.memory_space<semaphore_mem>>)
        %dma_wait3A_102 = tpu.memref_slice %arg11[%mul3A_99] : memref<10000xf32, #tpu.memory_space<vmem_shared>> -> memref<1000xf32, #tpu.memory_space<vmem_shared>>
        %dma_wait3A_103 = tpu.memref_slice %arg11[%mul3A_99] : memref<10000xf32, #tpu.memory_space<vmem_shared>> -> memref<1000xf32, #tpu.memory_space<vmem_shared>>
        tpu.wait_dma2 semaphore(%run_scoped3A : memref<!tpu.dma_semaphore, #tpu.memory_space<semaphore_mem>>) src(%arg9 : memref<1000xf32, #tpu.memory_space<vmem>>) dst(%dma_wait3A_103 : memref<1000xf32, #tpu.memory_space<vmem_shared>>)
        tpu.yield
      }) : () -> ()
    } else {
    }
    %barrier3A = arith.constant 0 : index
    tpu.barrier barrier_id(%barrier3A)
    %dma_start3A = arith.constant 0 : i32
    %dma_start3A_14 = arith.constant 0 : i32
    %dma_start3A_15 = tpu.memref_slice %arg6[%dma_start3A, %dma_start3A_14] : memref<125x80xi32, #tpu.memory_space<vmem>> -> memref<1x80xi32, #tpu.memory_space<vmem>>
    %dma_start3A_16 = tpu.memref_squeeze %dma_start3A_15 : memref<1x80xi32, #tpu.memory_space<vmem>> -> memref<80xi32, #tpu.memory_space<vmem>>
    %dma_start3A_17 = arith.constant 0 : i32
    %dma_start3A_18 = tpu.memref_slice %arg10[%dma_start3A_17] : memref<10000xf32, #tpu.memory_space<vmem_shared>> -> memref<10000xf32, #tpu.memory_space<vmem_shared>>
    tpu.enqueue_indirect_dma source(%arg8 : memref<80xf32, #tpu.memory_space<vmem>>) target(%dma_start3A_18 : memref<10000xf32, #tpu.memory_space<vmem_shared>>) offsets(%dma_start3A_16 : memref<80xi32, #tpu.memory_space<vmem>>) semaphore(%arg12 : memref<!tpu.dma_semaphore, #tpu.memory_space<semaphore_mem>>) {add = true}
    %dma_start3A_19 = arith.constant 0 : i32
    %dma_start3A_20 = arith.constant 0 : i32
    %dma_start3A_21 = tpu.memref_slice %arg7[%dma_start3A_19, %dma_start3A_20] : memref<125x80xi32, #tpu.memory_space<vmem>> -> memref<1x80xi32, #tpu.memory_space<vmem>>
    %dma_start3A_22 = tpu.memref_squeeze %dma_start3A_21 : memref<1x80xi32, #tpu.memory_space<vmem>> -> memref<80xi32, #tpu.memory_space<vmem>>
    %dma_start3A_23 = arith.constant 0 : i32
    %dma_start3A_24 = tpu.memref_slice %arg11[%dma_start3A_23] : memref<10000xf32, #tpu.memory_space<vmem_shared>> -> memref<10000xf32, #tpu.memory_space<vmem_shared>>
    tpu.enqueue_indirect_dma source(%arg8 : memref<80xf32, #tpu.memory_space<vmem>>) target(%dma_start3A_24 : memref<10000xf32, #tpu.memory_space<vmem_shared>>) offsets(%dma_start3A_22 : memref<80xi32, #tpu.memory_space<vmem>>) semaphore(%arg14 : memref<!tpu.dma_semaphore, #tpu.memory_space<semaphore_mem>>) {add = true}
    %dma_start3A_25 = arith.constant 1 : i32
    %dma_start3A_26 = arith.constant 0 : i32
    %dma_start3A_27 = tpu.memref_slice %arg6[%dma_start3A_25, %dma_start3A_26] : memref<125x80xi32, #tpu.memory_space<vmem>> -> memref<1x80xi32, #tpu.memory_space<vmem>>
    %dma_start3A_28 = tpu.memref_squeeze %dma_start3A_27 : memref<1x80xi32, #tpu.memory_space<vmem>> -> memref<80xi32, #tpu.memory_space<vmem>>
    %dma_start3A_29 = arith.constant 0 : i32
    %dma_start3A_30 = tpu.memref_slice %arg10[%dma_start3A_29] : memref<10000xf32, #tpu.memory_space<vmem_shared>> -> memref<10000xf32, #tpu.memory_space<vmem_shared>>
    tpu.enqueue_indirect_dma source(%arg8 : memref<80xf32, #tpu.memory_space<vmem>>) target(%dma_start3A_30 : memref<10000xf32, #tpu.memory_space<vmem_shared>>) offsets(%dma_start3A_28 : memref<80xi32, #tpu.memory_space<vmem>>) semaphore(%arg13 : memref<!tpu.dma_semaphore, #tpu.memory_space<semaphore_mem>>) {add = true}
    %dma_start3A_31 = arith.constant 1 : i32
    %dma_start3A_32 = arith.constant 0 : i32
    %dma_start3A_33 = tpu.memref_slice %arg7[%dma_start3A_31, %dma_start3A_32] : memref<125x80xi32, #tpu.memory_space<vmem>> -> memref<1x80xi32, #tpu.memory_space<vmem>>
    %dma_start3A_34 = tpu.memref_squeeze %dma_start3A_33 : memref<1x80xi32, #tpu.memory_space<vmem>> -> memref<80xi32, #tpu.memory_space<vmem>>
    %dma_start3A_35 = arith.constant 0 : i32
    %dma_start3A_36 = tpu.memref_slice %arg11[%dma_start3A_35] : memref<10000xf32, #tpu.memory_space<vmem_shared>> -> memref<10000xf32, #tpu.memory_space<vmem_shared>>
    tpu.enqueue_indirect_dma source(%arg8 : memref<80xf32, #tpu.memory_space<vmem>>) target(%dma_start3A_36 : memref<10000xf32, #tpu.memory_space<vmem_shared>>) offsets(%dma_start3A_34 : memref<80xi32, #tpu.memory_space<vmem>>) semaphore(%arg15 : memref<!tpu.dma_semaphore, #tpu.memory_space<semaphore_mem>>) {add = true}
    %scan3A_37 = arith.constant 0 : i32
    %scan3A_38 = arith.constant 1 : i32
    %scan3A_39 = arith.constant 61 : i32
    %scan3A_40 = arith.addi %scan3A_38, %scan3A_39 : i32
    %scan3A_41 = arith.constant 1 : i32
    scf.for %scan3A_96 = %scan3A_38 to %scan3A_40 step %scan3A_41  : i32 {
      %mul3A_97 = arith.constant 2 : i32
      %mul3A_98 = arith.muli %mul3A_97, %scan3A_96 : i32
      %sub3A = arith.constant 2 : i32
      %sub3A_99 = arith.subi %mul3A_98, %sub3A : i32
      %dma_wait3A_100 = arith.constant 0 : i32
      %dma_wait3A_101 = tpu.memref_slice %arg6[%sub3A_99, %dma_wait3A_100] : memref<125x80xi32, #tpu.memory_space<vmem>> -> memref<1x80xi32, #tpu.memory_space<vmem>>
      %dma_wait3A_102 = tpu.memref_squeeze %dma_wait3A_101 : memref<1x80xi32, #tpu.memory_space<vmem>> -> memref<80xi32, #tpu.memory_space<vmem>>
      %dma_wait3A_103 = arith.constant 0 : i32
      %dma_wait3A_104 = tpu.memref_slice %arg10[%dma_wait3A_103] : memref<10000xf32, #tpu.memory_space<vmem_shared>> -> memref<10000xf32, #tpu.memory_space<vmem_shared>>
      tpu.wait_indirect_dma semaphore(%arg12 : memref<!tpu.dma_semaphore, #tpu.memory_space<semaphore_mem>>) src(%arg8 : memref<80xf32, #tpu.memory_space<vmem>>) dst(%dma_wait3A_104 : memref<10000xf32, #tpu.memory_space<vmem_shared>>)
      %dma_start3A_105 = arith.constant 0 : i32
      %dma_start3A_106 = tpu.memref_slice %arg6[%mul3A_98, %dma_start3A_105] : memref<125x80xi32, #tpu.memory_space<vmem>> -> memref<1x80xi32, #tpu.memory_space<vmem>>
      %dma_start3A_107 = tpu.memref_squeeze %dma_start3A_106 : memref<1x80xi32, #tpu.memory_space<vmem>> -> memref<80xi32, #tpu.memory_space<vmem>>
      %dma_start3A_108 = arith.constant 0 : i32
      %dma_start3A_109 = tpu.memref_slice %arg10[%dma_start3A_108] : memref<10000xf32, #tpu.memory_space<vmem_shared>> -> memref<10000xf32, #tpu.memory_space<vmem_shared>>
      tpu.enqueue_indirect_dma source(%arg8 : memref<80xf32, #tpu.memory_space<vmem>>) target(%dma_start3A_109 : memref<10000xf32, #tpu.memory_space<vmem_shared>>) offsets(%dma_start3A_107 : memref<80xi32, #tpu.memory_space<vmem>>) semaphore(%arg12 : memref<!tpu.dma_semaphore, #tpu.memory_space<semaphore_mem>>) {add = true}
      %sub3A_110 = arith.constant 2 : i32
      %sub3A_111 = arith.subi %mul3A_98, %sub3A_110 : i32
      %dma_wait3A_112 = arith.constant 0 : i32
      %dma_wait3A_113 = tpu.memref_slice %arg7[%sub3A_111, %dma_wait3A_112] : memref<125x80xi32, #tpu.memory_space<vmem>> -> memref<1x80xi32, #tpu.memory_space<vmem>>
      %dma_wait3A_114 = tpu.memref_squeeze %dma_wait3A_113 : memref<1x80xi32, #tpu.memory_space<vmem>> -> memref<80xi32, #tpu.memory_space<vmem>>
      %dma_wait3A_115 = arith.constant 0 : i32
      %dma_wait3A_116 = tpu.memref_slice %arg11[%dma_wait3A_115] : memref<10000xf32, #tpu.memory_space<vmem_shared>> -> memref<10000xf32, #tpu.memory_space<vmem_shared>>
      tpu.wait_indirect_dma semaphore(%arg14 : memref<!tpu.dma_semaphore, #tpu.memory_space<semaphore_mem>>) src(%arg8 : memref<80xf32, #tpu.memory_space<vmem>>) dst(%dma_wait3A_116 : memref<10000xf32, #tpu.memory_space<vmem_shared>>)
      %dma_start3A_117 = arith.constant 0 : i32
      %dma_start3A_118 = tpu.memref_slice %arg7[%mul3A_98, %dma_start3A_117] : memref<125x80xi32, #tpu.memory_space<vmem>> -> memref<1x80xi32, #tpu.memory_space<vmem>>
      %dma_start3A_119 = tpu.memref_squeeze %dma_start3A_118 : memref<1x80xi32, #tpu.memory_space<vmem>> -> memref<80xi32, #tpu.memory_space<vmem>>
      %dma_start3A_120 = arith.constant 0 : i32
      %dma_start3A_121 = tpu.memref_slice %arg11[%dma_start3A_120] : memref<10000xf32, #tpu.memory_space<vmem_shared>> -> memref<10000xf32, #tpu.memory_space<vmem_shared>>
      tpu.enqueue_indirect_dma source(%arg8 : memref<80xf32, #tpu.memory_space<vmem>>) target(%dma_start3A_121 : memref<10000xf32, #tpu.memory_space<vmem_shared>>) offsets(%dma_start3A_119 : memref<80xi32, #tpu.memory_space<vmem>>) semaphore(%arg14 : memref<!tpu.dma_semaphore, #tpu.memory_space<semaphore_mem>>) {add = true}
      %sub3A_122 = arith.constant 1 : i32
      %sub3A_123 = arith.subi %mul3A_98, %sub3A_122 : i32
      %dma_wait3A_124 = arith.constant 0 : i32
      %dma_wait3A_125 = tpu.memref_slice %arg6[%sub3A_123, %dma_wait3A_124] : memref<125x80xi32, #tpu.memory_space<vmem>> -> memref<1x80xi32, #tpu.memory_space<vmem>>
      %dma_wait3A_126 = tpu.memref_squeeze %dma_wait3A_125 : memref<1x80xi32, #tpu.memory_space<vmem>> -> memref<80xi32, #tpu.memory_space<vmem>>
      %dma_wait3A_127 = arith.constant 0 : i32
      %dma_wait3A_128 = tpu.memref_slice %arg10[%dma_wait3A_127] : memref<10000xf32, #tpu.memory_space<vmem_shared>> -> memref<10000xf32, #tpu.memory_space<vmem_shared>>
      tpu.wait_indirect_dma semaphore(%arg13 : memref<!tpu.dma_semaphore, #tpu.memory_space<semaphore_mem>>) src(%arg8 : memref<80xf32, #tpu.memory_space<vmem>>) dst(%dma_wait3A_128 : memref<10000xf32, #tpu.memory_space<vmem_shared>>)
      %add3A_129 = arith.constant 1 : i32
      %add3A_130 = arith.addi %mul3A_98, %add3A_129 : i32
      %dma_start3A_131 = arith.constant 0 : i32
      %dma_start3A_132 = tpu.memref_slice %arg6[%add3A_130, %dma_start3A_131] : memref<125x80xi32, #tpu.memory_space<vmem>> -> memref<1x80xi32, #tpu.memory_space<vmem>>
      %dma_start3A_133 = tpu.memref_squeeze %dma_start3A_132 : memref<1x80xi32, #tpu.memory_space<vmem>> -> memref<80xi32, #tpu.memory_space<vmem>>
      %dma_start3A_134 = arith.constant 0 : i32
      %dma_start3A_135 = tpu.memref_slice %arg10[%dma_start3A_134] : memref<10000xf32, #tpu.memory_space<vmem_shared>> -> memref<10000xf32, #tpu.memory_space<vmem_shared>>
      tpu.enqueue_indirect_dma source(%arg8 : memref<80xf32, #tpu.memory_space<vmem>>) target(%dma_start3A_135 : memref<10000xf32, #tpu.memory_space<vmem_shared>>) offsets(%dma_start3A_133 : memref<80xi32, #tpu.memory_space<vmem>>) semaphore(%arg13 : memref<!tpu.dma_semaphore, #tpu.memory_space<semaphore_mem>>) {add = true}
      %sub3A_136 = arith.constant 1 : i32
      %sub3A_137 = arith.subi %mul3A_98, %sub3A_136 : i32
      %dma_wait3A_138 = arith.constant 0 : i32
      %dma_wait3A_139 = tpu.memref_slice %arg7[%sub3A_137, %dma_wait3A_138] : memref<125x80xi32, #tpu.memory_space<vmem>> -> memref<1x80xi32, #tpu.memory_space<vmem>>
      %dma_wait3A_140 = tpu.memref_squeeze %dma_wait3A_139 : memref<1x80xi32, #tpu.memory_space<vmem>> -> memref<80xi32, #tpu.memory_space<vmem>>
      %dma_wait3A_141 = arith.constant 0 : i32
      %dma_wait3A_142 = tpu.memref_slice %arg11[%dma_wait3A_141] : memref<10000xf32, #tpu.memory_space<vmem_shared>> -> memref<10000xf32, #tpu.memory_space<vmem_shared>>
      tpu.wait_indirect_dma semaphore(%arg15 : memref<!tpu.dma_semaphore, #tpu.memory_space<semaphore_mem>>) src(%arg8 : memref<80xf32, #tpu.memory_space<vmem>>) dst(%dma_wait3A_142 : memref<10000xf32, #tpu.memory_space<vmem_shared>>)
      %add3A_143 = arith.constant 1 : i32
      %add3A_144 = arith.addi %mul3A_98, %add3A_143 : i32
      %dma_start3A_145 = arith.constant 0 : i32
      %dma_start3A_146 = tpu.memref_slice %arg7[%add3A_144, %dma_start3A_145] : memref<125x80xi32, #tpu.memory_space<vmem>> -> memref<1x80xi32, #tpu.memory_space<vmem>>
      %dma_start3A_147 = tpu.memref_squeeze %dma_start3A_146 : memref<1x80xi32, #tpu.memory_space<vmem>> -> memref<80xi32, #tpu.memory_space<vmem>>
      %dma_start3A_148 = arith.constant 0 : i32
      %dma_start3A_149 = tpu.memref_slice %arg11[%dma_start3A_148] : memref<10000xf32, #tpu.memory_space<vmem_shared>> -> memref<10000xf32, #tpu.memory_space<vmem_shared>>
      tpu.enqueue_indirect_dma source(%arg8 : memref<80xf32, #tpu.memory_space<vmem>>) target(%dma_start3A_149 : memref<10000xf32, #tpu.memory_space<vmem_shared>>) offsets(%dma_start3A_147 : memref<80xi32, #tpu.memory_space<vmem>>) semaphore(%arg15 : memref<!tpu.dma_semaphore, #tpu.memory_space<semaphore_mem>>) {add = true}
    }
    %scan3A_42 = arith.constant 61 : i32
    %dma_wait3A = arith.constant 122 : i32
    %dma_wait3A_43 = arith.constant 0 : i32
    %dma_wait3A_44 = tpu.memref_slice %arg6[%dma_wait3A, %dma_wait3A_43] : memref<125x80xi32, #tpu.memory_space<vmem>> -> memref<1x80xi32, #tpu.memory_space<vmem>>
    %dma_wait3A_45 = tpu.memref_squeeze %dma_wait3A_44 : memref<1x80xi32, #tpu.memory_space<vmem>> -> memref<80xi32, #tpu.memory_space<vmem>>
    %dma_wait3A_46 = arith.constant 0 : i32
    %dma_wait3A_47 = tpu.memref_slice %arg10[%dma_wait3A_46] : memref<10000xf32, #tpu.memory_space<vmem_shared>> -> memref<10000xf32, #tpu.memory_space<vmem_shared>>
    tpu.wait_indirect_dma semaphore(%arg12 : memref<!tpu.dma_semaphore, #tpu.memory_space<semaphore_mem>>) src(%arg8 : memref<80xf32, #tpu.memory_space<vmem>>) dst(%dma_wait3A_47 : memref<10000xf32, #tpu.memory_space<vmem_shared>>)
    %dma_start3A_48 = arith.constant 124 : i32
    %dma_start3A_49 = arith.constant 0 : i32
    %dma_start3A_50 = tpu.memref_slice %arg6[%dma_start3A_48, %dma_start3A_49] : memref<125x80xi32, #tpu.memory_space<vmem>> -> memref<1x80xi32, #tpu.memory_space<vmem>>
    %dma_start3A_51 = tpu.memref_squeeze %dma_start3A_50 : memref<1x80xi32, #tpu.memory_space<vmem>> -> memref<80xi32, #tpu.memory_space<vmem>>
    %dma_start3A_52 = arith.constant 0 : i32
    %dma_start3A_53 = tpu.memref_slice %arg10[%dma_start3A_52] : memref<10000xf32, #tpu.memory_space<vmem_shared>> -> memref<10000xf32, #tpu.memory_space<vmem_shared>>
    tpu.enqueue_indirect_dma source(%arg8 : memref<80xf32, #tpu.memory_space<vmem>>) target(%dma_start3A_53 : memref<10000xf32, #tpu.memory_space<vmem_shared>>) offsets(%dma_start3A_51 : memref<80xi32, #tpu.memory_space<vmem>>) semaphore(%arg12 : memref<!tpu.dma_semaphore, #tpu.memory_space<semaphore_mem>>) {add = true}
    %dma_wait3A_54 = arith.constant 122 : i32
    %dma_wait3A_55 = arith.constant 0 : i32
    %dma_wait3A_56 = tpu.memref_slice %arg7[%dma_wait3A_54, %dma_wait3A_55] : memref<125x80xi32, #tpu.memory_space<vmem>> -> memref<1x80xi32, #tpu.memory_space<vmem>>
    %dma_wait3A_57 = tpu.memref_squeeze %dma_wait3A_56 : memref<1x80xi32, #tpu.memory_space<vmem>> -> memref<80xi32, #tpu.memory_space<vmem>>
    %dma_wait3A_58 = arith.constant 0 : i32
    %dma_wait3A_59 = tpu.memref_slice %arg11[%dma_wait3A_58] : memref<10000xf32, #tpu.memory_space<vmem_shared>> -> memref<10000xf32, #tpu.memory_space<vmem_shared>>
    tpu.wait_indirect_dma semaphore(%arg14 : memref<!tpu.dma_semaphore, #tpu.memory_space<semaphore_mem>>) src(%arg8 : memref<80xf32, #tpu.memory_space<vmem>>) dst(%dma_wait3A_59 : memref<10000xf32, #tpu.memory_space<vmem_shared>>)
    %dma_start3A_60 = arith.constant 124 : i32
    %dma_start3A_61 = arith.constant 0 : i32
    %dma_start3A_62 = tpu.memref_slice %arg7[%dma_start3A_60, %dma_start3A_61] : memref<125x80xi32, #tpu.memory_space<vmem>> -> memref<1x80xi32, #tpu.memory_space<vmem>>
    %dma_start3A_63 = tpu.memref_squeeze %dma_start3A_62 : memref<1x80xi32, #tpu.memory_space<vmem>> -> memref<80xi32, #tpu.memory_space<vmem>>
    %dma_start3A_64 = arith.constant 0 : i32
    %dma_start3A_65 = tpu.memref_slice %arg11[%dma_start3A_64] : memref<10000xf32, #tpu.memory_space<vmem_shared>> -> memref<10000xf32, #tpu.memory_space<vmem_shared>>
    tpu.enqueue_indirect_dma source(%arg8 : memref<80xf32, #tpu.memory_space<vmem>>) target(%dma_start3A_65 : memref<10000xf32, #tpu.memory_space<vmem_shared>>) offsets(%dma_start3A_63 : memref<80xi32, #tpu.memory_space<vmem>>) semaphore(%arg14 : memref<!tpu.dma_semaphore, #tpu.memory_space<semaphore_mem>>) {add = true}
    %dma_wait3A_66 = arith.constant 123 : i32
    %dma_wait3A_67 = arith.constant 0 : i32
    %dma_wait3A_68 = tpu.memref_slice %arg6[%dma_wait3A_66, %dma_wait3A_67] : memref<125x80xi32, #tpu.memory_space<vmem>> -> memref<1x80xi32, #tpu.memory_space<vmem>>
    %dma_wait3A_69 = tpu.memref_squeeze %dma_wait3A_68 : memref<1x80xi32, #tpu.memory_space<vmem>> -> memref<80xi32, #tpu.memory_space<vmem>>
    %dma_wait3A_70 = arith.constant 0 : i32
    %dma_wait3A_71 = tpu.memref_slice %arg10[%dma_wait3A_70] : memref<10000xf32, #tpu.memory_space<vmem_shared>> -> memref<10000xf32, #tpu.memory_space<vmem_shared>>
    tpu.wait_indirect_dma semaphore(%arg13 : memref<!tpu.dma_semaphore, #tpu.memory_space<semaphore_mem>>) src(%arg8 : memref<80xf32, #tpu.memory_space<vmem>>) dst(%dma_wait3A_71 : memref<10000xf32, #tpu.memory_space<vmem_shared>>)
    %dma_wait3A_72 = arith.constant 123 : i32
    %dma_wait3A_73 = arith.constant 0 : i32
    %dma_wait3A_74 = tpu.memref_slice %arg7[%dma_wait3A_72, %dma_wait3A_73] : memref<125x80xi32, #tpu.memory_space<vmem>> -> memref<1x80xi32, #tpu.memory_space<vmem>>
    %dma_wait3A_75 = tpu.memref_squeeze %dma_wait3A_74 : memref<1x80xi32, #tpu.memory_space<vmem>> -> memref<80xi32, #tpu.memory_space<vmem>>
    %dma_wait3A_76 = arith.constant 0 : i32
    %dma_wait3A_77 = tpu.memref_slice %arg11[%dma_wait3A_76] : memref<10000xf32, #tpu.memory_space<vmem_shared>> -> memref<10000xf32, #tpu.memory_space<vmem_shared>>
    tpu.wait_indirect_dma semaphore(%arg15 : memref<!tpu.dma_semaphore, #tpu.memory_space<semaphore_mem>>) src(%arg8 : memref<80xf32, #tpu.memory_space<vmem>>) dst(%dma_wait3A_77 : memref<10000xf32, #tpu.memory_space<vmem_shared>>)
    %dma_wait3A_78 = arith.constant 124 : i32
    %dma_wait3A_79 = arith.constant 0 : i32
    %dma_wait3A_80 = tpu.memref_slice %arg6[%dma_wait3A_78, %dma_wait3A_79] : memref<125x80xi32, #tpu.memory_space<vmem>> -> memref<1x80xi32, #tpu.memory_space<vmem>>
    %dma_wait3A_81 = tpu.memref_squeeze %dma_wait3A_80 : memref<1x80xi32, #tpu.memory_space<vmem>> -> memref<80xi32, #tpu.memory_space<vmem>>
    %dma_wait3A_82 = arith.constant 0 : i32
    %dma_wait3A_83 = tpu.memref_slice %arg10[%dma_wait3A_82] : memref<10000xf32, #tpu.memory_space<vmem_shared>> -> memref<10000xf32, #tpu.memory_space<vmem_shared>>
    tpu.wait_indirect_dma semaphore(%arg12 : memref<!tpu.dma_semaphore, #tpu.memory_space<semaphore_mem>>) src(%arg8 : memref<80xf32, #tpu.memory_space<vmem>>) dst(%dma_wait3A_83 : memref<10000xf32, #tpu.memory_space<vmem_shared>>)
    %dma_wait3A_84 = arith.constant 124 : i32
    %dma_wait3A_85 = arith.constant 0 : i32
    %dma_wait3A_86 = tpu.memref_slice %arg7[%dma_wait3A_84, %dma_wait3A_85] : memref<125x80xi32, #tpu.memory_space<vmem>> -> memref<1x80xi32, #tpu.memory_space<vmem>>
    %dma_wait3A_87 = tpu.memref_squeeze %dma_wait3A_86 : memref<1x80xi32, #tpu.memory_space<vmem>> -> memref<80xi32, #tpu.memory_space<vmem>>
    %dma_wait3A_88 = arith.constant 0 : i32
    %dma_wait3A_89 = tpu.memref_slice %arg11[%dma_wait3A_88] : memref<10000xf32, #tpu.memory_space<vmem_shared>> -> memref<10000xf32, #tpu.memory_space<vmem_shared>>
    tpu.wait_indirect_dma semaphore(%arg14 : memref<!tpu.dma_semaphore, #tpu.memory_space<semaphore_mem>>) src(%arg8 : memref<80xf32, #tpu.memory_space<vmem>>) dst(%dma_wait3A_89 : memref<10000xf32, #tpu.memory_space<vmem_shared>>)
    %barrier3A_90 = arith.constant 0 : index
    tpu.barrier barrier_id(%barrier3A_90)
    %lt3A_91 = arith.constant 10 : i32
    %lt3A_92 = arith.cmpi slt, %arg1, %lt3A_91 : i32
    %convert_element_type3A_93 = arith.extui %lt3A_92 : i1 to i32
    %cond3A_94 = arith.constant 0 : i32
    %cond3A_95 = arith.cmpi ne, %convert_element_type3A_93, %cond3A_94 : i32
    scf.if %cond3A_95 {
      %mul3A_96 = arith.constant 1000 : i32
      %mul3A_97 = arith.muli %arg1, %mul3A_96 : i32
      "tpu.region"() ({
        %run_scoped3A = tpu.sem_alloc : memref<!tpu.dma_semaphore, #tpu.memory_space<semaphore_mem>>
        %dma_start3A_110 = tpu.memref_slice %arg10[%mul3A_97] : memref<10000xf32, #tpu.memory_space<vmem_shared>> -> memref<1000xf32, #tpu.memory_space<vmem_shared>>
        %dma_start3A_111 = tpu.memref_slice %arg10[%mul3A_97] : memref<10000xf32, #tpu.memory_space<vmem_shared>> -> memref<1000xf32, #tpu.memory_space<vmem_shared>>
        tpu.enqueue_dma source(%dma_start3A_111 : memref<1000xf32, #tpu.memory_space<vmem_shared>>) target(%arg9 : memref<1000xf32, #tpu.memory_space<vmem>>) target_semaphore(%run_scoped3A : memref<!tpu.dma_semaphore, #tpu.memory_space<semaphore_mem>>)
        %dma_wait3A_112 = tpu.memref_slice %arg10[%mul3A_97] : memref<10000xf32, #tpu.memory_space<vmem_shared>> -> memref<1000xf32, #tpu.memory_space<vmem_shared>>
        %dma_wait3A_113 = tpu.memref_slice %arg10[%mul3A_97] : memref<10000xf32, #tpu.memory_space<vmem_shared>> -> memref<1000xf32, #tpu.memory_space<vmem_shared>>
        tpu.wait_dma2 semaphore(%run_scoped3A : memref<!tpu.dma_semaphore, #tpu.memory_space<semaphore_mem>>) src(%dma_wait3A_113 : memref<1000xf32, #tpu.memory_space<vmem_shared>>) dst(%arg9 : memref<1000xf32, #tpu.memory_space<vmem>>)
        tpu.yield
      }) : () -> ()
      %mul3A_98 = arith.constant 10000 : i32
      %mul3A_99 = arith.muli %arg0, %mul3A_98 : i32
      %mul3A_100 = arith.constant 1000 : i32
      %mul3A_101 = arith.muli %arg1, %mul3A_100 : i32
      %add3A_102 = arith.addi %mul3A_99, %mul3A_101 : i32
      "tpu.region"() ({
        %run_scoped3A = tpu.sem_alloc : memref<!tpu.dma_semaphore, #tpu.memory_space<semaphore_mem>>
        %dma_start3A_110 = tpu.memref_slice %arg4[%add3A_102] : memref<20000xf32, #tpu.memory_space<hbm>> -> memref<1000xf32, #tpu.memory_space<hbm>>
        %dma_start3A_111 = tpu.memref_slice %arg4[%add3A_102] : memref<20000xf32, #tpu.memory_space<hbm>> -> memref<1000xf32, #tpu.memory_space<hbm>>
        tpu.enqueue_dma source(%arg9 : memref<1000xf32, #tpu.memory_space<vmem>>) target(%dma_start3A_111 : memref<1000xf32, #tpu.memory_space<hbm>>) target_semaphore(%run_scoped3A : memref<!tpu.dma_semaphore, #tpu.memory_space<semaphore_mem>>)
        %dma_wait3A_112 = tpu.memref_slice %arg4[%add3A_102] : memref<20000xf32, #tpu.memory_space<hbm>> -> memref<1000xf32, #tpu.memory_space<hbm>>
        %dma_wait3A_113 = tpu.memref_slice %arg4[%add3A_102] : memref<20000xf32, #tpu.memory_space<hbm>> -> memref<1000xf32, #tpu.memory_space<hbm>>
        tpu.wait_dma2 semaphore(%run_scoped3A : memref<!tpu.dma_semaphore, #tpu.memory_space<semaphore_mem>>) src(%arg9 : memref<1000xf32, #tpu.memory_space<vmem>>) dst(%dma_wait3A_113 : memref<1000xf32, #tpu.memory_space<hbm>>)
        tpu.yield
      }) : () -> ()
      %mul3A_103 = arith.constant 1000 : i32
      %mul3A_104 = arith.muli %arg1, %mul3A_103 : i32
      "tpu.region"() ({
        %run_scoped3A = tpu.sem_alloc : memref<!tpu.dma_semaphore, #tpu.memory_space<semaphore_mem>>
        %dma_start3A_110 = tpu.memref_slice %arg11[%mul3A_104] : memref<10000xf32, #tpu.memory_space<vmem_shared>> -> memref<1000xf32, #tpu.memory_space<vmem_shared>>
        %dma_start3A_111 = tpu.memref_slice %arg11[%mul3A_104] : memref<10000xf32, #tpu.memory_space<vmem_shared>> -> memref<1000xf32, #tpu.memory_space<vmem_shared>>
        tpu.enqueue_dma source(%dma_start3A_111 : memref<1000xf32, #tpu.memory_space<vmem_shared>>) target(%arg9 : memref<1000xf32, #tpu.memory_space<vmem>>) target_semaphore(%run_scoped3A : memref<!tpu.dma_semaphore, #tpu.memory_space<semaphore_mem>>)
        %dma_wait3A_112 = tpu.memref_slice %arg11[%mul3A_104] : memref<10000xf32, #tpu.memory_space<vmem_shared>> -> memref<1000xf32, #tpu.memory_space<vmem_shared>>
        %dma_wait3A_113 = tpu.memref_slice %arg11[%mul3A_104] : memref<10000xf32, #tpu.memory_space<vmem_shared>> -> memref<1000xf32, #tpu.memory_space<vmem_shared>>
        tpu.wait_dma2 semaphore(%run_scoped3A : memref<!tpu.dma_semaphore, #tpu.memory_space<semaphore_mem>>) src(%dma_wait3A_113 : memref<1000xf32, #tpu.memory_space<vmem_shared>>) dst(%arg9 : memref<1000xf32, #tpu.memory_space<vmem>>)
        tpu.yield
      }) : () -> ()
      %mul3A_105 = arith.constant 10000 : i32
      %mul3A_106 = arith.muli %arg0, %mul3A_105 : i32
      %mul3A_107 = arith.constant 1000 : i32
      %mul3A_108 = arith.muli %arg1, %mul3A_107 : i32
      %add3A_109 = arith.addi %mul3A_106, %mul3A_108 : i32
      "tpu.region"() ({
        %run_scoped3A = tpu.sem_alloc : memref<!tpu.dma_semaphore, #tpu.memory_space<semaphore_mem>>
        %dma_start3A_110 = tpu.memref_slice %arg5[%add3A_109] : memref<20000xf32, #tpu.memory_space<hbm>> -> memref<1000xf32, #tpu.memory_space<hbm>>
        %dma_start3A_111 = tpu.memref_slice %arg5[%add3A_109] : memref<20000xf32, #tpu.memory_space<hbm>> -> memref<1000xf32, #tpu.memory_space<hbm>>
        tpu.enqueue_dma source(%arg9 : memref<1000xf32, #tpu.memory_space<vmem>>) target(%dma_start3A_111 : memref<1000xf32, #tpu.memory_space<hbm>>) target_semaphore(%run_scoped3A : memref<!tpu.dma_semaphore, #tpu.memory_space<semaphore_mem>>)
        %dma_wait3A_112 = tpu.memref_slice %arg5[%add3A_109] : memref<20000xf32, #tpu.memory_space<hbm>> -> memref<1000xf32, #tpu.memory_space<hbm>>
        %dma_wait3A_113 = tpu.memref_slice %arg5[%add3A_109] : memref<20000xf32, #tpu.memory_space<hbm>> -> memref<1000xf32, #tpu.memory_space<hbm>>
        tpu.wait_dma2 semaphore(%run_scoped3A : memref<!tpu.dma_semaphore, #tpu.memory_space<semaphore_mem>>) src(%arg9 : memref<1000xf32, #tpu.memory_space<vmem>>) dst(%dma_wait3A_113 : memref<1000xf32, #tpu.memory_space<hbm>>)
        tpu.yield
      }) : () -> ()
    } else {
    }
    return
  }
}

module attributes {stable_mosaic.version = 14 : i64} {
  func.func @_prep_body(%arg0: i32, %arg1: memref<1000x128xf32, #tpu.memory_space<vmem>>, %arg2: memref<1000x1xf32, #tpu.memory_space<vmem>>, %arg3: memref<128x128xf32, #tpu.memory_space<vmem>>, %arg4: memref<1x128xf32, #tpu.memory_space<vmem>>, %arg5: memref<1000x128xf32, #tpu.memory_space<vmem>>, %arg6: memref<1000x128xf32, #tpu.memory_space<vmem>>) attributes {dimension_semantics = [#tpu.dimension_semantics<arbitrary>], iteration_bounds = array<i64: 10>, scalar_prefetch = 0 : i64, scratch_operands = 0 : i64, tpu.core_type = #tpu.core_type<tc>, window_params = [{transform_indices = @transform_0, window_bounds = array<i64: 1000, 128>}, {transform_indices = @transform_1, window_bounds = array<i64: 1000, 1>}, {pipeline_mode = #tpu.pipeline_mode<synchronous>, transform_indices = @transform_2, window_bounds = array<i64: 128, 128>}, {pipeline_mode = #tpu.pipeline_mode<synchronous>, transform_indices = @transform_3, window_bounds = array<i64: 1, 128>}, {transform_indices = @transform_4, window_bounds = array<i64: 1000, 128>}, {transform_indices = @transform_5, window_bounds = array<i64: 1000, 128>}]} {
    %get3A = arith.constant 0 : index
    %get3A_0 = arith.constant 0 : index
    %get3A_1 = vector.load %arg1[%get3A, %get3A_0] : memref<1000x128xf32, #tpu.memory_space<vmem>>, vector<1000x128xf32>
    %get3A_2 = arith.constant 0 : index
    %get3A_3 = arith.constant 0 : index
    %get3A_4 = vector.load %arg2[%get3A_2, %get3A_3] : memref<1000x1xf32, #tpu.memory_space<vmem>>, vector<1000x1xf32>
    %mul3A = vector.broadcast %get3A_4 : vector<1000x1xf32> to vector<1000x128xf32>
    %mul3A_5 = arith.mulf %get3A_1, %mul3A : vector<1000x128xf32>
    %swap3A = arith.constant 0 : index
    %swap3A_6 = arith.constant 0 : index
    %swap3A_7 = vector.load %arg5[%swap3A, %swap3A_6] : memref<1000x128xf32, #tpu.memory_space<vmem>>, vector<1000x128xf32>
    tpu.vector_store %arg5[%swap3A, %swap3A_6], %mul3A_5 {strides = array<i32>} : memref<1000x128xf32, #tpu.memory_space<vmem>>, vector<1000x128xf32>,
    %get3A_8 = arith.constant 0 : index
    %get3A_9 = arith.constant 0 : index
    %get3A_10 = vector.load %arg3[%get3A_8, %get3A_9] : memref<128x128xf32, #tpu.memory_space<vmem>>, vector<128x128xf32>
    %dot_general3A = arith.constant dense<0.000000e+00> : vector<1000x128xf32>
    %dot_general3A_11 = tpu.matmul %get3A_1, %get3A_10, %dot_general3A {dimension_numbers = #tpu.dot_dimension_numbers<[1], [0], [0], [1], [0, 0, 1, 1], [], []>, transpose_lhs_hint = false} : vector<1000x128xf32>, vector<128x128xf32>, vector<1000x128xf32> -> vector<1000x128xf32>
    %get3A_12 = arith.constant 0 : index
    %get3A_13 = arith.constant 0 : index
    %get3A_14 = vector.load %arg4[%get3A_12, %get3A_13] : memref<1x128xf32, #tpu.memory_space<vmem>>, vector<1x128xf32>
    %add3A = vector.broadcast %get3A_14 : vector<1x128xf32> to vector<1000x128xf32>
    %add3A_15 = arith.addf %dot_general3A_11, %add3A : vector<1000x128xf32>
    %max3A = arith.constant 0.000000e+00 : f32
    %max3A_16 = vector.broadcast %max3A : f32 to vector<1000x128xf32>
    %max3A_17 = arith.maximumf %add3A_15, %max3A_16 : vector<1000x128xf32>
    %swap3A_18 = arith.constant 0 : index
    %swap3A_19 = arith.constant 0 : index
    %swap3A_20 = vector.load %arg6[%swap3A_18, %swap3A_19] : memref<1000x128xf32, #tpu.memory_space<vmem>>, vector<1000x128xf32>
    tpu.vector_store %arg6[%swap3A_18, %swap3A_19], %max3A_17 {strides = array<i32>} : memref<1000x128xf32, #tpu.memory_space<vmem>>, vector<1000x128xf32>,
    return
  }
  func.func @transform_0(%arg0: i32) -> (i32, i32) {
    %c0_i32 = arith.constant 0 : i32
    %c0_i32_0 = arith.constant 0 : i32
    return %arg0, %c0_i32 : i32, i32
  }
  func.func @transform_1(%arg0: i32) -> (i32, i32) {
    %c0_i32 = arith.constant 0 : i32
    %c0_i32_0 = arith.constant 0 : i32
    return %arg0, %c0_i32 : i32, i32
  }
  func.func @transform_2(%arg0: i32) -> (i32, i32) {
    %c0_i32 = arith.constant 0 : i32
    %c0_i32_0 = arith.constant 0 : i32
    %c0_i32_1 = arith.constant 0 : i32
    return %c0_i32, %c0_i32_0 : i32, i32
  }
  func.func @transform_3(%arg0: i32) -> (i32, i32) {
    %c0_i32 = arith.constant 0 : i32
    %c0_i32_0 = arith.constant 0 : i32
    %c0_i32_1 = arith.constant 0 : i32
    return %c0_i32, %c0_i32_0 : i32, i32
  }
  func.func @transform_4(%arg0: i32) -> (i32, i32) {
    %c0_i32 = arith.constant 0 : i32
    %c0_i32_0 = arith.constant 0 : i32
    return %arg0, %c0_i32 : i32, i32
  }
  func.func @transform_5(%arg0: i32) -> (i32, i32) {
    %c0_i32 = arith.constant 0 : i32
    %c0_i32_0 = arith.constant 0 : i32
    return %arg0, %c0_i32 : i32, i32
  }
}

module attributes {stable_mosaic.version = 14 : i64} {
  func.func @_layer1_body(%arg0: i32, %arg1: memref<2x1000x128xf32, #tpu.memory_space<vmem>>, %arg2: memref<1000x1xf32, #tpu.memory_space<vmem>>, %arg3: memref<1000x128xf32, #tpu.memory_space<vmem>>, %arg4: memref<128x128xf32, #tpu.memory_space<vmem>>, %arg5: memref<1x128xf32, #tpu.memory_space<vmem>>, %arg6: memref<1000x1xf32, #tpu.memory_space<vmem>>, %arg7: memref<128x128xf32, #tpu.memory_space<vmem>>, %arg8: memref<1x128xf32, #tpu.memory_space<vmem>>, %arg9: memref<1000x128xf32, #tpu.memory_space<vmem>>, %arg10: memref<1000x128xf32, #tpu.memory_space<vmem>>) attributes {dimension_semantics = [#tpu.dimension_semantics<arbitrary>], iteration_bounds = array<i64: 10>, scalar_prefetch = 0 : i64, scratch_operands = 0 : i64, tpu.core_type = #tpu.core_type<tc>, window_params = [{transform_indices = @transform_0, window_bounds = array<i64: 2, 1000, 128>}, {transform_indices = @transform_1, window_bounds = array<i64: 1000, 1>}, {transform_indices = @transform_2, window_bounds = array<i64: 1000, 128>}, {pipeline_mode = #tpu.pipeline_mode<synchronous>, transform_indices = @transform_3, window_bounds = array<i64: 128, 128>}, {pipeline_mode = #tpu.pipeline_mode<synchronous>, transform_indices = @transform_4, window_bounds = array<i64: 1, 128>}, {transform_indices = @transform_5, window_bounds = array<i64: 1000, 1>}, {pipeline_mode = #tpu.pipeline_mode<synchronous>, transform_indices = @transform_6, window_bounds = array<i64: 128, 128>}, {pipeline_mode = #tpu.pipeline_mode<synchronous>, transform_indices = @transform_7, window_bounds = array<i64: 1, 128>}, {transform_indices = @transform_8, window_bounds = array<i64: 1000, 128>}, {transform_indices = @transform_9, window_bounds = array<i64: 1000, 128>}]} {
    %get3A = arith.constant 0 : index
    %get3A_0 = arith.constant 0 : index
    %get3A_1 = arith.constant 0 : index
    %get3A_2 = vector.load %arg1[%get3A, %get3A_0, %get3A_1] : memref<2x1000x128xf32, #tpu.memory_space<vmem>>, vector<1x1000x128xf32>
    %get3A_3 = vector.shape_cast %get3A_2 : vector<1x1000x128xf32> to vector<1000x128xf32>
    %get3A_4 = arith.constant 1 : index
    %get3A_5 = arith.constant 0 : index
    %get3A_6 = arith.constant 0 : index
    %get3A_7 = vector.load %arg1[%get3A_4, %get3A_5, %get3A_6] : memref<2x1000x128xf32, #tpu.memory_space<vmem>>, vector<1x1000x128xf32>
    %get3A_8 = vector.shape_cast %get3A_7 : vector<1x1000x128xf32> to vector<1000x128xf32>
    %add3A = arith.addf %get3A_3, %get3A_8 : vector<1000x128xf32>
    %get3A_9 = arith.constant 0 : index
    %get3A_10 = arith.constant 0 : index
    %get3A_11 = vector.load %arg2[%get3A_9, %get3A_10] : memref<1000x1xf32, #tpu.memory_space<vmem>>, vector<1000x1xf32>
    %mul3A = vector.broadcast %get3A_11 : vector<1000x1xf32> to vector<1000x128xf32>
    %mul3A_12 = arith.mulf %add3A, %mul3A : vector<1000x128xf32>
    %get3A_13 = arith.constant 0 : index
    %get3A_14 = arith.constant 0 : index
    %get3A_15 = vector.load %arg4[%get3A_13, %get3A_14] : memref<128x128xf32, #tpu.memory_space<vmem>>, vector<128x128xf32>
    %dot_general3A = arith.constant dense<0.000000e+00> : vector<1000x128xf32>
    %dot_general3A_16 = tpu.matmul %mul3A_12, %get3A_15, %dot_general3A {dimension_numbers = #tpu.dot_dimension_numbers<[1], [0], [0], [1], [0, 0, 1, 1], [], []>, transpose_lhs_hint = false} : vector<1000x128xf32>, vector<128x128xf32>, vector<1000x128xf32> -> vector<1000x128xf32>
    %get3A_17 = arith.constant 0 : index
    %get3A_18 = arith.constant 0 : index
    %get3A_19 = vector.load %arg5[%get3A_17, %get3A_18] : memref<1x128xf32, #tpu.memory_space<vmem>>, vector<1x128xf32>
    %add3A_20 = vector.broadcast %get3A_19 : vector<1x128xf32> to vector<1000x128xf32>
    %add3A_21 = arith.addf %dot_general3A_16, %add3A_20 : vector<1000x128xf32>
    %max3A = arith.constant 0.000000e+00 : f32
    %max3A_22 = vector.broadcast %max3A : f32 to vector<1000x128xf32>
    %max3A_23 = arith.maximumf %add3A_21, %max3A_22 : vector<1000x128xf32>
    %get3A_24 = arith.constant 0 : index
    %get3A_25 = arith.constant 0 : index
    %get3A_26 = vector.load %arg3[%get3A_24, %get3A_25] : memref<1000x128xf32, #tpu.memory_space<vmem>>, vector<1000x128xf32>
    %add3A_27 = arith.addf %max3A_23, %get3A_26 : vector<1000x128xf32>
    %get3A_28 = arith.constant 0 : index
    %get3A_29 = arith.constant 0 : index
    %get3A_30 = vector.load %arg6[%get3A_28, %get3A_29] : memref<1000x1xf32, #tpu.memory_space<vmem>>, vector<1000x1xf32>
    %mul3A_31 = vector.broadcast %get3A_30 : vector<1000x1xf32> to vector<1000x128xf32>
    %mul3A_32 = arith.mulf %add3A_27, %mul3A_31 : vector<1000x128xf32>
    %swap3A = arith.constant 0 : index
    %swap3A_33 = arith.constant 0 : index
    %swap3A_34 = vector.load %arg9[%swap3A, %swap3A_33] : memref<1000x128xf32, #tpu.memory_space<vmem>>, vector<1000x128xf32>
    tpu.vector_store %arg9[%swap3A, %swap3A_33], %mul3A_32 {strides = array<i32>} : memref<1000x128xf32, #tpu.memory_space<vmem>>, vector<1000x128xf32>,
    %get3A_35 = arith.constant 0 : index
    %get3A_36 = arith.constant 0 : index
    %get3A_37 = vector.load %arg7[%get3A_35, %get3A_36] : memref<128x128xf32, #tpu.memory_space<vmem>>, vector<128x128xf32>
    %dot_general3A_38 = arith.constant dense<0.000000e+00> : vector<1000x128xf32>
    %dot_general3A_39 = tpu.matmul %add3A_27, %get3A_37, %dot_general3A_38 {dimension_numbers = #tpu.dot_dimension_numbers<[1], [0], [0], [1], [0, 0, 1, 1], [], []>, transpose_lhs_hint = false} : vector<1000x128xf32>, vector<128x128xf32>, vector<1000x128xf32> -> vector<1000x128xf32>
    %get3A_40 = arith.constant 0 : index
    %get3A_41 = arith.constant 0 : index
    %get3A_42 = vector.load %arg8[%get3A_40, %get3A_41] : memref<1x128xf32, #tpu.memory_space<vmem>>, vector<1x128xf32>
    %add3A_43 = vector.broadcast %get3A_42 : vector<1x128xf32> to vector<1000x128xf32>
    %add3A_44 = arith.addf %dot_general3A_39, %add3A_43 : vector<1000x128xf32>
    %max3A_45 = arith.constant 0.000000e+00 : f32
    %max3A_46 = vector.broadcast %max3A_45 : f32 to vector<1000x128xf32>
    %max3A_47 = arith.maximumf %add3A_44, %max3A_46 : vector<1000x128xf32>
    %swap3A_48 = arith.constant 0 : index
    %swap3A_49 = arith.constant 0 : index
    %swap3A_50 = vector.load %arg10[%swap3A_48, %swap3A_49] : memref<1000x128xf32, #tpu.memory_space<vmem>>, vector<1000x128xf32>
    tpu.vector_store %arg10[%swap3A_48, %swap3A_49], %max3A_47 {strides = array<i32>} : memref<1000x128xf32, #tpu.memory_space<vmem>>, vector<1000x128xf32>,
    return
  }
  func.func @transform_0(%arg0: i32) -> (i32, i32, i32) {
    %c0_i32 = arith.constant 0 : i32
    %c0_i32_0 = arith.constant 0 : i32
    %c0_i32_1 = arith.constant 0 : i32
    return %c0_i32, %arg0, %c0_i32_0 : i32, i32, i32
  }
  func.func @transform_1(%arg0: i32) -> (i32, i32) {
    %c0_i32 = arith.constant 0 : i32
    %c0_i32_0 = arith.constant 0 : i32
    return %arg0, %c0_i32 : i32, i32
  }
  func.func @transform_2(%arg0: i32) -> (i32, i32) {
    %c0_i32 = arith.constant 0 : i32
    %c0_i32_0 = arith.constant 0 : i32
    return %arg0, %c0_i32 : i32, i32
  }
  func.func @transform_3(%arg0: i32) -> (i32, i32) {
    %c0_i32 = arith.constant 0 : i32
    %c0_i32_0 = arith.constant 0 : i32
    %c0_i32_1 = arith.constant 0 : i32
    return %c0_i32, %c0_i32_0 : i32, i32
  }
  func.func @transform_4(%arg0: i32) -> (i32, i32) {
    %c0_i32 = arith.constant 0 : i32
    %c0_i32_0 = arith.constant 0 : i32
    %c0_i32_1 = arith.constant 0 : i32
    return %c0_i32, %c0_i32_0 : i32, i32
  }
  func.func @transform_5(%arg0: i32) -> (i32, i32) {
    %c0_i32 = arith.constant 0 : i32
    %c0_i32_0 = arith.constant 0 : i32
    return %arg0, %c0_i32 : i32, i32
  }
  func.func @transform_6(%arg0: i32) -> (i32, i32) {
    %c0_i32 = arith.constant 0 : i32
    %c0_i32_0 = arith.constant 0 : i32
    %c0_i32_1 = arith.constant 0 : i32
    return %c0_i32, %c0_i32_0 : i32, i32
  }
  func.func @transform_7(%arg0: i32) -> (i32, i32) {
    %c0_i32 = arith.constant 0 : i32
    %c0_i32_0 = arith.constant 0 : i32
    %c0_i32_1 = arith.constant 0 : i32
    return %c0_i32, %c0_i32_0 : i32, i32
  }
  func.func @transform_8(%arg0: i32) -> (i32, i32) {
    %c0_i32 = arith.constant 0 : i32
    %c0_i32_0 = arith.constant 0 : i32
    return %arg0, %c0_i32 : i32, i32
  }
  func.func @transform_9(%arg0: i32) -> (i32, i32) {
    %c0_i32 = arith.constant 0 : i32
    %c0_i32_0 = arith.constant 0 : i32
    return %arg0, %c0_i32 : i32, i32
  }
}

module attributes {stable_mosaic.version = 14 : i64} {
  func.func @_final_body(%arg0: i32, %arg1: memref<2x1000x128xf32, #tpu.memory_space<vmem>>, %arg2: memref<1000x1xf32, #tpu.memory_space<vmem>>, %arg3: memref<1000x128xf32, #tpu.memory_space<vmem>>, %arg4: memref<128x128xf32, #tpu.memory_space<vmem>>, %arg5: memref<1x128xf32, #tpu.memory_space<vmem>>, %arg6: memref<128x1xf32, #tpu.memory_space<vmem>>, %arg7: memref<1x1xf32, #tpu.memory_space<vmem>>, %arg8: memref<1x256xf32, #tpu.memory_space<vmem>>) attributes {dimension_semantics = [#tpu.dimension_semantics<arbitrary>], iteration_bounds = array<i64: 10>, scalar_prefetch = 0 : i64, scratch_operands = 0 : i64, tpu.core_type = #tpu.core_type<tc>, window_params = [{transform_indices = @transform_0, window_bounds = array<i64: 2, 1000, 128>}, {transform_indices = @transform_1, window_bounds = array<i64: 1000, 1>}, {transform_indices = @transform_2, window_bounds = array<i64: 1000, 128>}, {pipeline_mode = #tpu.pipeline_mode<synchronous>, transform_indices = @transform_3, window_bounds = array<i64: 128, 128>}, {pipeline_mode = #tpu.pipeline_mode<synchronous>, transform_indices = @transform_4, window_bounds = array<i64: 1, 128>}, {pipeline_mode = #tpu.pipeline_mode<synchronous>, transform_indices = @transform_5, window_bounds = array<i64: 128, 1>}, {pipeline_mode = #tpu.pipeline_mode<synchronous>, transform_indices = @transform_6, window_bounds = array<i64: 1, 1>}, {pipeline_mode = #tpu.pipeline_mode<synchronous>, transform_indices = @transform_7, window_bounds = array<i64: 1, 256>}]} {
    %get3A = arith.constant 0 : index
    %get3A_0 = arith.constant 0 : index
    %get3A_1 = arith.constant 0 : index
    %get3A_2 = vector.load %arg1[%get3A, %get3A_0, %get3A_1] : memref<2x1000x128xf32, #tpu.memory_space<vmem>>, vector<1x1000x128xf32>
    %get3A_3 = vector.shape_cast %get3A_2 : vector<1x1000x128xf32> to vector<1000x128xf32>
    %get3A_4 = arith.constant 1 : index
    %get3A_5 = arith.constant 0 : index
    %get3A_6 = arith.constant 0 : index
    %get3A_7 = vector.load %arg1[%get3A_4, %get3A_5, %get3A_6] : memref<2x1000x128xf32, #tpu.memory_space<vmem>>, vector<1x1000x128xf32>
    %get3A_8 = vector.shape_cast %get3A_7 : vector<1x1000x128xf32> to vector<1000x128xf32>
    %add3A = arith.addf %get3A_3, %get3A_8 : vector<1000x128xf32>
    %get3A_9 = arith.constant 0 : index
    %get3A_10 = arith.constant 0 : index
    %get3A_11 = vector.load %arg2[%get3A_9, %get3A_10] : memref<1000x1xf32, #tpu.memory_space<vmem>>, vector<1000x1xf32>
    %mul3A = vector.broadcast %get3A_11 : vector<1000x1xf32> to vector<1000x128xf32>
    %mul3A_12 = arith.mulf %add3A, %mul3A : vector<1000x128xf32>
    %get3A_13 = arith.constant 0 : index
    %get3A_14 = arith.constant 0 : index
    %get3A_15 = vector.load %arg4[%get3A_13, %get3A_14] : memref<128x128xf32, #tpu.memory_space<vmem>>, vector<128x128xf32>
    %dot_general3A = arith.constant dense<0.000000e+00> : vector<1000x128xf32>
    %dot_general3A_16 = tpu.matmul %mul3A_12, %get3A_15, %dot_general3A {dimension_numbers = #tpu.dot_dimension_numbers<[1], [0], [0], [1], [0, 0, 1, 1], [], []>, transpose_lhs_hint = false} : vector<1000x128xf32>, vector<128x128xf32>, vector<1000x128xf32> -> vector<1000x128xf32>
    %get3A_17 = arith.constant 0 : index
    %get3A_18 = arith.constant 0 : index
    %get3A_19 = vector.load %arg5[%get3A_17, %get3A_18] : memref<1x128xf32, #tpu.memory_space<vmem>>, vector<1x128xf32>
    %add3A_20 = vector.broadcast %get3A_19 : vector<1x128xf32> to vector<1000x128xf32>
    %add3A_21 = arith.addf %dot_general3A_16, %add3A_20 : vector<1000x128xf32>
    %max3A = arith.constant 0.000000e+00 : f32
    %max3A_22 = vector.broadcast %max3A : f32 to vector<1000x128xf32>
    %max3A_23 = arith.maximumf %add3A_21, %max3A_22 : vector<1000x128xf32>
    %get3A_24 = arith.constant 0 : index
    %get3A_25 = arith.constant 0 : index
    %get3A_26 = vector.load %arg3[%get3A_24, %get3A_25] : memref<1000x128xf32, #tpu.memory_space<vmem>>, vector<1000x128xf32>
    %add3A_27 = arith.addf %max3A_23, %get3A_26 : vector<1000x128xf32>
    %get3A_28 = arith.constant 0 : index
    %get3A_29 = arith.constant 0 : index
    %get3A_30 = vector.load %arg6[%get3A_28, %get3A_29] : memref<128x1xf32, #tpu.memory_space<vmem>>, vector<128x1xf32>
    %dot_general3A_31 = arith.constant dense<0.000000e+00> : vector<1000x1xf32>
    %dot_general3A_32 = tpu.matmul %add3A_27, %get3A_30, %dot_general3A_31 {dimension_numbers = #tpu.dot_dimension_numbers<[1], [0], [0], [1], [0, 0, 1, 1], [], []>, transpose_lhs_hint = false} : vector<1000x128xf32>, vector<128x1xf32>, vector<1000x1xf32> -> vector<1000x1xf32>
    %get3A_33 = arith.constant 0 : index
    %get3A_34 = arith.constant 0 : index
    %get3A_35 = vector.load %arg7[%get3A_33, %get3A_34] : memref<1x1xf32, #tpu.memory_space<vmem>>, vector<1x1xf32>
    %add3A_36 = vector.broadcast %get3A_35 : vector<1x1xf32> to vector<1000x1xf32>
    %add3A_37 = arith.addf %dot_general3A_32, %add3A_36 : vector<1000x1xf32>
    %logistic3A = arith.negf %add3A_37 : vector<1000x1xf32>
    %logistic3A_38 = math.exp %logistic3A : vector<1000x1xf32>
    %logistic3A_39 = arith.constant 1.000000e+00 : f32
    %logistic3A_40 = vector.broadcast %logistic3A_39 : f32 to vector<1000x1xf32>
    %logistic3A_41 = arith.addf %logistic3A_40, %logistic3A_38 : vector<1000x1xf32>
    %logistic3A_42 = arith.divf %logistic3A_40, %logistic3A_41 : vector<1000x1xf32>
    %mul3A_43 = vector.broadcast %logistic3A_42 : vector<1000x1xf32> to vector<1000x128xf32>
    %mul3A_44 = arith.mulf %mul3A_43, %add3A_27 : vector<1000x128xf32>
    %reduce_sum3A = arith.constant dense<0.000000e+00> : vector<128xf32>
    %reduce_sum3A_45 = vector.multi_reduction <add>, %mul3A_44, %reduce_sum3A [0] : vector<1000x128xf32> to vector<128xf32>
    %broadcast_in_dim3A = vector.shape_cast %reduce_sum3A_45 : vector<128xf32> to vector<1x128xf32>
    %reduce_max3A = arith.constant dense<0xFF800000> : vector<128xf32>
    %reduce_max3A_46 = vector.multi_reduction <maximumf>, %add3A_27, %reduce_max3A [0] : vector<1000x128xf32> to vector<128xf32>
    %broadcast_in_dim3A_47 = vector.shape_cast %reduce_max3A_46 : vector<128xf32> to vector<1x128xf32>
    %eq3A = arith.constant 0 : i32
    %eq3A_48 = arith.cmpi eq, %arg0, %eq3A : i32
    %convert_element_type3A = arith.extui %eq3A_48 : i1 to i32
    %cond3A = arith.constant 0 : i32
    %cond3A_49 = arith.cmpi ne, %convert_element_type3A, %cond3A : i32
    scf.if %cond3A_49 {
      %concatenate3A = tpu.concatenate %broadcast_in_dim3A, %broadcast_in_dim3A_47 in 1 : vector<1x128xf32>, vector<1x128xf32> -> vector<1x256xf32>
      %swap3A = arith.constant 0 : index
      %swap3A_54 = arith.constant 0 : index
      %swap3A_55 = vector.load %arg8[%swap3A, %swap3A_54] : memref<1x256xf32, #tpu.memory_space<vmem>>, vector<1x256xf32>
      tpu.vector_store %arg8[%swap3A, %swap3A_54], %concatenate3A {strides = array<i32>} : memref<1x256xf32, #tpu.memory_space<vmem>>, vector<1x256xf32>,
    } else {
    }
    %gt3A = arith.constant 0 : i32
    %gt3A_50 = arith.cmpi sgt, %arg0, %gt3A : i32
    %convert_element_type3A_51 = arith.extui %gt3A_50 : i1 to i32
    %cond3A_52 = arith.constant 0 : i32
    %cond3A_53 = arith.cmpi ne, %convert_element_type3A_51, %cond3A_52 : i32
    scf.if %cond3A_53 {
      %get3A_54 = arith.constant 0 : index
      %get3A_55 = arith.constant 0 : index
      %get3A_56 = vector.load %arg8[%get3A_54, %get3A_55] : memref<1x256xf32, #tpu.memory_space<vmem>>, vector<1x256xf32>
      %slice3A = vector.extract_strided_slice %get3A_56 {offsets = [0, 0], sizes = [1, 128], strides = [1, 1]} : vector<1x256xf32> to vector<1x128xf32>
      %add3A_57 = arith.addf %slice3A, %broadcast_in_dim3A : vector<1x128xf32>
      %slice3A_58 = vector.extract_strided_slice %get3A_56 {offsets = [0, 128], sizes = [1, 128], strides = [1, 1]} : vector<1x256xf32> to vector<1x128xf32>
      %max3A_59 = arith.maximumf %slice3A_58, %broadcast_in_dim3A_47 : vector<1x128xf32>
      %concatenate3A = tpu.concatenate %add3A_57, %max3A_59 in 1 : vector<1x128xf32>, vector<1x128xf32> -> vector<1x256xf32>
      %swap3A = arith.constant 0 : index
      %swap3A_60 = arith.constant 0 : index
      %swap3A_61 = vector.load %arg8[%swap3A, %swap3A_60] : memref<1x256xf32, #tpu.memory_space<vmem>>, vector<1x256xf32>
      tpu.vector_store %arg8[%swap3A, %swap3A_60], %concatenate3A {strides = array<i32>} : memref<1x256xf32, #tpu.memory_space<vmem>>, vector<1x256xf32>,
    } else {
    }
    return
  }
  func.func @transform_0(%arg0: i32) -> (i32, i32, i32) {
    %c0_i32 = arith.constant 0 : i32
    %c0_i32_0 = arith.constant 0 : i32
    %c0_i32_1 = arith.constant 0 : i32
    return %c0_i32, %arg0, %c0_i32_0 : i32, i32, i32
  }
  func.func @transform_1(%arg0: i32) -> (i32, i32) {
    %c0_i32 = arith.constant 0 : i32
    %c0_i32_0 = arith.constant 0 : i32
    return %arg0, %c0_i32 : i32, i32
  }
  func.func @transform_2(%arg0: i32) -> (i32, i32) {
    %c0_i32 = arith.constant 0 : i32
    %c0_i32_0 = arith.constant 0 : i32
    return %arg0, %c0_i32 : i32, i32
  }
  func.func @transform_3(%arg0: i32) -> (i32, i32) {
    %c0_i32 = arith.constant 0 : i32
    %c0_i32_0 = arith.constant 0 : i32
    %c0_i32_1 = arith.constant 0 : i32
    return %c0_i32, %c0_i32_0 : i32, i32
  }
  func.func @transform_4(%arg0: i32) -> (i32, i32) {
    %c0_i32 = arith.constant 0 : i32
    %c0_i32_0 = arith.constant 0 : i32
    %c0_i32_1 = arith.constant 0 : i32
    return %c0_i32, %c0_i32_0 : i32, i32
  }
  func.func @transform_5(%arg0: i32) -> (i32, i32) {
    %c0_i32 = arith.constant 0 : i32
    %c0_i32_0 = arith.constant 0 : i32
    %c0_i32_1 = arith.constant 0 : i32
    return %c0_i32, %c0_i32_0 : i32, i32
  }
  func.func @transform_6(%arg0: i32) -> (i32, i32) {
    %c0_i32 = arith.constant 0 : i32
    %c0_i32_0 = arith.constant 0 : i32
    %c0_i32_1 = arith.constant 0 : i32
    return %c0_i32, %c0_i32_0 : i32, i32
  }
  func.func @transform_7(%arg0: i32) -> (i32, i32) {
    %c0_i32 = arith.constant 0 : i32
    %c0_i32_0 = arith.constant 0 : i32
    %c0_i32_1 = arith.constant 0 : i32
    return %c0_i32, %c0_i32_0 : i32, i32
  }
}

</mosaic_0001>

<sc_bundles>
// kernel: kernel.11.cloned.1.call-start
scs
__scs_entry_jumppad:
0x0: {  	(pc) =	sbr.rel $0x88, $3  }
0x1: {  	(tag) =	ssettag $0x0;
	lr =	simm.s32 $0x1  }
0x2: {  	[smem:$0x3F95] =	sst lr;
	_ =	strace $0xD0000000  }
0x3: {  	_ = 	snop  }
0x4: {  	_ = 	snop  }
0x5: {  	_ = 	snop  }
0x6: {  	_ = 	snop  }
0x7: {  	_ = 	snop  }
__scs_overlays_trampoline_lowered:
0x8: {  	[smem:$0x3FA4] =	sst s0  }
0x9: {  	[smem:$0x3FA5] =	sst s1  }
0xa: {  	[smem:$0x3FA6] =	sst s2  }
0xb: {  	[smem:$0x3FA7] =	sst s3  }
0xc: {  	[smem:$0x3FA8] =	sst s4  }
0xd: {  	[smem:$0x3FA9] =	sst s5  }
0xe: {  	[smem:$0x3FAA] =	sst s6  }
0xf: {  	[smem:$0x3FAB] =	sst s7  }
0x10: {  	[smem:$0x3FAC] =	sst s8  }
0x11: {  	[smem:$0x3FAD] =	sst s9;
	s0 =	simm.s32 @!p0 $0x0  }
0x12: {  	s1 =	sld [smem:$0x3F93];
	s0 =	simm.s32 @p0 $0x1  }
0x13: {  	[smem:$0x3FAE] =	sst s0;
	s0 =	simm.s32 @!p1 $0x0  }
0x14: {  	s2 =	sld [smem:$0x3F92];
	s0 =	simm.s32 @p1 $0x1  }
0x15: {  	[smem:$0x3FAF] =	sst s0;
	s0 =	simm.s32 @!p2 $0x0  }
0x16: {  	s3 =	sld [smem:$0x3FDB];
	s0 =	simm.s32 @p2 $0x1  }
0x17: {  	s4 =	simm.s32 $0x1BF5;
	[smem:$0x3FB1] =	sst s0  }
0x18: {  	s0 =	sld [smem:$0x3F94];
	_ =	swait.ge [sflag:s4], $0x0  }
0x19: {  	s7 =	sld [smem:$0x3F95]  }
0x1a: {  	s8 =	sadd.s32 $0xFFFFE003, lr  }
0x1b: {  	s9 =	sadd.s32 $0xFFFFFEF7, lr;
	s5 =	simm.s32 $0xFFFFFFFF;
	p2 =	slt.u32 s8, $0xFFFFF086  }
0x1c: {  	p1 =	slt.u32 s9, $0xF7A;
	s5 =	simm.s32 @!p2 $0x0  }
0x1d: {  	s5 =	simm.s32 @p1 $0x1;
	p0 =	seq.s32 s7, s2  }
0x1e: {  	s7 =	smul.u32 @!p0 $0xF7A, s2;
	p2 =	seq.s32 @!p0 s5, $0x0  }
0x1f: {  	s9 =	smul.u32 $0xF7A, s1;
	s8 =	simm.s32 @!p0 $0x1BF5;
	p2 =	por !p2, p0  }
0x20: {  	[sflag:s8] =	ssyncset.s32 @!p0 $0xFFFFF086;
	s6 =	sadd.s32 @!p0 s3, s7;
	s7 =	simm.s32 @!p0 $0x108  }
0x21: {  	s3 =	sadd.s32 s3, s9;
	s6 =	sadd.s32 @!p0 $0x88, s6;
	s7 =	simm.s32 @p2 $0x1082  }
0x22: {  	[simem:s7], [sflag:s8] =	dma.local @!p0 [hbm:s6], $0xF7A  }
0x23: {  	s9 =	sor.u32 $0xD0000000, s2;
	s6 =	simm.s32 $0x108;
	_ =	swait.ge @!p0 [sflag:s8], $0x0  }
0x24: {  	s3 =	sadd.s32 $0x88, s3;
	s6 =	simm.s32 @!p1 $0x1082;
	[sflag:s4] =	ssyncset.s32 $0xFFFFF086  }
0x25: {  	[simem:s6], [sflag:s4] =	dma.local [hbm:s3], $0xF7A  }
0x26: {  	[smem:$0x3F95] =	sst s1;
	(tag) =	ssettag s2;
	_ =	strace s9  }
0x27: {  	s1 =	sld [smem:$0x3FA5]  }
0x28: {  	s2 =	sld [smem:$0x3FA6]  }
0x29: {  	s4 =	sld [smem:$0x3FA8]  }
0x2a: {  	p0 =	seq.s32 s5, $0x0;
	s5 =	sld [smem:$0x3FA9]  }
0x2b: {  	s6 =	sld [smem:$0x3FAA]  }
0x2c: {  	s7 =	sld [smem:$0x3FAB]  }
0x2d: {  	s3 =	simm.s32 $0x108;
	s8 =	sld [smem:$0x3FAC]  }
0x2e: {  	s3 =	simm.s32 @!p0 $0x1082;
	s9 =	sld [smem:$0x3FAD]  }
0x2f: {  	lr =	sadd.s32 s0, s3;
	s0 =	sld [smem:$0x3FA4]  }
0x30: {  	s3 =	sld [smem:$0x3FA7]  }
0x31: {  	[smem:$0x3FB0] =	sst s10  }
0x32: {  	s10 =	sld [smem:$0x3FAE];
	_ =	sdelay $0x3  }
0x33: {  	p0 =	seq.s32 s10, $0x1;
	s10 =	sld [smem:$0x3FB0];
	_ =	sdelay $0x3  }
0x34: {  	[smem:$0x3FB0] =	sst s10  }
0x35: {  	s10 =	sld [smem:$0x3FAF];
	_ =	sdelay $0x3  }
0x36: {  	p1 =	seq.s32 s10, $0x1;
	s10 =	sld [smem:$0x3FB0];
	_ =	sdelay $0x3  }
0x37: {  	[smem:$0x3FB0] =	sst s10  }
0x38: {  	s10 =	sld [smem:$0x3FB1]  }
0x39: {  	_ = 	snop;
	(pc) =	sbr.ind lr, $3  }
0x3a: {  	_ = 	snop  }
0x3b: {  	_ = 	snop  }
0x3c: {  	p2 =	seq.s32 s10, $0x1;
	s10 =	sld [smem:$0x3FB0]  }
0x3d: {  	_ =	shalt  }
0x3e: {  	_ =	shalt  }
0x3f: {  	_ =	shalt  }
0x40: {  	_ =	shalt  }
0x41: {  	_ =	shalt  }
0x42: {  	_ =	shalt  }
0x43: {  	_ =	shalt  }
0x44: {  	_ =	shalt  }
0x45: {  	_ =	shalt  }
0x46: {  	_ =	shalt  }
0x47: {  	_ =	shalt  }
0x48: {  	_ =	shalt  }
0x49: {  	_ =	shalt  }
0x4a: {  	_ =	shalt  }
0x4b: {  	_ =	shalt  }
0x4c: {  	_ =	shalt  }
0x4d: {  	_ =	shalt  }
0x4e: {  	_ =	shalt  }
0x4f: {  	_ =	shalt  }
0x50: {  	_ =	shalt  }
0x51: {  	_ =	shalt  }
0x52: {  	_ =	shalt  }
0x53: {  	_ =	shalt  }
0x54: {  	_ =	shalt  }
0x55: {  	_ =	shalt  }
0x56: {  	_ =	shalt  }
0x57: {  	_ =	shalt  }
0x58: {  	_ =	shalt  }
0x59: {  	_ =	shalt  }
0x5a: {  	_ =	shalt  }
0x5b: {  	_ =	shalt  }
0x5c: {  	_ =	shalt  }
0x5d: {  	_ =	shalt  }
0x5e: {  	_ =	shalt  }
0x5f: {  	_ =	shalt  }
0x60: {  	_ =	shalt  }
0x61: {  	_ =	shalt  }
0x62: {  	_ =	shalt  }
0x63: {  	_ =	shalt  }
0x64: {  	_ =	shalt  }
0x65: {  	_ =	shalt  }
0x66: {  	_ =	shalt  }
0x67: {  	_ =	shalt  }
0x68: {  	_ =	shalt  }
0x69: {  	_ =	shalt  }
0x6a: {  	_ =	shalt  }
0x6b: {  	_ =	shalt  }
0x6c: {  	_ =	shalt  }
0x6d: {  	_ =	shalt  }
0x6e: {  	_ =	shalt  }
0x6f: {  	_ =	shalt  }
0x70: {  	_ =	shalt  }
0x71: {  	_ =	shalt  }
0x72: {  	_ =	shalt  }
0x73: {  	_ =	shalt  }
0x74: {  	_ =	shalt  }
0x75: {  	_ =	shalt  }
0x76: {  	_ =	shalt  }
0x77: {  	_ =	shalt  }
0x78: {  	_ =	shalt  }
0x79: {  	_ =	shalt  }
0x7a: {  	_ =	shalt  }
0x7b: {  	_ =	shalt  }
0x7c: {  	_ =	shalt  }
0x7d: {  	_ =	shalt  }
0x7e: {  	_ =	shalt  }
0x7f: {  	_ =	shalt  }
0x80: {  	_ =	shalt  }
0x81: {  	_ =	shalt  }
0x82: {  	_ =	shalt  }
0x83: {  	_ =	shalt  }
0x84: {  	_ =	shalt  }
0x85: {  	_ =	shalt  }
0x86: {  	_ =	shalt  }
0x87: {  	_ =	shalt  }
.Lfunc_end0:
.L_simem_size_0:
called_computation.1_lowered:
.L_overlay_start_0:
0x88: {  	s2 =	sld [smem:$0x3FD9]  }
0x89: {  	s3 =	sld [smem:$0x3FFE];
	_ =	sdelay $0x1  }
0x8a: {  	s1 =	srdreg.scid  }
0x8b: {  	s0 =	sand.u32 $0x1, s1  }
0x8c: {  	s16 =	sshll.u32 s0, $0xA;
	s2 =	sadd.s32 s3, s2  }
0x8d: {  	s2 =	sadd.s32 s2, s16  }
0x8e: {  	[smem:$0x3FBC] =	sst s2  }
0x8f: {  	_ = 	snop  }
0x90: {  	(tm) =	ssettm $0x1  }
0x91: {  	s17 =	sld [smem:$0x3FFB];
	_ =	sdelay $0x3  }
0x92: {  	_ =	strace s17  }
0x93: {  	s2 =	sld [smem:$0x3FFC];
	_ =	sdelay $0x3  }
0x94: {  	_ =	strace s2  }
0x95: {  	s2 =	sld [smem:$0x3FFD];
	_ =	sdelay $0x3  }
0x96: {  	_ =	strace s2  }
0x97: {  	_ =	strace $0x8FFFFFFF  }
0x98: {  	s18 =	sld [smem:$0x3FDB];
	_ =	sdelay $0x1  }
0x99: {  	s19 =	simm.s32 $_scs_section_size  }
0x9a: {  	s4 =	simm.s32 $_size__tile_overlayer_lowered;
	s5 =	simm.s32 $_tile_overlayer_lowered  }
0x9b: {  	s22 =	simm.s32 $0x1BFF;
	s21 =	sshll.u32 s5, $0x1;
	s2 =	sadd.s32 s19, s18  }
0x9c: {  	s6 =	simm.s32 $0x0;
	s20 =	sshll.u32 s4, $0x1;
	s4 =	sadd.s32 s21, s2  }
0x9d: {  	[timem:s6], [sflag:s22] =	dma.local [hbm:s4], s20  }
0x9e: {  	_ =	swait.ge [sflag:s22], s20  }
0x9f: {  	s3 =	ssub.s32 $0x0, s20;
	[sflag:s22] =	ssyncset.done $0x0  }
0xa0: {  	[sflag:s22] =	ssyncadd.s32 s3;
	_ =	sdelay $0x1  }
0xa1: {  	s23 =	simm.s32 $0x1B8B  }
0xa2: {  	_ =	swait.ge [sflag:s23], $0x1  }
0xa3: {  	[sflag:s23] =	ssyncset.done $0x0  }
0xa4: {  	s25 =	simm.s32 $0x1B8E;
	s24 =	sld [smem:$0x3FFE];
	[sflag:s23] =	ssyncadd.s32 $0xFFFFFFFF  }
0xa5: {  	s26 =	simm.s32 $execute0_lowered;
	[smem:$0x3FD2] =	sst s25  }
0xa6: {  	s4 =	sshll.u32 s26, $0x1;
	_ =	strace $0x80000049;
	[dreg:$0x1] =	wrdreg $0xFFFFFFFF  }
0xa7: {  	s28 =	simm.s32 $_size_execute0_lowered;
	s2 =	sadd.s32 s2, s4;
	[dreg:$0x0] =	wrdreg $0x0  }
0xa8: {  	s4 =	sshll.u32 s28, $0x1;
	[dreg:$0x2] =	wrdreg s2  }
0xa9: {  	[dreg:$0x3] =	wrdreg s4  }
0xaa: {  	[dreg:$0x4] =	wrdreg $0xC0  }
0xab: {  	_ =	task [dreg:s6], $0x5FFFF  }
0xac: {  	[dreg:$0x1] =	wrdreg $0xFFFFFFFF  }
0xad: {  	[dreg:$0x0] =	wrdreg $0x60  }
0xae: {  	[dreg:$0x2] =	wrdreg s24  }
0xaf: {  	[dreg:$0x3] =	wrdreg $0xA1000  }
0xb0: {  	[dreg:$0x4] =	wrdreg $0x9  }
0xb1: {  	_ =	task.clear_ibuf [dreg:s6], $0x5FFFF;
	_ =	strace $0x90000049  }
0xb2: {  	s29 =	simm.s32 $0x9;
	_ =	strace $0x8000004B  }
0xb3: {  	_ =	swait.ge [sflag:s29], $0x1  }
0xb4: {  	[sflag:s29] =	ssyncadd.s32 $0xFFFFFFFF  }
0xb5: {  	_ =	strace $0x9000004B  }
0xb6: {  	_ =	sfence  }
0xb7: {  	s30 =	sld [smem:$0x0];
	_ =	sdelay $0x2  }
0xb8: {  	s31 =	sshll.u32 s1, $0xD;
	s1 =	sshrl.u32 s1, $0x2  }
0xb9: {  	s3 =	sand.u32 $0x4000, s31;
	s1 =	sadd.s32 s1, s30  }
0xba: {  	s0 =	sor.u32 s3, s0;
	s1 =	sshll.u32 s1, $0x11  }
0xbb: {  	s0 =	sor.u32 s1, s0  }
0xbc: {  	s0 =	sadd.s32 $0x8F2B, s0  }
0xbd: {  	[sflag:s0] =	ssyncadd.remote.s32 $0x1  }
0xbe: {  	_ =	sfence.sel $0xFFFF  }
0xbf: {  	[dreg:$0x0] =	wrdreg $0xFFFFFFFF;
	(pc) =	sbr.abs _section_cstart, $3  }
0xc0: {  	[dreg:$0x1] =	wrdreg $0xFFFFFFFF  }
0xc1: {  	_ =	task.clear_ibuf [dreg:s6], $0x2FFFF;
	_ =	strace $0x9FFFFFFF  }
0xc2: {  	(tm) =	ssettm $0x7FFFFFFF  }
0xc3: {  	_ =	shalt  }
tec
execute0_lowered:
.L_overlay_start_1:
0x0: {  	(tag) =	ssettag $0x1  }
0x1: {  	s0 =	rddreg [dreg:$0x0]  }
0x2: {  	s1 =	srdreg.scid;
	s2 =	rddreg [dreg:$0x1]  }
0x3: {  	s20 =	stileid.u32;
	s3 =	simm.s32 $0x0;
	s5 =	sand.u32 $0x1, s1  }
0x4: {  	s29 =	simm.s32 $0x5;
	s11 =	sor.u32 $0x10, s20;
	s10 =	smul.u32 $0x138800, s5  }
0x5: {  	s30 =	simm.s32 $0x8;
	s15 =	sor.u32 $0x20, s20;
	s13 =	smul.u32 $0x2800, s11  }
0x6: {  	s31 =	simm.s32 $0x3;
	s17 =	sor.u32 $0x30, s20;
	s14 =	smul.u32 $0x2800, s15  }
0x7: {  	[smem:$0x7FF] =	sst s3;
	s18 =	sor.u32 $0x40, s20;
	s16 =	smul.u32 $0x2800, s17  }
0x8: {  	s7 =	sadd.s32 $0x3400, s0;
	s19 =	sor.u32 $0x50, s20;
	s21 =	smul.u32 $0x2800, s18  }
0x9: {  	s8 =	sadd.s32 $0x65A00, s0;
	s1 =	sshll.u32 s5, $0x4;
	s23 =	smul.u32 $0x2800, s19  }
0xa: {  	s4 =	ssub.s32 $0x2, s5;
	s5 =	smul.u32 $0x27100, s5;
	s1 =	sor.u32 s20, s1  }
0xb: {  	_ =	strace $0x8000004A;
	s12 =	sshrl.u32 s4, $0x1;
	s1 =	smul.u32 $0x2710, s1  }
0xc: {  	s9 =	ssub.s32 s4, s12;
	s12 =	smul.u32 $0x2800, s20;
	s4 =	sor.u32 $0x60, s20  }
0xd: {  	s13 =	sadd.s32 s10, s13;
	s14 =	sadd.s32 s10, s14;
	s16 =	sadd.s32 s10, s16  }
0xe: {  	s24 =	sadd.s32 s10, s21;
	s13 =	sshrl.u32 s13, $0x3;
	s25 =	smul.u32 $0x2800, s4  }
0xf: {  	s22 =	sshrl.u32 s16, $0x3;
	s16 =	sadd.s32 $0x3E200, s0;
	s4 =	smul.u32 $0xA000, s4  }
0x10: {  	s6 =	sshrl.u32 s1, $0x3;
	s1 =	sor.u32 $0x70, s20;
	s12 =	sadd.s32 s10, s12  }
0x11: {  	s13 =	sadd.s32 s8, s13;
	s12 =	sshrl.u32 s12, $0x3;
	s26 =	smul.u32 $0x2800, s1  }
0x12: {  	[dreg:$0x4] =	wrdreg s13;
	s13 =	sadd.s32 s10, s23;
	s23 =	smul.u32 $0x2710, s20  }
0x13: {  	p0 =	sgt.u32 s1, $0x7C;
	s1 =	smul.u32 $0xA000, s1;
	s4 =	sshrl.u32 s4, $0x2  }
0x14: {  	s12 =	sadd.s32 s8, s12;
	s21 =	sshrl.u32 s13, $0x3;
	s28 =	sadd.s32 s4, s2  }
0x15: {  	s4 =	simm.s32 $0x2900;
	[dreg:$0x3] =	wrdreg s12;
	s12 =	sshrl.u32 s14, $0x3  }
0x16: {  	s5 =	sadd.s32 s23, s5;
	s23 =	smax.u32 s9, $0x1;
	[dreg:$0x14] =	wrdreg s28  }
0x17: {  	s9 =	smul.u32 $0xA000, s19;
	s12 =	sadd.s32 s8, s12;
	[dreg:$0xe] =	wrdreg s23  }
0x18: {  	[dreg:$0x5] =	wrdreg s12;
	s12 =	sadd.s32 s8, s22;
	s22 =	sadd.s32 s10, s25  }
0x19: {  	s10 =	sadd.s32 s10, s26;
	s25 =	sadd.s32 $0x230, s5;
	s26 =	sadd.s32 $0x1E0, s5  }
0x1a: {  	s5 =	sadd.s32 $0x190, s5;
	[dreg:$0x6] =	wrdreg s12;
	s12 =	sshrl.u32 s24, $0x3  }
0x1b: {  	s24 =	sshrl.u32 s22, $0x3;
	s10 =	sshrl.u32 s10, $0x3;
	s5 =	sshrl.u32 s5, $0x3  }
0x1c: {  	s22 =	smul.u32 $0xA000, s20;
	s12 =	sadd.s32 s8, s12;
	s14 =	sadd.s32 s5, s7  }
0x1d: {  	[dreg:$0x7] =	wrdreg s12;
	s12 =	sadd.s32 s8, s21;
	s21 =	smul.u32 $0xA000, s11  }
0x1e: {  	s11 =	sshrl.u32 s9, $0x2;
	s9 =	simm.s32 $0x7900;
	[dreg:$0x8] =	wrdreg s12  }
0x1f: {  	s12 =	sadd.s32 s8, s24;
	s8 =	sadd.s32 s8, s10;
	s24 =	smul.u32 $0xA000, s15  }
0x20: {  	s10 =	sshrl.u32 s26, $0x3;
	s26 =	smul.u32 $0xA000, s18;
	[dreg:$0x9] =	wrdreg s12  }
0x21: {  	s15 =	sshrl.u32 s1, $0x2;
	s1 =	simm.s32 $0xA;
	[dreg:$0xa] =	wrdreg s8  }
0x22: {  	s8 =	sshrl.u32 s25, $0x3;
	s13 =	sadd.s32 s10, s7;
	s10 =	sadd.s32 s6, s0  }
0x23: {  	s0 =	sadd.s32 $0x65400, s0;
	s25 =	smul.u32 $0xA000, s17;
	s12 =	sadd.s32 s8, s7  }
0x24: {  	s8 =	sadd.s32 s7, s6;
	[dreg:$0xc] =	wrdreg s0;
	s5 =	sadd.s32 $0xD200, s10  }
0x25: {  	s0 =	sshrl.u32 s22, $0x2;
	s6 =	sshrl.u32 s21, $0x2;
	[dreg:$0xd] =	wrdreg s5  }
0x26: {  	s21 =	sadd.s32 s0, s2;
	s17 =	sadd.s32 $0xA, s8;
	[dreg:$0xb] =	wrdreg s8  }
0x27: {  	s23 =	sadd.s32 s6, s2;
	s18 =	sadd.s32 $0x14, s8;
	[dreg:$0x17] =	wrdreg s17  }
0x28: {  	s5 =	sshrl.u32 s24, $0x2;
	s19 =	sadd.s32 $0x1E, s8;
	[dreg:$0x18] =	wrdreg s18  }
0x29: {  	s7 =	sshrl.u32 s25, $0x2;
	s22 =	sadd.s32 $0x28, s8;
	[dreg:$0x19] =	wrdreg s19  }
0x2a: {  	s0 =	sshrl.u32 s26, $0x2;
	s25 =	sadd.s32 s11, s2;
	[dreg:$0x1a] =	wrdreg s22  }
0x2b: {  	s26 =	sadd.s32 s15, s2;
	s6 =	simm.s32 $0x2780;
	[dreg:$0x12] =	wrdreg s25  }
0x2c: {  	s8 =	simm.s32 $0x2800;
	s11 =	simm.s32 $0x1;
	[dreg:$0x13] =	wrdreg s23  }
0x2d: {  	s15 =	simm.s32 $0x9;
	s24 =	sadd.s32 s5, s2;
	[dreg:$0x15] =	wrdreg s26  }
0x2e: {  	s10 =	sadd.s32 s7, s2;
	s20 =	sadd.s32 s0, s2;
	[dreg:$0x16] =	wrdreg s21  }
0x2f: {  	s5 =	simm.s32 $0x50;
	s22 =	simm.s32 $0x0;
	[dreg:$0x10] =	wrdreg s10  }
0x30: {  	s7 =	simm.s32 $0x5100;
	s17 =	simm.s32 $0x4;
	[dreg:$0x1b] =	wrdreg s22  }
0x31: {  	s18 =	simm.s32 $0x7;
	s19 =	simm.s32 $0x2;
	[dreg:$0xf] =	wrdreg s24  }
0x32: {  	s0 =	simm.s32 $0x6;
	s10 =	simm.s32 $0x2880;
	[dreg:$0x11] =	wrdreg s20  }
.LBB2_1:
0x33: {  	s22 =	rddreg [dreg:$0xd]  }
0x34: {  	[tilespmem:s3], [sflag:$0xA] =	stream.linear.gather [hbm4b:s22+s3], $0x2710, $0x38;
	[tilespmem:$0x1D980] =	vst v63  }
0x35: {  	_ =	swait.ge [sflag:s1], $0x2710  }
0x36: {  	[sflag:s1] =	ssyncset.done $0x0  }
0x37: {  	s22 =	rddreg [dreg:$0xc];
	[sflag:s1] =	ssyncadd.s32 $0xFFFFD8F0  }
0x38: {  	[tilespmem:s4], [sflag:$0xA] =	stream.linear.gather [hbm4b:s22+s3], $0x2800, $0x38;
	[tilespmem:$0x1D980] =	vst v63  }
0x39: {  	_ =	swait.ge [sflag:s1], $0x2800  }
0x3a: {  	[sflag:s1] =	ssyncset.done $0x0  }
0x3b: {  	[sflag:s1] =	ssyncadd.s32 $0xFFFFD800  }
0x3c: {  	[spmem:s21] =	stream.linear.scatter [tilespmem:s4], [sflag:$0xA], $0x2800, $0x38;
	[tilespmem:$0x1D980] =	vst v63  }
0x3d: {  	_ =	swait.ge [sflag:s1], $0x2800  }
0x3e: {  	[sflag:s1] =	ssyncset.done $0x0  }
0x3f: {  	[sflag:s1] =	ssyncadd.s32 $0xFFFFD800  }
0x40: {  	[spmem:s23] =	stream.linear.scatter [tilespmem:s4], [sflag:$0xA], $0x2800, $0x38;
	[tilespmem:$0x1D980] =	vst v63  }
0x41: {  	_ =	swait.ge [sflag:s1], $0x2800  }
0x42: {  	[sflag:s1] =	ssyncset.done $0x0  }
0x43: {  	[sflag:s1] =	ssyncadd.s32 $0xFFFFD800  }
0x44: {  	[spmem:s24] =	stream.linear.scatter [tilespmem:s4], [sflag:$0xA], $0x2800, $0x38;
	[tilespmem:$0x1D980] =	vst v63  }
0x45: {  	_ =	swait.ge [sflag:s1], $0x2800  }
0x46: {  	[sflag:s1] =	ssyncset.done $0x0  }
0x47: {  	s24 =	rddreg [dreg:$0x10];
	[sflag:s1] =	ssyncadd.s32 $0xFFFFD800  }
0x48: {  	[spmem:s24] =	stream.linear.scatter [tilespmem:s4], [sflag:$0xA], $0x2800, $0x38;
	[tilespmem:$0x1D980] =	vst v63  }
0x49: {  	_ =	swait.ge [sflag:s1], $0x2800  }
0x4a: {  	[sflag:s1] =	ssyncset.done $0x0  }
0x4b: {  	[sflag:s1] =	ssyncadd.s32 $0xFFFFD800  }
0x4c: {  	[spmem:s20] =	stream.linear.scatter [tilespmem:s4], [sflag:$0xA], $0x2800, $0x38;
	[tilespmem:$0x1D980] =	vst v63  }
0x4d: {  	_ =	swait.ge [sflag:s1], $0x2800  }
0x4e: {  	[sflag:s1] =	ssyncset.done $0x0  }
0x4f: {  	[sflag:s1] =	ssyncadd.s32 $0xFFFFD800  }
0x50: {  	[spmem:s25] =	stream.linear.scatter [tilespmem:s4], [sflag:$0xA], $0x2800, $0x38;
	[tilespmem:$0x1D980] =	vst v63  }
0x51: {  	_ =	swait.ge [sflag:s1], $0x2800  }
0x52: {  	[sflag:s1] =	ssyncset.done $0x0  }
0x53: {  	[sflag:s1] =	ssyncadd.s32 $0xFFFFD800  }
0x54: {  	[spmem:s28] =	stream.linear.scatter [tilespmem:s4], [sflag:$0xA], $0x2800, $0x38;
	[tilespmem:$0x1D980] =	vst v63  }
0x55: {  	_ =	swait.ge [sflag:s1], $0x2800  }
0x56: {  	[sflag:s1] =	ssyncset.done $0x0  }
0x57: {  	s22 =	simm.s32 @!p0 $0x2900;
	[sflag:s1] =	ssyncadd.s32 $0xFFFFD800  }
0x58: {  	[spmem:s26] =	stream.linear.scatter @!p0 [tilespmem:s22], [sflag:$0xA], $0x2800, $0x38;
	[tilespmem:$0x1D980] =	vst v63  }
0x59: {  	s22 =	simm.s32 @!p0 $0xA  }
0x5a: {  	_ =	swait.ge @!p0 [sflag:s22], $0x2800  }
0x5b: {  	[sflag:s22] =	ssyncset.done @!p0 $0x0  }
0x5c: {  	[sflag:s22] =	ssyncadd.s32 @!p0 $0xFFFFD800  }
0x5d: {  	[bflag:$0x0] =	sbarrier.arrive $0xFFFF  }
0x5e: {  	[tilespmem:s4], [sflag:$0x1] =	stream.indirect.gather [hbm4b:s16+s5], $0x80, s3, s5, $0xb8;
	[tilespmem:$0x1D980] =	vst v63  }
0x5f: {  	s20 =	rddreg [dreg:$0xb]  }
0x60: {  	[tilespmem:s6], [sflag:$0x4] =	stream.linear.gather [hbm4b:s20+s3], $0x50, $0x38;
	[tilespmem:$0x1D980] =	vst v63  }
0x61: {  	_ = 	snop  }
0x62: {  	[tilespmem:s7], [sflag:$0x2] =	stream.indirect.gather [hbm4b:s16+s5], $0x80, s5, s5, $0xb8;
	[tilespmem:$0x1D980] =	vst v63  }
0x63: {  	s21 =	rddreg [dreg:$0x17]  }
0x64: {  	[tilespmem:s8], [sflag:$0x5] =	stream.linear.gather [hbm4b:s21+s3], $0x50, $0x38;
	[tilespmem:$0x1D980] =	vst v63  }
0x65: {  	s22 =	simm.s32 $0xA0  }
0x66: {  	[tilespmem:s9], [sflag:$0x3] =	stream.indirect.gather [hbm4b:s16+s5], $0x80, s22, s5, $0xb8;
	[tilespmem:$0x1D980] =	vst v63  }
0x67: {  	s23 =	rddreg [dreg:$0x18]  }
0x68: {  	[tilespmem:s10], [sflag:$0x6] =	stream.linear.gather [hbm4b:s23+s3], $0x50, $0x38;
	[tilespmem:$0x1D980] =	vst v63  }
0x69: {  	_ =	swait.ge [sflag:s11], $0x2800  }
0x6a: {  	[sflag:s11] =	ssyncset.done $0x0  }
0x6b: {  	[sflag:s11] =	ssyncadd.s32 $0xFFFFD800  }
0x6c: {  	_ =	swait.ge [sflag:s17], $0x50  }
0x6d: {  	[sflag:s17] =	ssyncset.done $0x0  }
0x6e: {  	[sflag:s17] =	ssyncadd.s32 $0xFFFFFFB0  }
0x6f: {  	[spmem:s2] =	stream.indirect.scatter.add.f32 [tilespmem:s4], [sflag:$0x7], $0x80, s6, s5, $0xb8;
	[tilespmem:$0x1D980] =	vst v63  }
0x70: {  	_ =	swait.ge [sflag:s18], $0x2800  }
0x71: {  	[sflag:s18] =	ssyncset.done $0x0  }
0x72: {  	s24 =	simm.s32 $0xF0;
	[sflag:s18] =	ssyncadd.s32 $0xFFFFD800  }
0x73: {  	[tilespmem:s4], [sflag:$0x1] =	stream.indirect.gather [hbm4b:s16+s5], $0x80, s24, s5, $0xb8;
	[tilespmem:$0x1D980] =	vst v63  }
0x74: {  	s25 =	rddreg [dreg:$0x19]  }
0x75: {  	[tilespmem:s6], [sflag:$0x4] =	stream.linear.gather [hbm4b:s25+s3], $0x50, $0x38;
	[tilespmem:$0x1D980] =	vst v63  }
0x76: {  	_ =	swait.ge [sflag:s19], $0x2800  }
0x77: {  	[sflag:s19] =	ssyncset.done $0x0  }
0x78: {  	[sflag:s19] =	ssyncadd.s32 $0xFFFFD800  }
0x79: {  	_ =	swait.ge [sflag:s29], $0x50  }
0x7a: {  	[sflag:s29] =	ssyncset.done $0x0  }
0x7b: {  	[sflag:s29] =	ssyncadd.s32 $0xFFFFFFB0  }
0x7c: {  	[spmem:s2] =	stream.indirect.scatter.add.f32 [tilespmem:s7], [sflag:$0x8], $0x80, s8, s5, $0xb8;
	[tilespmem:$0x1D980] =	vst v63  }
0x7d: {  	_ =	swait.ge [sflag:s30], $0x2800  }
0x7e: {  	[sflag:s30] =	ssyncset.done $0x0  }
0x7f: {  	s26 =	simm.s32 $0x140;
	[sflag:s30] =	ssyncadd.s32 $0xFFFFD800  }
0x80: {  	[tilespmem:s7], [sflag:$0x2] =	stream.indirect.gather [hbm4b:s16+s5], $0x80, s26, s5, $0xb8;
	[tilespmem:$0x1D980] =	vst v63  }
0x81: {  	s28 =	rddreg [dreg:$0x1a]  }
0x82: {  	[tilespmem:s8], [sflag:$0x5] =	stream.linear.gather [hbm4b:s28+s3], $0x50, $0x38;
	[tilespmem:$0x1D980] =	vst v63  }
0x83: {  	_ =	swait.ge [sflag:s31], $0x2800  }
0x84: {  	[sflag:s31] =	ssyncset.done $0x0  }
0x85: {  	[sflag:s31] =	ssyncadd.s32 $0xFFFFD800  }
0x86: {  	_ =	swait.ge [sflag:s0], $0x50  }
0x87: {  	[sflag:s0] =	ssyncset.done $0x0  }
0x88: {  	[sflag:s0] =	ssyncadd.s32 $0xFFFFFFB0  }
0x89: {  	[spmem:s2] =	stream.indirect.scatter.add.f32 [tilespmem:s9], [sflag:$0x9], $0x80, s10, s5, $0xb8;
	[tilespmem:$0x1D980] =	vst v63  }
0x8a: {  	_ =	swait.ge [sflag:s15], $0x2800  }
0x8b: {  	[sflag:s15] =	ssyncset.done $0x0  }
0x8c: {  	s21 =	simm.s32 $0x190;
	[sflag:s15] =	ssyncadd.s32 $0xFFFFD800  }
0x8d: {  	[tilespmem:s9], [sflag:$0x3] =	stream.indirect.gather [hbm4b:s16+s5], $0x80, s21, s5, $0xb8;
	[tilespmem:$0x1D980] =	vst v63  }
0x8e: {  	s23 =	sadd.s32 $0x0, s14  }
0x8f: {  	[tilespmem:s10], [sflag:$0x6] =	stream.linear.gather [hbm4b:s23+s3], $0x50, $0x38;
	[tilespmem:$0x1D980] =	vst v63  }
0x90: {  	_ =	swait.ge [sflag:s11], $0x2800  }
0x91: {  	[sflag:s11] =	ssyncset.done $0x0  }
0x92: {  	[sflag:s11] =	ssyncadd.s32 $0xFFFFD800  }
0x93: {  	_ =	swait.ge [sflag:s17], $0x50  }
0x94: {  	[sflag:s17] =	ssyncset.done $0x0  }
0x95: {  	[sflag:s17] =	ssyncadd.s32 $0xFFFFFFB0  }
0x96: {  	[spmem:s2] =	stream.indirect.scatter.add.f32 [tilespmem:s4], [sflag:$0x7], $0x80, s6, s5, $0xb8;
	[tilespmem:$0x1D980] =	vst v63  }
0x97: {  	_ =	swait.ge [sflag:s18], $0x2800  }
0x98: {  	[sflag:s18] =	ssyncset.done $0x0  }
0x99: {  	s24 =	simm.s32 $0x1E0;
	[sflag:s18] =	ssyncadd.s32 $0xFFFFD800  }
0x9a: {  	[tilespmem:s4], [sflag:$0x1] =	stream.indirect.gather [hbm4b:s16+s5], $0x80, s24, s5, $0xb8;
	[tilespmem:$0x1D980] =	vst v63  }
0x9b: {  	s25 =	sadd.s32 $0x0, s13  }
0x9c: {  	[tilespmem:s6], [sflag:$0x4] =	stream.linear.gather [hbm4b:s25+s3], $0x50, $0x38;
	[tilespmem:$0x1D980] =	vst v63  }
0x9d: {  	_ =	swait.ge [sflag:s19], $0x2800  }
0x9e: {  	[sflag:s19] =	ssyncset.done $0x0  }
0x9f: {  	[sflag:s19] =	ssyncadd.s32 $0xFFFFD800  }
0xa0: {  	_ =	swait.ge [sflag:s29], $0x50  }
0xa1: {  	[sflag:s29] =	ssyncset.done $0x0  }
0xa2: {  	[sflag:s29] =	ssyncadd.s32 $0xFFFFFFB0  }
0xa3: {  	[spmem:s2] =	stream.indirect.scatter.add.f32 [tilespmem:s7], [sflag:$0x8], $0x80, s8, s5, $0xb8;
	[tilespmem:$0x1D980] =	vst v63  }
0xa4: {  	_ =	swait.ge [sflag:s30], $0x2800  }
0xa5: {  	[sflag:s30] =	ssyncset.done $0x0  }
0xa6: {  	s26 =	simm.s32 $0x230;
	[sflag:s30] =	ssyncadd.s32 $0xFFFFD800  }
0xa7: {  	[tilespmem:s7], [sflag:$0x2] =	stream.indirect.gather [hbm4b:s16+s5], $0x80, s26, s5, $0xb8;
	[tilespmem:$0x1D980] =	vst v63  }
0xa8: {  	s28 =	sadd.s32 $0x0, s12  }
0xa9: {  	[tilespmem:s8], [sflag:$0x5] =	stream.linear.gather [hbm4b:s28+s3], $0x50, $0x38;
	[tilespmem:$0x1D980] =	vst v63  }
0xaa: {  	_ =	swait.ge [sflag:s31], $0x2800  }
0xab: {  	[sflag:s31] =	ssyncset.done $0x0  }
0xac: {  	[sflag:s31] =	ssyncadd.s32 $0xFFFFD800  }
0xad: {  	_ =	swait.ge [sflag:s0], $0x50  }
0xae: {  	[sflag:s0] =	ssyncset.done $0x0  }
0xaf: {  	s22 =	simm.s32 $0x1E;
	s23 =	simm.s32 $0x320;
	[sflag:s0] =	ssyncadd.s32 $0xFFFFFFB0  }
.LBB2_2:
0xb0: {  	[spmem:s2] =	stream.indirect.scatter.add.f32 [tilespmem:s9], [sflag:$0x9], $0x80, s10, s5, $0xb8;
	[tilespmem:$0x1D980] =	vst v63  }
0xb1: {  	s24 =	smov.u32 s22  }
0xb2: {  	p1 =	sne.s32 s22, $0x492;
	s22 =	sadd.s32 $0x1E, s22;
	_ =	swait.ge [sflag:s15], $0x2800  }
0xb3: {  	[sflag:s15] =	ssyncset.done $0x0  }
0xb4: {  	s25 =	sadd.s32 $0xFFFFFF60, s23;
	[sflag:s15] =	ssyncadd.s32 $0xFFFFD800  }
0xb5: {  	[tilespmem:s9], [sflag:$0x3] =	stream.indirect.gather [hbm4b:s16+s5], $0x80, s25, s5, $0xb8;
	[tilespmem:$0x1D980] =	vst v63  }
0xb6: {  	s25 =	sadd.s32 s24, s14  }
0xb7: {  	[tilespmem:s10], [sflag:$0x6] =	stream.linear.gather [hbm4b:s25+s3], $0x50, $0x38;
	[tilespmem:$0x1D980] =	vst v63  }
0xb8: {  	_ =	swait.ge [sflag:s11], $0x2800  }
0xb9: {  	[sflag:s11] =	ssyncset.done $0x0  }
0xba: {  	[sflag:s11] =	ssyncadd.s32 $0xFFFFD800  }
0xbb: {  	_ =	swait.ge [sflag:s17], $0x50  }
0xbc: {  	[sflag:s17] =	ssyncset.done $0x0  }
0xbd: {  	[sflag:s17] =	ssyncadd.s32 $0xFFFFFFB0  }
0xbe: {  	[spmem:s2] =	stream.indirect.scatter.add.f32 [tilespmem:s4], [sflag:$0x7], $0x80, s6, s5, $0xb8;
	[tilespmem:$0x1D980] =	vst v63  }
0xbf: {  	_ =	swait.ge [sflag:s18], $0x2800  }
0xc0: {  	[sflag:s18] =	ssyncset.done $0x0  }
0xc1: {  	s25 =	sadd.s32 $0xFFFFFFB0, s23;
	[sflag:s18] =	ssyncadd.s32 $0xFFFFD800  }
0xc2: {  	[tilespmem:s4], [sflag:$0x1] =	stream.indirect.gather [hbm4b:s16+s5], $0x80, s25, s5, $0xb8;
	[tilespmem:$0x1D980] =	vst v63  }
0xc3: {  	s25 =	sadd.s32 s24, s13  }
0xc4: {  	[tilespmem:s6], [sflag:$0x4] =	stream.linear.gather [hbm4b:s25+s3], $0x50, $0x38;
	[tilespmem:$0x1D980] =	vst v63  }
0xc5: {  	_ =	swait.ge [sflag:s19], $0x2800  }
0xc6: {  	[sflag:s19] =	ssyncset.done $0x0  }
0xc7: {  	[sflag:s19] =	ssyncadd.s32 $0xFFFFD800  }
0xc8: {  	_ =	swait.ge [sflag:s29], $0x50  }
0xc9: {  	[sflag:s29] =	ssyncset.done $0x0  }
0xca: {  	[sflag:s29] =	ssyncadd.s32 $0xFFFFFFB0  }
0xcb: {  	[spmem:s2] =	stream.indirect.scatter.add.f32 [tilespmem:s7], [sflag:$0x8], $0x80, s8, s5, $0xb8;
	[tilespmem:$0x1D980] =	vst v63  }
0xcc: {  	_ =	swait.ge [sflag:s30], $0x2800  }
0xcd: {  	[sflag:s30] =	ssyncset.done $0x0  }
0xce: {  	[sflag:s30] =	ssyncadd.s32 $0xFFFFD800  }
0xcf: {  	[tilespmem:s7], [sflag:$0x2] =	stream.indirect.gather [hbm4b:s16+s5], $0x80, s23, s5, $0xb8;
	[tilespmem:$0x1D980] =	vst v63  }
0xd0: {  	s24 =	sadd.s32 s24, s12  }
0xd1: {  	[tilespmem:s8], [sflag:$0x5] =	stream.linear.gather [hbm4b:s24+s3], $0x50, $0x38;
	[tilespmem:$0x1D980] =	vst v63  }
0xd2: {  	_ =	swait.ge [sflag:s31], $0x2800  }
.Ltmp0:
0xd3: {  	[sflag:s31] =	ssyncset.done $0x0;
	(pc) =	sbr.rel @p1 .LBB2_2-.Ltmp0, $4  }
0xd4: {  	[sflag:s31] =	ssyncadd.s32 $0xFFFFD800  }
0xd5: {  	_ =	swait.ge [sflag:s0], $0x50  }
0xd6: {  	[sflag:s0] =	ssyncset.done $0x0  }
0xd7: {  	s23 =	sadd.s32 $0xF0, s23;
	[sflag:s0] =	ssyncadd.s32 $0xFFFFFFB0  }
0xd8: {  	[spmem:s2] =	stream.indirect.scatter.add.f32 [tilespmem:s9], [sflag:$0x9], $0x80, s10, s5, $0xb8;
	[tilespmem:$0x1D980] =	vst v63  }
0xd9: {  	_ =	swait.ge [sflag:s15], $0x2800  }
0xda: {  	[sflag:s15] =	ssyncset.done $0x0  }
0xdb: {  	[sflag:s15] =	ssyncadd.s32 $0xFFFFD800  }
0xdc: {  	_ =	swait.ge [sflag:s11], $0x2800  }
0xdd: {  	[sflag:s11] =	ssyncset.done $0x0  }
0xde: {  	[sflag:s11] =	ssyncadd.s32 $0xFFFFD800  }
0xdf: {  	_ =	swait.ge [sflag:s17], $0x50  }
0xe0: {  	[sflag:s17] =	ssyncset.done $0x0  }
0xe1: {  	[sflag:s17] =	ssyncadd.s32 $0xFFFFFFB0  }
0xe2: {  	[spmem:s2] =	stream.indirect.scatter.add.f32 [tilespmem:s4], [sflag:$0x7], $0x80, s6, s5, $0xb8;
	[tilespmem:$0x1D980] =	vst v63  }
0xe3: {  	_ =	swait.ge [sflag:s19], $0x2800  }
0xe4: {  	[sflag:s19] =	ssyncset.done $0x0  }
0xe5: {  	[sflag:s19] =	ssyncadd.s32 $0xFFFFD800  }
0xe6: {  	_ =	swait.ge [sflag:s29], $0x50  }
0xe7: {  	[sflag:s29] =	ssyncset.done $0x0  }
0xe8: {  	[sflag:s29] =	ssyncadd.s32 $0xFFFFFFB0  }
0xe9: {  	[spmem:s2] =	stream.indirect.scatter.add.f32 [tilespmem:s7], [sflag:$0x8], $0x80, s8, s5, $0xb8;
	[tilespmem:$0x1D980] =	vst v63  }
0xea: {  	_ =	swait.ge [sflag:s18], $0x2800  }
0xeb: {  	[sflag:s18] =	ssyncset.done $0x0  }
0xec: {  	[sflag:s18] =	ssyncadd.s32 $0xFFFFD800  }
0xed: {  	_ =	swait.ge [sflag:s30], $0x2800  }
0xee: {  	[sflag:s30] =	ssyncset.done $0x0  }
0xef: {  	[sflag:s30] =	ssyncadd.s32 $0xFFFFD800  }
0xf0: {  	[bflag:$0x0] =	sbarrier.arrive $0xFFFF  }
0xf1: {  	s23 =	simm.s32 $0xB;
	s20 =	rddreg [dreg:$0x16]  }
0xf2: {  	[tilespmem:s4], [sflag:$0xB] =	stream.linear.gather [spmem:s20], $0x2800, $0x38;
	[tilespmem:$0x1D980] =	vst v63  }
0xf3: {  	_ =	swait.ge [sflag:s23], $0x2800  }
0xf4: {  	[sflag:s23] =	ssyncset.done $0x0  }
0xf5: {  	s22 =	rddreg [dreg:$0x3];
	[sflag:s23] =	ssyncadd.s32 $0xFFFFD800  }
0xf6: {  	[hbm4b:s22+s3] =	stream.linear.scatter [tilespmem:s4], [sflag:$0xA], $0x2800, $0x38;
	[tilespmem:$0x1D980] =	vst v63  }
0xf7: {  	_ =	swait.ge [sflag:s1], $0x2800  }
0xf8: {  	[sflag:s1] =	ssyncset.done $0x0  }
0xf9: {  	s25 =	rddreg [dreg:$0x13];
	[sflag:s1] =	ssyncadd.s32 $0xFFFFD800  }
0xfa: {  	[tilespmem:s4], [sflag:$0xB] =	stream.linear.gather [spmem:s25], $0x2800, $0x38;
	[tilespmem:$0x1D980] =	vst v63  }
0xfb: {  	_ =	swait.ge [sflag:s23], $0x2800  }
0xfc: {  	[sflag:s23] =	ssyncset.done $0x0  }
0xfd: {  	s26 =	rddreg [dreg:$0x4];
	[sflag:s23] =	ssyncadd.s32 $0xFFFFD800  }
0xfe: {  	[hbm4b:s26+s3] =	stream.linear.scatter [tilespmem:s4], [sflag:$0xA], $0x2800, $0x38;
	[tilespmem:$0x1D980] =	vst v63  }
0xff: {  	_ =	swait.ge [sflag:s1], $0x2800  }
0x100: {  	[sflag:s1] =	ssyncset.done $0x0  }
0x101: {  	s21 =	rddreg [dreg:$0xf];
	[sflag:s1] =	ssyncadd.s32 $0xFFFFD800  }
0x102: {  	[tilespmem:s4], [sflag:$0xB] =	stream.linear.gather [spmem:s21], $0x2800, $0x38;
	[tilespmem:$0x1D980] =	vst v63  }
0x103: {  	_ =	swait.ge [sflag:s23], $0x2800  }
0x104: {  	[sflag:s23] =	ssyncset.done $0x0  }
0x105: {  	s20 =	rddreg [dreg:$0x5];
	[sflag:s23] =	ssyncadd.s32 $0xFFFFD800  }
0x106: {  	[hbm4b:s20+s3] =	stream.linear.scatter [tilespmem:s4], [sflag:$0xA], $0x2800, $0x38;
	[tilespmem:$0x1D980] =	vst v63  }
0x107: {  	_ =	swait.ge [sflag:s1], $0x2800  }
0x108: {  	[sflag:s1] =	ssyncset.done $0x0  }
0x109: {  	s24 =	rddreg [dreg:$0x10];
	[sflag:s1] =	ssyncadd.s32 $0xFFFFD800  }
0x10a: {  	[tilespmem:s4], [sflag:$0xB] =	stream.linear.gather [spmem:s24], $0x2800, $0x38;
	[tilespmem:$0x1D980] =	vst v63  }
0x10b: {  	_ =	swait.ge [sflag:s23], $0x2800  }
0x10c: {  	[sflag:s23] =	ssyncset.done $0x0  }
0x10d: {  	s25 =	rddreg [dreg:$0x6];
	[sflag:s23] =	ssyncadd.s32 $0xFFFFD800  }
0x10e: {  	[hbm4b:s25+s3] =	stream.linear.scatter [tilespmem:s4], [sflag:$0xA], $0x2800, $0x38;
	[tilespmem:$0x1D980] =	vst v63  }
0x10f: {  	_ =	swait.ge [sflag:s1], $0x2800  }
0x110: {  	[sflag:s1] =	ssyncset.done $0x0  }
0x111: {  	s20 =	rddreg [dreg:$0x11];
	[sflag:s1] =	ssyncadd.s32 $0xFFFFD800  }
0x112: {  	[tilespmem:s4], [sflag:$0xB] =	stream.linear.gather [spmem:s20], $0x2800, $0x38;
	[tilespmem:$0x1D980] =	vst v63  }
0x113: {  	_ =	swait.ge [sflag:s23], $0x2800  }
0x114: {  	[sflag:s23] =	ssyncset.done $0x0  }
0x115: {  	s26 =	rddreg [dreg:$0x7];
	[sflag:s23] =	ssyncadd.s32 $0xFFFFD800  }
0x116: {  	[hbm4b:s26+s3] =	stream.linear.scatter [tilespmem:s4], [sflag:$0xA], $0x2800, $0x38;
	[tilespmem:$0x1D980] =	vst v63  }
0x117: {  	_ =	swait.ge [sflag:s1], $0x2800  }
0x118: {  	[sflag:s1] =	ssyncset.done $0x0  }
0x119: {  	s25 =	rddreg [dreg:$0x12];
	[sflag:s1] =	ssyncadd.s32 $0xFFFFD800  }
0x11a: {  	[tilespmem:s4], [sflag:$0xB] =	stream.linear.gather [spmem:s25], $0x2800, $0x38;
	[tilespmem:$0x1D980] =	vst v63  }
0x11b: {  	_ =	swait.ge [sflag:s23], $0x2800  }
0x11c: {  	[sflag:s23] =	ssyncset.done $0x0  }
0x11d: {  	s24 =	rddreg [dreg:$0x8];
	[sflag:s23] =	ssyncadd.s32 $0xFFFFD800  }
0x11e: {  	[hbm4b:s24+s3] =	stream.linear.scatter [tilespmem:s4], [sflag:$0xA], $0x2800, $0x38;
	[tilespmem:$0x1D980] =	vst v63  }
0x11f: {  	_ =	swait.ge [sflag:s1], $0x2800  }
0x120: {  	[sflag:s1] =	ssyncset.done $0x0  }
0x121: {  	s28 =	rddreg [dreg:$0x14];
	[sflag:s1] =	ssyncadd.s32 $0xFFFFD800  }
0x122: {  	[tilespmem:s4], [sflag:$0xB] =	stream.linear.gather [spmem:s28], $0x2800, $0x38;
	[tilespmem:$0x1D980] =	vst v63  }
0x123: {  	_ =	swait.ge [sflag:s23], $0x2800  }
0x124: {  	[sflag:s23] =	ssyncset.done $0x0  }
0x125: {  	s26 =	rddreg [dreg:$0x9];
	[sflag:s23] =	ssyncadd.s32 $0xFFFFD800  }
0x126: {  	[hbm4b:s26+s3] =	stream.linear.scatter [tilespmem:s4], [sflag:$0xA], $0x2800, $0x38;
	[tilespmem:$0x1D980] =	vst v63  }
0x127: {  	_ =	swait.ge [sflag:s1], $0x2800  }
0x128: {  	s22 =	simm.s32 @!p0 $0x2900;
	[sflag:s1] =	ssyncset.done $0x0  }
0x129: {  	s23 =	simm.s32 @!p0 $0xB;
	s26 =	rddreg [dreg:$0x15];
	[sflag:s1] =	ssyncadd.s32 $0xFFFFD800  }
0x12a: {  	[tilespmem:s22], [sflag:$0xB] =	stream.linear.gather @!p0 [spmem:s26], $0x2800, $0x38;
	[tilespmem:$0x1D980] =	vst v63  }
0x12b: {  	_ =	swait.ge @!p0 [sflag:s23], $0x2800  }
0x12c: {  	[sflag:s23] =	ssyncset.done @!p0 $0x0  }
0x12d: {  	s24 =	rddreg [dreg:$0xa];
	[sflag:s23] =	ssyncadd.s32 @!p0 $0xFFFFD800;
	s23 =	simm.s32 @!p0 $0x0  }
0x12e: {  	[hbm4b:s24+s23] =	stream.linear.scatter @!p0 [tilespmem:s22], [sflag:$0xA], $0x2800, $0x38;
	[tilespmem:$0x1D980] =	vst v63  }
0x12f: {  	s22 =	simm.s32 @!p0 $0xA  }
0x130: {  	_ =	swait.ge @!p0 [sflag:s22], $0x2800  }
0x131: {  	s23 =	rddreg [dreg:$0x1b]  }
0x132: {  	s24 =	smov.u32 s21;
	s21 =	sadd.s32 $0x1, s23;
	s23 =	rddreg [dreg:$0xe]  }
0x133: {  	p1 =	sne.s32 s21, s23  }
.Ltmp1:
0x134: {  	_ = 	snop;
	(pc) =	sbr.rel @p1 .LBB2_1-.Ltmp1, $4  }
0x135: {  	_ = 	snop  }
0x136: {  	[dreg:$0x1b] =	wrdreg s21  }
0x137: {  	[sflag:s22] =	ssyncset.done @!p0 $0x0;
	s21 =	rddreg [dreg:$0x16]  }
0x138: {  	[sflag:s22] =	ssyncadd.s32 @!p0 $0xFFFFD800;
	s23 =	rddreg [dreg:$0x13]  }
0x139: {  	_ =	sfence.sel $0x180000  }
0x13a: {  	[bflag:$0x0] =	sbarrier.arrive $0xFFFF  }
0x13b: {  	_ =	strace $0x9000004A  }
0x13c: {  	s0 =	stileid.u32;
	[bflag:$0x2] =	sbarrier.arrive $0xFFFF  }
0x13d: {  	p0 =	sne.s32 s0, $0x0;
	s0 =	rddreg [dreg:$0x2]  }
0x13e: {  	s0 =	sadd.s32 @!p0 $0x100000, s0  }
0x13f: {  	[sflag:s0] =	ssyncadd.tile.s32 @!p0 $0x1;
	_ =	shalt  }
.Lfunc_end2:
_tile_overlayer_lowered:
.L_overlay_start_2:
0x140: {  	(tag) =	ssettag $0x2  }
0x141: {  	s0 =	rddreg [dreg:$0x0];
	s2 =	stileid.u32  }
0x142: {  	s1 =	rddreg [dreg:$0x1];
	p0 =	sne.s32 s2, $0x0  }
0x143: {  	s3 =	rddreg [dreg:$0x2];
	[bflag:$0x3] =	sbarrier.arrive $0xFFFF;
	s2 =	simm.s32 @!p0 $0x1C0A  }
0x144: {  	[timem:s3], [sflag:s2] =	dma.local @!p0 [hbm:s0], s1  }
0x145: {  	s0 =	simm.s32 @!p0 $0xA  }
0x146: {  	_ =	swait.ge @!p0 [sflag:s0], s1  }
0x147: {  	s1 =	ssub.s32 @!p0 $0x0, s1;
	[sflag:s0] =	ssyncset.done @!p0 $0x0  }
0x148: {  	[sflag:s0] =	ssyncadd.s32 @!p0 s1  }
0x149: {  	[bflag:$0x3] =	sbarrier.arrive $0xFFFF  }
0x14a: {  	_ =	shalt  }

// kernel: kernel.14.cloned.1.call-start
scs
__scs_entry_jumppad:
0x0: {  	(pc) =	sbr.rel $0x88, $3  }
0x1: {  	(tag) =	ssettag $0x0;
	lr =	simm.s32 $0x1  }
0x2: {  	[smem:$0x3F95] =	sst lr;
	_ =	strace $0xD0000000  }
0x3: {  	_ = 	snop  }
0x4: {  	_ = 	snop  }
0x5: {  	_ = 	snop  }
0x6: {  	_ = 	snop  }
0x7: {  	_ = 	snop  }
__scs_overlays_trampoline_lowered:
0x8: {  	[smem:$0x3FA4] =	sst s0  }
0x9: {  	[smem:$0x3FA5] =	sst s1  }
0xa: {  	[smem:$0x3FA6] =	sst s2  }
0xb: {  	[smem:$0x3FA7] =	sst s3  }
0xc: {  	[smem:$0x3FA8] =	sst s4  }
0xd: {  	[smem:$0x3FA9] =	sst s5  }
0xe: {  	[smem:$0x3FAA] =	sst s6  }
0xf: {  	[smem:$0x3FAB] =	sst s7  }
0x10: {  	[smem:$0x3FAC] =	sst s8  }
0x11: {  	[smem:$0x3FAD] =	sst s9;
	s0 =	simm.s32 @!p0 $0x0  }
0x12: {  	s1 =	sld [smem:$0x3F93];
	s0 =	simm.s32 @p0 $0x1  }
0x13: {  	[smem:$0x3FAE] =	sst s0;
	s0 =	simm.s32 @!p1 $0x0  }
0x14: {  	s2 =	sld [smem:$0x3F92];
	s0 =	simm.s32 @p1 $0x1  }
0x15: {  	[smem:$0x3FAF] =	sst s0;
	s0 =	simm.s32 @!p2 $0x0  }
0x16: {  	s3 =	sld [smem:$0x3FDB];
	s0 =	simm.s32 @p2 $0x1  }
0x17: {  	s4 =	simm.s32 $0x1BF5;
	[smem:$0x3FB1] =	sst s0  }
0x18: {  	s0 =	sld [smem:$0x3F94];
	_ =	swait.ge [sflag:s4], $0x0  }
0x19: {  	s7 =	sld [smem:$0x3F95]  }
0x1a: {  	s8 =	sadd.s32 $0xFFFFE003, lr  }
0x1b: {  	s9 =	sadd.s32 $0xFFFFFEF7, lr;
	s5 =	simm.s32 $0xFFFFFFFF;
	p2 =	slt.u32 s8, $0xFFFFF086  }
0x1c: {  	p1 =	slt.u32 s9, $0xF7A;
	s5 =	simm.s32 @!p2 $0x0  }
0x1d: {  	s5 =	simm.s32 @p1 $0x1;
	p0 =	seq.s32 s7, s2  }
0x1e: {  	s7 =	smul.u32 @!p0 $0xF7A, s2;
	p2 =	seq.s32 @!p0 s5, $0x0  }
0x1f: {  	s9 =	smul.u32 $0xF7A, s1;
	s8 =	simm.s32 @!p0 $0x1BF5;
	p2 =	por !p2, p0  }
0x20: {  	[sflag:s8] =	ssyncset.s32 @!p0 $0xFFFFF086;
	s6 =	sadd.s32 @!p0 s3, s7;
	s7 =	simm.s32 @!p0 $0x108  }
0x21: {  	s3 =	sadd.s32 s3, s9;
	s6 =	sadd.s32 @!p0 $0x88, s6;
	s7 =	simm.s32 @p2 $0x1082  }
0x22: {  	[simem:s7], [sflag:s8] =	dma.local @!p0 [hbm:s6], $0xF7A  }
0x23: {  	s9 =	sor.u32 $0xD0000000, s2;
	s6 =	simm.s32 $0x108;
	_ =	swait.ge @!p0 [sflag:s8], $0x0  }
0x24: {  	s3 =	sadd.s32 $0x88, s3;
	s6 =	simm.s32 @!p1 $0x1082;
	[sflag:s4] =	ssyncset.s32 $0xFFFFF086  }
0x25: {  	[simem:s6], [sflag:s4] =	dma.local [hbm:s3], $0xF7A  }
0x26: {  	[smem:$0x3F95] =	sst s1;
	(tag) =	ssettag s2;
	_ =	strace s9  }
0x27: {  	s1 =	sld [smem:$0x3FA5]  }
0x28: {  	s2 =	sld [smem:$0x3FA6]  }
0x29: {  	s4 =	sld [smem:$0x3FA8]  }
0x2a: {  	p0 =	seq.s32 s5, $0x0;
	s5 =	sld [smem:$0x3FA9]  }
0x2b: {  	s6 =	sld [smem:$0x3FAA]  }
0x2c: {  	s7 =	sld [smem:$0x3FAB]  }
0x2d: {  	s3 =	simm.s32 $0x108;
	s8 =	sld [smem:$0x3FAC]  }
0x2e: {  	s3 =	simm.s32 @!p0 $0x1082;
	s9 =	sld [smem:$0x3FAD]  }
0x2f: {  	lr =	sadd.s32 s0, s3;
	s0 =	sld [smem:$0x3FA4]  }
0x30: {  	s3 =	sld [smem:$0x3FA7]  }
0x31: {  	[smem:$0x3FB0] =	sst s10  }
0x32: {  	s10 =	sld [smem:$0x3FAE];
	_ =	sdelay $0x3  }
0x33: {  	p0 =	seq.s32 s10, $0x1;
	s10 =	sld [smem:$0x3FB0];
	_ =	sdelay $0x3  }
0x34: {  	[smem:$0x3FB0] =	sst s10  }
0x35: {  	s10 =	sld [smem:$0x3FAF];
	_ =	sdelay $0x3  }
0x36: {  	p1 =	seq.s32 s10, $0x1;
	s10 =	sld [smem:$0x3FB0];
	_ =	sdelay $0x3  }
0x37: {  	[smem:$0x3FB0] =	sst s10  }
0x38: {  	s10 =	sld [smem:$0x3FB1]  }
0x39: {  	_ = 	snop;
	(pc) =	sbr.ind lr, $3  }
0x3a: {  	_ = 	snop  }
0x3b: {  	_ = 	snop  }
0x3c: {  	p2 =	seq.s32 s10, $0x1;
	s10 =	sld [smem:$0x3FB0]  }
0x3d: {  	_ =	shalt  }
0x3e: {  	_ =	shalt  }
0x3f: {  	_ =	shalt  }
0x40: {  	_ =	shalt  }
0x41: {  	_ =	shalt  }
0x42: {  	_ =	shalt  }
0x43: {  	_ =	shalt  }
0x44: {  	_ =	shalt  }
0x45: {  	_ =	shalt  }
0x46: {  	_ =	shalt  }
0x47: {  	_ =	shalt  }
0x48: {  	_ =	shalt  }
0x49: {  	_ =	shalt  }
0x4a: {  	_ =	shalt  }
0x4b: {  	_ =	shalt  }
0x4c: {  	_ =	shalt  }
0x4d: {  	_ =	shalt  }
0x4e: {  	_ =	shalt  }
0x4f: {  	_ =	shalt  }
0x50: {  	_ =	shalt  }
0x51: {  	_ =	shalt  }
0x52: {  	_ =	shalt  }
0x53: {  	_ =	shalt  }
0x54: {  	_ =	shalt  }
0x55: {  	_ =	shalt  }
0x56: {  	_ =	shalt  }
0x57: {  	_ =	shalt  }
0x58: {  	_ =	shalt  }
0x59: {  	_ =	shalt  }
0x5a: {  	_ =	shalt  }
0x5b: {  	_ =	shalt  }
0x5c: {  	_ =	shalt  }
0x5d: {  	_ =	shalt  }
0x5e: {  	_ =	shalt  }
0x5f: {  	_ =	shalt  }
0x60: {  	_ =	shalt  }
0x61: {  	_ =	shalt  }
0x62: {  	_ =	shalt  }
0x63: {  	_ =	shalt  }
0x64: {  	_ =	shalt  }
0x65: {  	_ =	shalt  }
0x66: {  	_ =	shalt  }
0x67: {  	_ =	shalt  }
0x68: {  	_ =	shalt  }
0x69: {  	_ =	shalt  }
0x6a: {  	_ =	shalt  }
0x6b: {  	_ =	shalt  }
0x6c: {  	_ =	shalt  }
0x6d: {  	_ =	shalt  }
0x6e: {  	_ =	shalt  }
0x6f: {  	_ =	shalt  }
0x70: {  	_ =	shalt  }
0x71: {  	_ =	shalt  }
0x72: {  	_ =	shalt  }
0x73: {  	_ =	shalt  }
0x74: {  	_ =	shalt  }
0x75: {  	_ =	shalt  }
0x76: {  	_ =	shalt  }
0x77: {  	_ =	shalt  }
0x78: {  	_ =	shalt  }
0x79: {  	_ =	shalt  }
0x7a: {  	_ =	shalt  }
0x7b: {  	_ =	shalt  }
0x7c: {  	_ =	shalt  }
0x7d: {  	_ =	shalt  }
0x7e: {  	_ =	shalt  }
0x7f: {  	_ =	shalt  }
0x80: {  	_ =	shalt  }
0x81: {  	_ =	shalt  }
0x82: {  	_ =	shalt  }
0x83: {  	_ =	shalt  }
0x84: {  	_ =	shalt  }
0x85: {  	_ =	shalt  }
0x86: {  	_ =	shalt  }
0x87: {  	_ =	shalt  }
.Lfunc_end0:
.L_simem_size_0:
called_computation.2_lowered:
.L_overlay_start_0:
0x88: {  	s2 =	sld [smem:$0x3FD9]  }
0x89: {  	s3 =	sld [smem:$0x3FFE];
	_ =	sdelay $0x1  }
0x8a: {  	s1 =	srdreg.scid  }
0x8b: {  	s0 =	sand.u32 $0x1, s1  }
0x8c: {  	s16 =	sshll.u32 s0, $0xA;
	s2 =	sadd.s32 s3, s2  }
0x8d: {  	s2 =	sadd.s32 s2, s16  }
0x8e: {  	[smem:$0x3FBC] =	sst s2  }
0x8f: {  	_ = 	snop  }
0x90: {  	(tm) =	ssettm $0x1  }
0x91: {  	s17 =	sld [smem:$0x3FFB];
	_ =	sdelay $0x3  }
0x92: {  	_ =	strace s17  }
0x93: {  	s2 =	sld [smem:$0x3FFC];
	_ =	sdelay $0x3  }
0x94: {  	_ =	strace s2  }
0x95: {  	s2 =	sld [smem:$0x3FFD];
	_ =	sdelay $0x3  }
0x96: {  	_ =	strace s2  }
0x97: {  	_ =	strace $0x8FFFFFFF  }
0x98: {  	s18 =	sld [smem:$0x3FDB];
	_ =	sdelay $0x1  }
0x99: {  	s19 =	simm.s32 $_scs_section_size  }
0x9a: {  	s4 =	simm.s32 $_size__tile_overlayer_lowered;
	s5 =	simm.s32 $_tile_overlayer_lowered  }
0x9b: {  	s22 =	simm.s32 $0x1BFF;
	s21 =	sshll.u32 s5, $0x1;
	s2 =	sadd.s32 s19, s18  }
0x9c: {  	s6 =	simm.s32 $0x0;
	s20 =	sshll.u32 s4, $0x1;
	s4 =	sadd.s32 s21, s2  }
0x9d: {  	[timem:s6], [sflag:s22] =	dma.local [hbm:s4], s20  }
0x9e: {  	_ =	swait.ge [sflag:s22], s20  }
0x9f: {  	s3 =	ssub.s32 $0x0, s20;
	[sflag:s22] =	ssyncset.done $0x0  }
0xa0: {  	[sflag:s22] =	ssyncadd.s32 s3;
	_ =	sdelay $0x1  }
0xa1: {  	s23 =	simm.s32 $0x1B8B  }
0xa2: {  	_ =	swait.ge [sflag:s23], $0x1  }
0xa3: {  	[sflag:s23] =	ssyncset.done $0x0  }
0xa4: {  	s25 =	simm.s32 $0x1B8E;
	s24 =	sld [smem:$0x3FFE];
	[sflag:s23] =	ssyncadd.s32 $0xFFFFFFFF  }
0xa5: {  	s26 =	simm.s32 $execute0_lowered;
	[smem:$0x3FD2] =	sst s25  }
0xa6: {  	s4 =	sshll.u32 s26, $0x1;
	_ =	strace $0x8000004C;
	[dreg:$0x1] =	wrdreg $0xFFFFFFFF  }
0xa7: {  	s28 =	simm.s32 $_size_execute0_lowered;
	s2 =	sadd.s32 s2, s4;
	[dreg:$0x0] =	wrdreg $0x0  }
0xa8: {  	s4 =	sshll.u32 s28, $0x1;
	[dreg:$0x2] =	wrdreg s2  }
0xa9: {  	[dreg:$0x3] =	wrdreg s4  }
0xaa: {  	[dreg:$0x4] =	wrdreg $0xC0  }
0xab: {  	_ =	task [dreg:s6], $0x5FFFF  }
0xac: {  	[dreg:$0x1] =	wrdreg $0xFFFFFFFF  }
0xad: {  	[dreg:$0x0] =	wrdreg $0x60  }
0xae: {  	[dreg:$0x2] =	wrdreg s24  }
0xaf: {  	[dreg:$0x3] =	wrdreg $0xA1000  }
0xb0: {  	[dreg:$0x4] =	wrdreg $0x9  }
0xb1: {  	_ =	task.clear_ibuf [dreg:s6], $0x5FFFF;
	_ =	strace $0x9000004C  }
0xb2: {  	s29 =	simm.s32 $0x9;
	_ =	strace $0x8000004E  }
0xb3: {  	_ =	swait.ge [sflag:s29], $0x1  }
0xb4: {  	[sflag:s29] =	ssyncadd.s32 $0xFFFFFFFF  }
0xb5: {  	_ =	strace $0x9000004E  }
0xb6: {  	_ =	sfence  }
0xb7: {  	s30 =	sld [smem:$0x0];
	_ =	sdelay $0x2  }
0xb8: {  	s31 =	sshll.u32 s1, $0xD;
	s1 =	sshrl.u32 s1, $0x2  }
0xb9: {  	s3 =	sand.u32 $0x4000, s31;
	s1 =	sadd.s32 s1, s30  }
0xba: {  	s0 =	sor.u32 s3, s0;
	s1 =	sshll.u32 s1, $0x11  }
0xbb: {  	s0 =	sor.u32 s1, s0  }
0xbc: {  	s0 =	sadd.s32 $0x8F2B, s0  }
0xbd: {  	[sflag:s0] =	ssyncadd.remote.s32 $0x1  }
0xbe: {  	_ =	sfence.sel $0xFFFF  }
0xbf: {  	[dreg:$0x0] =	wrdreg $0xFFFFFFFF;
	(pc) =	sbr.abs _section_cstart, $3  }
0xc0: {  	[dreg:$0x1] =	wrdreg $0xFFFFFFFF  }
0xc1: {  	_ =	task.clear_ibuf [dreg:s6], $0x2FFFF;
	_ =	strace $0x9FFFFFFF  }
0xc2: {  	(tm) =	ssettm $0x7FFFFFFF  }
0xc3: {  	_ =	shalt  }
tec
execute0_lowered:
.L_overlay_start_1:
0x0: {  	(tag) =	ssettag $0x1  }
0x1: {  	s0 =	rddreg [dreg:$0x0]  }
0x2: {  	s1 =	srdreg.scid;
	s2 =	rddreg [dreg:$0x1]  }
0x3: {  	s20 =	stileid.u32;
	s3 =	simm.s32 $0x0;
	s5 =	sand.u32 $0x1, s1  }
0x4: {  	s29 =	simm.s32 $0x5;
	s11 =	sor.u32 $0x10, s20;
	s10 =	smul.u32 $0x138800, s5  }
0x5: {  	s30 =	simm.s32 $0x8;
	s15 =	sor.u32 $0x20, s20;
	s13 =	smul.u32 $0x2800, s11  }
0x6: {  	s31 =	simm.s32 $0x3;
	s17 =	sor.u32 $0x30, s20;
	s14 =	smul.u32 $0x2800, s15  }
0x7: {  	[smem:$0x7FF] =	sst s3;
	s18 =	sor.u32 $0x40, s20;
	s16 =	smul.u32 $0x2800, s17  }
0x8: {  	s7 =	sadd.s32 $0x3400, s0;
	s19 =	sor.u32 $0x50, s20;
	s21 =	smul.u32 $0x2800, s18  }
0x9: {  	s8 =	sadd.s32 $0x65A00, s0;
	s1 =	sshll.u32 s5, $0x4;
	s23 =	smul.u32 $0x2800, s19  }
0xa: {  	s4 =	ssub.s32 $0x2, s5;
	s5 =	smul.u32 $0x27100, s5;
	s1 =	sor.u32 s20, s1  }
0xb: {  	_ =	strace $0x8000004D;
	s12 =	sshrl.u32 s4, $0x1;
	s1 =	smul.u32 $0x2710, s1  }
0xc: {  	s9 =	ssub.s32 s4, s12;
	s12 =	smul.u32 $0x2800, s20;
	s4 =	sor.u32 $0x60, s20  }
0xd: {  	s13 =	sadd.s32 s10, s13;
	s14 =	sadd.s32 s10, s14;
	s16 =	sadd.s32 s10, s16  }
0xe: {  	s24 =	sadd.s32 s10, s21;
	s13 =	sshrl.u32 s13, $0x3;
	s25 =	smul.u32 $0x2800, s4  }
0xf: {  	s22 =	sshrl.u32 s16, $0x3;
	s16 =	sadd.s32 $0x17000, s0;
	s4 =	smul.u32 $0xA000, s4  }
0x10: {  	s6 =	sshrl.u32 s1, $0x3;
	s1 =	sor.u32 $0x70, s20;
	s12 =	sadd.s32 s10, s12  }
0x11: {  	s13 =	sadd.s32 s8, s13;
	s12 =	sshrl.u32 s12, $0x3;
	s26 =	smul.u32 $0x2800, s1  }
0x12: {  	[dreg:$0x4] =	wrdreg s13;
	s13 =	sadd.s32 s10, s23;
	s23 =	smul.u32 $0x2710, s20  }
0x13: {  	p0 =	sgt.u32 s1, $0x7C;
	s1 =	smul.u32 $0xA000, s1;
	s4 =	sshrl.u32 s4, $0x2  }
0x14: {  	s12 =	sadd.s32 s8, s12;
	s21 =	sshrl.u32 s13, $0x3;
	s28 =	sadd.s32 s4, s2  }
0x15: {  	s4 =	simm.s32 $0x2900;
	[dreg:$0x3] =	wrdreg s12;
	s12 =	sshrl.u32 s14, $0x3  }
0x16: {  	s5 =	sadd.s32 s23, s5;
	s23 =	smax.u32 s9, $0x1;
	[dreg:$0x14] =	wrdreg s28  }
0x17: {  	s9 =	smul.u32 $0xA000, s19;
	s12 =	sadd.s32 s8, s12;
	[dreg:$0xe] =	wrdreg s23  }
0x18: {  	[dreg:$0x5] =	wrdreg s12;
	s12 =	sadd.s32 s8, s22;
	s22 =	sadd.s32 s10, s25  }
0x19: {  	s10 =	sadd.s32 s10, s26;
	s25 =	sadd.s32 $0x230, s5;
	s26 =	sadd.s32 $0x1E0, s5  }
0x1a: {  	s5 =	sadd.s32 $0x190, s5;
	[dreg:$0x6] =	wrdreg s12;
	s12 =	sshrl.u32 s24, $0x3  }
0x1b: {  	s24 =	sshrl.u32 s22, $0x3;
	s10 =	sshrl.u32 s10, $0x3;
	s5 =	sshrl.u32 s5, $0x3  }
0x1c: {  	s22 =	smul.u32 $0xA000, s20;
	s12 =	sadd.s32 s8, s12;
	s14 =	sadd.s32 s5, s7  }
0x1d: {  	[dreg:$0x7] =	wrdreg s12;
	s12 =	sadd.s32 s8, s21;
	s21 =	smul.u32 $0xA000, s11  }
0x1e: {  	s11 =	sshrl.u32 s9, $0x2;
	s9 =	simm.s32 $0x7900;
	[dreg:$0x8] =	wrdreg s12  }
0x1f: {  	s12 =	sadd.s32 s8, s24;
	s8 =	sadd.s32 s8, s10;
	s24 =	smul.u32 $0xA000, s15  }
0x20: {  	s10 =	sshrl.u32 s26, $0x3;
	s26 =	smul.u32 $0xA000, s18;
	[dreg:$0x9] =	wrdreg s12  }
0x21: {  	s15 =	sshrl.u32 s1, $0x2;
	s1 =	simm.s32 $0xA;
	[dreg:$0xa] =	wrdreg s8  }
0x22: {  	s8 =	sshrl.u32 s25, $0x3;
	s13 =	sadd.s32 s10, s7;
	s10 =	sadd.s32 s6, s0  }
0x23: {  	s0 =	sadd.s32 $0x65400, s0;
	s25 =	smul.u32 $0xA000, s17;
	s12 =	sadd.s32 s8, s7  }
0x24: {  	s8 =	sadd.s32 s7, s6;
	[dreg:$0xc] =	wrdreg s0;
	s5 =	sadd.s32 $0xD200, s10  }
0x25: {  	s0 =	sshrl.u32 s22, $0x2;
	s6 =	sshrl.u32 s21, $0x2;
	[dreg:$0xd] =	wrdreg s5  }
0x26: {  	s21 =	sadd.s32 s0, s2;
	s17 =	sadd.s32 $0xA, s8;
	[dreg:$0xb] =	wrdreg s8  }
0x27: {  	s23 =	sadd.s32 s6, s2;
	s18 =	sadd.s32 $0x14, s8;
	[dreg:$0x17] =	wrdreg s17  }
0x28: {  	s5 =	sshrl.u32 s24, $0x2;
	s19 =	sadd.s32 $0x1E, s8;
	[dreg:$0x18] =	wrdreg s18  }
0x29: {  	s7 =	sshrl.u32 s25, $0x2;
	s22 =	sadd.s32 $0x28, s8;
	[dreg:$0x19] =	wrdreg s19  }
0x2a: {  	s0 =	sshrl.u32 s26, $0x2;
	s25 =	sadd.s32 s11, s2;
	[dreg:$0x1a] =	wrdreg s22  }
0x2b: {  	s26 =	sadd.s32 s15, s2;
	s6 =	simm.s32 $0x2780;
	[dreg:$0x12] =	wrdreg s25  }
0x2c: {  	s8 =	simm.s32 $0x2800;
	s11 =	simm.s32 $0x1;
	[dreg:$0x13] =	wrdreg s23  }
0x2d: {  	s15 =	simm.s32 $0x9;
	s24 =	sadd.s32 s5, s2;
	[dreg:$0x15] =	wrdreg s26  }
0x2e: {  	s10 =	sadd.s32 s7, s2;
	s20 =	sadd.s32 s0, s2;
	[dreg:$0x16] =	wrdreg s21  }
0x2f: {  	s5 =	simm.s32 $0x50;
	s22 =	simm.s32 $0x0;
	[dreg:$0x10] =	wrdreg s10  }
0x30: {  	s7 =	simm.s32 $0x5100;
	s17 =	simm.s32 $0x4;
	[dreg:$0x1b] =	wrdreg s22  }
0x31: {  	s18 =	simm.s32 $0x7;
	s19 =	simm.s32 $0x2;
	[dreg:$0xf] =	wrdreg s24  }
0x32: {  	s0 =	simm.s32 $0x6;
	s10 =	simm.s32 $0x2880;
	[dreg:$0x11] =	wrdreg s20  }
.LBB2_1:
0x33: {  	s22 =	rddreg [dreg:$0xd]  }
0x34: {  	[tilespmem:s3], [sflag:$0xA] =	stream.linear.gather [hbm4b:s22+s3], $0x2710, $0x38;
	[tilespmem:$0x1D980] =	vst v63  }
0x35: {  	_ =	swait.ge [sflag:s1], $0x2710  }
0x36: {  	[sflag:s1] =	ssyncset.done $0x0  }
0x37: {  	s22 =	rddreg [dreg:$0xc];
	[sflag:s1] =	ssyncadd.s32 $0xFFFFD8F0  }
0x38: {  	[tilespmem:s4], [sflag:$0xA] =	stream.linear.gather [hbm4b:s22+s3], $0x2800, $0x38;
	[tilespmem:$0x1D980] =	vst v63  }
0x39: {  	_ =	swait.ge [sflag:s1], $0x2800  }
0x3a: {  	[sflag:s1] =	ssyncset.done $0x0  }
0x3b: {  	[sflag:s1] =	ssyncadd.s32 $0xFFFFD800  }
0x3c: {  	[spmem:s21] =	stream.linear.scatter [tilespmem:s4], [sflag:$0xA], $0x2800, $0x38;
	[tilespmem:$0x1D980] =	vst v63  }
0x3d: {  	_ =	swait.ge [sflag:s1], $0x2800  }
0x3e: {  	[sflag:s1] =	ssyncset.done $0x0  }
0x3f: {  	[sflag:s1] =	ssyncadd.s32 $0xFFFFD800  }
0x40: {  	[spmem:s23] =	stream.linear.scatter [tilespmem:s4], [sflag:$0xA], $0x2800, $0x38;
	[tilespmem:$0x1D980] =	vst v63  }
0x41: {  	_ =	swait.ge [sflag:s1], $0x2800  }
0x42: {  	[sflag:s1] =	ssyncset.done $0x0  }
0x43: {  	[sflag:s1] =	ssyncadd.s32 $0xFFFFD800  }
0x44: {  	[spmem:s24] =	stream.linear.scatter [tilespmem:s4], [sflag:$0xA], $0x2800, $0x38;
	[tilespmem:$0x1D980] =	vst v63  }
0x45: {  	_ =	swait.ge [sflag:s1], $0x2800  }
0x46: {  	[sflag:s1] =	ssyncset.done $0x0  }
0x47: {  	s24 =	rddreg [dreg:$0x10];
	[sflag:s1] =	ssyncadd.s32 $0xFFFFD800  }
0x48: {  	[spmem:s24] =	stream.linear.scatter [tilespmem:s4], [sflag:$0xA], $0x2800, $0x38;
	[tilespmem:$0x1D980] =	vst v63  }
0x49: {  	_ =	swait.ge [sflag:s1], $0x2800  }
0x4a: {  	[sflag:s1] =	ssyncset.done $0x0  }
0x4b: {  	[sflag:s1] =	ssyncadd.s32 $0xFFFFD800  }
0x4c: {  	[spmem:s20] =	stream.linear.scatter [tilespmem:s4], [sflag:$0xA], $0x2800, $0x38;
	[tilespmem:$0x1D980] =	vst v63  }
0x4d: {  	_ =	swait.ge [sflag:s1], $0x2800  }
0x4e: {  	[sflag:s1] =	ssyncset.done $0x0  }
0x4f: {  	[sflag:s1] =	ssyncadd.s32 $0xFFFFD800  }
0x50: {  	[spmem:s25] =	stream.linear.scatter [tilespmem:s4], [sflag:$0xA], $0x2800, $0x38;
	[tilespmem:$0x1D980] =	vst v63  }
0x51: {  	_ =	swait.ge [sflag:s1], $0x2800  }
0x52: {  	[sflag:s1] =	ssyncset.done $0x0  }
0x53: {  	[sflag:s1] =	ssyncadd.s32 $0xFFFFD800  }
0x54: {  	[spmem:s28] =	stream.linear.scatter [tilespmem:s4], [sflag:$0xA], $0x2800, $0x38;
	[tilespmem:$0x1D980] =	vst v63  }
0x55: {  	_ =	swait.ge [sflag:s1], $0x2800  }
0x56: {  	[sflag:s1] =	ssyncset.done $0x0  }
0x57: {  	s22 =	simm.s32 @!p0 $0x2900;
	[sflag:s1] =	ssyncadd.s32 $0xFFFFD800  }
0x58: {  	[spmem:s26] =	stream.linear.scatter @!p0 [tilespmem:s22], [sflag:$0xA], $0x2800, $0x38;
	[tilespmem:$0x1D980] =	vst v63  }
0x59: {  	s22 =	simm.s32 @!p0 $0xA  }
0x5a: {  	_ =	swait.ge @!p0 [sflag:s22], $0x2800  }
0x5b: {  	[sflag:s22] =	ssyncset.done @!p0 $0x0  }
0x5c: {  	[sflag:s22] =	ssyncadd.s32 @!p0 $0xFFFFD800  }
0x5d: {  	[bflag:$0x0] =	sbarrier.arrive $0xFFFF  }
0x5e: {  	[tilespmem:s4], [sflag:$0x1] =	stream.indirect.gather [hbm4b:s16+s5], $0x80, s3, s5, $0xb8;
	[tilespmem:$0x1D980] =	vst v63  }
0x5f: {  	s20 =	rddreg [dreg:$0xb]  }
0x60: {  	[tilespmem:s6], [sflag:$0x4] =	stream.linear.gather [hbm4b:s20+s3], $0x50, $0x38;
	[tilespmem:$0x1D980] =	vst v63  }
0x61: {  	_ = 	snop  }
0x62: {  	[tilespmem:s7], [sflag:$0x2] =	stream.indirect.gather [hbm4b:s16+s5], $0x80, s5, s5, $0xb8;
	[tilespmem:$0x1D980] =	vst v63  }
0x63: {  	s21 =	rddreg [dreg:$0x17]  }
0x64: {  	[tilespmem:s8], [sflag:$0x5] =	stream.linear.gather [hbm4b:s21+s3], $0x50, $0x38;
	[tilespmem:$0x1D980] =	vst v63  }
0x65: {  	s22 =	simm.s32 $0xA0  }
0x66: {  	[tilespmem:s9], [sflag:$0x3] =	stream.indirect.gather [hbm4b:s16+s5], $0x80, s22, s5, $0xb8;
	[tilespmem:$0x1D980] =	vst v63  }
0x67: {  	s23 =	rddreg [dreg:$0x18]  }
0x68: {  	[tilespmem:s10], [sflag:$0x6] =	stream.linear.gather [hbm4b:s23+s3], $0x50, $0x38;
	[tilespmem:$0x1D980] =	vst v63  }
0x69: {  	_ =	swait.ge [sflag:s11], $0x2800  }
0x6a: {  	[sflag:s11] =	ssyncset.done $0x0  }
0x6b: {  	[sflag:s11] =	ssyncadd.s32 $0xFFFFD800  }
0x6c: {  	_ =	swait.ge [sflag:s17], $0x50  }
0x6d: {  	[sflag:s17] =	ssyncset.done $0x0  }
0x6e: {  	[sflag:s17] =	ssyncadd.s32 $0xFFFFFFB0  }
0x6f: {  	[spmem:s2] =	stream.indirect.scatter.add.f32 [tilespmem:s4], [sflag:$0x7], $0x80, s6, s5, $0xb8;
	[tilespmem:$0x1D980] =	vst v63  }
0x70: {  	_ =	swait.ge [sflag:s18], $0x2800  }
0x71: {  	[sflag:s18] =	ssyncset.done $0x0  }
0x72: {  	s24 =	simm.s32 $0xF0;
	[sflag:s18] =	ssyncadd.s32 $0xFFFFD800  }
0x73: {  	[tilespmem:s4], [sflag:$0x1] =	stream.indirect.gather [hbm4b:s16+s5], $0x80, s24, s5, $0xb8;
	[tilespmem:$0x1D980] =	vst v63  }
0x74: {  	s25 =	rddreg [dreg:$0x19]  }
0x75: {  	[tilespmem:s6], [sflag:$0x4] =	stream.linear.gather [hbm4b:s25+s3], $0x50, $0x38;
	[tilespmem:$0x1D980] =	vst v63  }
0x76: {  	_ =	swait.ge [sflag:s19], $0x2800  }
0x77: {  	[sflag:s19] =	ssyncset.done $0x0  }
0x78: {  	[sflag:s19] =	ssyncadd.s32 $0xFFFFD800  }
0x79: {  	_ =	swait.ge [sflag:s29], $0x50  }
0x7a: {  	[sflag:s29] =	ssyncset.done $0x0  }
0x7b: {  	[sflag:s29] =	ssyncadd.s32 $0xFFFFFFB0  }
0x7c: {  	[spmem:s2] =	stream.indirect.scatter.add.f32 [tilespmem:s7], [sflag:$0x8], $0x80, s8, s5, $0xb8;
	[tilespmem:$0x1D980] =	vst v63  }
0x7d: {  	_ =	swait.ge [sflag:s30], $0x2800  }
0x7e: {  	[sflag:s30] =	ssyncset.done $0x0  }
0x7f: {  	s26 =	simm.s32 $0x140;
	[sflag:s30] =	ssyncadd.s32 $0xFFFFD800  }
0x80: {  	[tilespmem:s7], [sflag:$0x2] =	stream.indirect.gather [hbm4b:s16+s5], $0x80, s26, s5, $0xb8;
	[tilespmem:$0x1D980] =	vst v63  }
0x81: {  	s28 =	rddreg [dreg:$0x1a]  }
0x82: {  	[tilespmem:s8], [sflag:$0x5] =	stream.linear.gather [hbm4b:s28+s3], $0x50, $0x38;
	[tilespmem:$0x1D980] =	vst v63  }
0x83: {  	_ =	swait.ge [sflag:s31], $0x2800  }
0x84: {  	[sflag:s31] =	ssyncset.done $0x0  }
0x85: {  	[sflag:s31] =	ssyncadd.s32 $0xFFFFD800  }
0x86: {  	_ =	swait.ge [sflag:s0], $0x50  }
0x87: {  	[sflag:s0] =	ssyncset.done $0x0  }
0x88: {  	[sflag:s0] =	ssyncadd.s32 $0xFFFFFFB0  }
0x89: {  	[spmem:s2] =	stream.indirect.scatter.add.f32 [tilespmem:s9], [sflag:$0x9], $0x80, s10, s5, $0xb8;
	[tilespmem:$0x1D980] =	vst v63  }
0x8a: {  	_ =	swait.ge [sflag:s15], $0x2800  }
0x8b: {  	[sflag:s15] =	ssyncset.done $0x0  }
0x8c: {  	s21 =	simm.s32 $0x190;
	[sflag:s15] =	ssyncadd.s32 $0xFFFFD800  }
0x8d: {  	[tilespmem:s9], [sflag:$0x3] =	stream.indirect.gather [hbm4b:s16+s5], $0x80, s21, s5, $0xb8;
	[tilespmem:$0x1D980] =	vst v63  }
0x8e: {  	s23 =	sadd.s32 $0x0, s14  }
0x8f: {  	[tilespmem:s10], [sflag:$0x6] =	stream.linear.gather [hbm4b:s23+s3], $0x50, $0x38;
	[tilespmem:$0x1D980] =	vst v63  }
0x90: {  	_ =	swait.ge [sflag:s11], $0x2800  }
0x91: {  	[sflag:s11] =	ssyncset.done $0x0  }
0x92: {  	[sflag:s11] =	ssyncadd.s32 $0xFFFFD800  }
0x93: {  	_ =	swait.ge [sflag:s17], $0x50  }
0x94: {  	[sflag:s17] =	ssyncset.done $0x0  }
0x95: {  	[sflag:s17] =	ssyncadd.s32 $0xFFFFFFB0  }
0x96: {  	[spmem:s2] =	stream.indirect.scatter.add.f32 [tilespmem:s4], [sflag:$0x7], $0x80, s6, s5, $0xb8;
	[tilespmem:$0x1D980] =	vst v63  }
0x97: {  	_ =	swait.ge [sflag:s18], $0x2800  }
0x98: {  	[sflag:s18] =	ssyncset.done $0x0  }
0x99: {  	s24 =	simm.s32 $0x1E0;
	[sflag:s18] =	ssyncadd.s32 $0xFFFFD800  }
0x9a: {  	[tilespmem:s4], [sflag:$0x1] =	stream.indirect.gather [hbm4b:s16+s5], $0x80, s24, s5, $0xb8;
	[tilespmem:$0x1D980] =	vst v63  }
0x9b: {  	s25 =	sadd.s32 $0x0, s13  }
0x9c: {  	[tilespmem:s6], [sflag:$0x4] =	stream.linear.gather [hbm4b:s25+s3], $0x50, $0x38;
	[tilespmem:$0x1D980] =	vst v63  }
0x9d: {  	_ =	swait.ge [sflag:s19], $0x2800  }
0x9e: {  	[sflag:s19] =	ssyncset.done $0x0  }
0x9f: {  	[sflag:s19] =	ssyncadd.s32 $0xFFFFD800  }
0xa0: {  	_ =	swait.ge [sflag:s29], $0x50  }
0xa1: {  	[sflag:s29] =	ssyncset.done $0x0  }
0xa2: {  	[sflag:s29] =	ssyncadd.s32 $0xFFFFFFB0  }
0xa3: {  	[spmem:s2] =	stream.indirect.scatter.add.f32 [tilespmem:s7], [sflag:$0x8], $0x80, s8, s5, $0xb8;
	[tilespmem:$0x1D980] =	vst v63  }
0xa4: {  	_ =	swait.ge [sflag:s30], $0x2800  }
0xa5: {  	[sflag:s30] =	ssyncset.done $0x0  }
0xa6: {  	s26 =	simm.s32 $0x230;
	[sflag:s30] =	ssyncadd.s32 $0xFFFFD800  }
0xa7: {  	[tilespmem:s7], [sflag:$0x2] =	stream.indirect.gather [hbm4b:s16+s5], $0x80, s26, s5, $0xb8;
	[tilespmem:$0x1D980] =	vst v63  }
0xa8: {  	s28 =	sadd.s32 $0x0, s12  }
0xa9: {  	[tilespmem:s8], [sflag:$0x5] =	stream.linear.gather [hbm4b:s28+s3], $0x50, $0x38;
	[tilespmem:$0x1D980] =	vst v63  }
0xaa: {  	_ =	swait.ge [sflag:s31], $0x2800  }
0xab: {  	[sflag:s31] =	ssyncset.done $0x0  }
0xac: {  	[sflag:s31] =	ssyncadd.s32 $0xFFFFD800  }
0xad: {  	_ =	swait.ge [sflag:s0], $0x50  }
0xae: {  	[sflag:s0] =	ssyncset.done $0x0  }
0xaf: {  	s22 =	simm.s32 $0x1E;
	s23 =	simm.s32 $0x320;
	[sflag:s0] =	ssyncadd.s32 $0xFFFFFFB0  }
.LBB2_2:
0xb0: {  	[spmem:s2] =	stream.indirect.scatter.add.f32 [tilespmem:s9], [sflag:$0x9], $0x80, s10, s5, $0xb8;
	[tilespmem:$0x1D980] =	vst v63  }
0xb1: {  	s24 =	smov.u32 s22  }
0xb2: {  	p1 =	sne.s32 s22, $0x492;
	s22 =	sadd.s32 $0x1E, s22;
	_ =	swait.ge [sflag:s15], $0x2800  }
0xb3: {  	[sflag:s15] =	ssyncset.done $0x0  }
0xb4: {  	s25 =	sadd.s32 $0xFFFFFF60, s23;
	[sflag:s15] =	ssyncadd.s32 $0xFFFFD800  }
0xb5: {  	[tilespmem:s9], [sflag:$0x3] =	stream.indirect.gather [hbm4b:s16+s5], $0x80, s25, s5, $0xb8;
	[tilespmem:$0x1D980] =	vst v63  }
0xb6: {  	s25 =	sadd.s32 s24, s14  }
0xb7: {  	[tilespmem:s10], [sflag:$0x6] =	stream.linear.gather [hbm4b:s25+s3], $0x50, $0x38;
	[tilespmem:$0x1D980] =	vst v63  }
0xb8: {  	_ =	swait.ge [sflag:s11], $0x2800  }
0xb9: {  	[sflag:s11] =	ssyncset.done $0x0  }
0xba: {  	[sflag:s11] =	ssyncadd.s32 $0xFFFFD800  }
0xbb: {  	_ =	swait.ge [sflag:s17], $0x50  }
0xbc: {  	[sflag:s17] =	ssyncset.done $0x0  }
0xbd: {  	[sflag:s17] =	ssyncadd.s32 $0xFFFFFFB0  }
0xbe: {  	[spmem:s2] =	stream.indirect.scatter.add.f32 [tilespmem:s4], [sflag:$0x7], $0x80, s6, s5, $0xb8;
	[tilespmem:$0x1D980] =	vst v63  }
0xbf: {  	_ =	swait.ge [sflag:s18], $0x2800  }
0xc0: {  	[sflag:s18] =	ssyncset.done $0x0  }
0xc1: {  	s25 =	sadd.s32 $0xFFFFFFB0, s23;
	[sflag:s18] =	ssyncadd.s32 $0xFFFFD800  }
0xc2: {  	[tilespmem:s4], [sflag:$0x1] =	stream.indirect.gather [hbm4b:s16+s5], $0x80, s25, s5, $0xb8;
	[tilespmem:$0x1D980] =	vst v63  }
0xc3: {  	s25 =	sadd.s32 s24, s13  }
0xc4: {  	[tilespmem:s6], [sflag:$0x4] =	stream.linear.gather [hbm4b:s25+s3], $0x50, $0x38;
	[tilespmem:$0x1D980] =	vst v63  }
0xc5: {  	_ =	swait.ge [sflag:s19], $0x2800  }
0xc6: {  	[sflag:s19] =	ssyncset.done $0x0  }
0xc7: {  	[sflag:s19] =	ssyncadd.s32 $0xFFFFD800  }
0xc8: {  	_ =	swait.ge [sflag:s29], $0x50  }
0xc9: {  	[sflag:s29] =	ssyncset.done $0x0  }
0xca: {  	[sflag:s29] =	ssyncadd.s32 $0xFFFFFFB0  }
0xcb: {  	[spmem:s2] =	stream.indirect.scatter.add.f32 [tilespmem:s7], [sflag:$0x8], $0x80, s8, s5, $0xb8;
	[tilespmem:$0x1D980] =	vst v63  }
0xcc: {  	_ =	swait.ge [sflag:s30], $0x2800  }
0xcd: {  	[sflag:s30] =	ssyncset.done $0x0  }
0xce: {  	[sflag:s30] =	ssyncadd.s32 $0xFFFFD800  }
0xcf: {  	[tilespmem:s7], [sflag:$0x2] =	stream.indirect.gather [hbm4b:s16+s5], $0x80, s23, s5, $0xb8;
	[tilespmem:$0x1D980] =	vst v63  }
0xd0: {  	s24 =	sadd.s32 s24, s12  }
0xd1: {  	[tilespmem:s8], [sflag:$0x5] =	stream.linear.gather [hbm4b:s24+s3], $0x50, $0x38;
	[tilespmem:$0x1D980] =	vst v63  }
0xd2: {  	_ =	swait.ge [sflag:s31], $0x2800  }
.Ltmp0:
0xd3: {  	[sflag:s31] =	ssyncset.done $0x0;
	(pc) =	sbr.rel @p1 .LBB2_2-.Ltmp0, $4  }
0xd4: {  	[sflag:s31] =	ssyncadd.s32 $0xFFFFD800  }
0xd5: {  	_ =	swait.ge [sflag:s0], $0x50  }
0xd6: {  	[sflag:s0] =	ssyncset.done $0x0  }
0xd7: {  	s23 =	sadd.s32 $0xF0, s23;
	[sflag:s0] =	ssyncadd.s32 $0xFFFFFFB0  }
0xd8: {  	[spmem:s2] =	stream.indirect.scatter.add.f32 [tilespmem:s9], [sflag:$0x9], $0x80, s10, s5, $0xb8;
	[tilespmem:$0x1D980] =	vst v63  }
0xd9: {  	_ =	swait.ge [sflag:s15], $0x2800  }
0xda: {  	[sflag:s15] =	ssyncset.done $0x0  }
0xdb: {  	[sflag:s15] =	ssyncadd.s32 $0xFFFFD800  }
0xdc: {  	_ =	swait.ge [sflag:s11], $0x2800  }
0xdd: {  	[sflag:s11] =	ssyncset.done $0x0  }
0xde: {  	[sflag:s11] =	ssyncadd.s32 $0xFFFFD800  }
0xdf: {  	_ =	swait.ge [sflag:s17], $0x50  }
0xe0: {  	[sflag:s17] =	ssyncset.done $0x0  }
0xe1: {  	[sflag:s17] =	ssyncadd.s32 $0xFFFFFFB0  }
0xe2: {  	[spmem:s2] =	stream.indirect.scatter.add.f32 [tilespmem:s4], [sflag:$0x7], $0x80, s6, s5, $0xb8;
	[tilespmem:$0x1D980] =	vst v63  }
0xe3: {  	_ =	swait.ge [sflag:s19], $0x2800  }
0xe4: {  	[sflag:s19] =	ssyncset.done $0x0  }
0xe5: {  	[sflag:s19] =	ssyncadd.s32 $0xFFFFD800  }
0xe6: {  	_ =	swait.ge [sflag:s29], $0x50  }
0xe7: {  	[sflag:s29] =	ssyncset.done $0x0  }
0xe8: {  	[sflag:s29] =	ssyncadd.s32 $0xFFFFFFB0  }
0xe9: {  	[spmem:s2] =	stream.indirect.scatter.add.f32 [tilespmem:s7], [sflag:$0x8], $0x80, s8, s5, $0xb8;
	[tilespmem:$0x1D980] =	vst v63  }
0xea: {  	_ =	swait.ge [sflag:s18], $0x2800  }
0xeb: {  	[sflag:s18] =	ssyncset.done $0x0  }
0xec: {  	[sflag:s18] =	ssyncadd.s32 $0xFFFFD800  }
0xed: {  	_ =	swait.ge [sflag:s30], $0x2800  }
0xee: {  	[sflag:s30] =	ssyncset.done $0x0  }
0xef: {  	[sflag:s30] =	ssyncadd.s32 $0xFFFFD800  }
0xf0: {  	[bflag:$0x0] =	sbarrier.arrive $0xFFFF  }
0xf1: {  	s23 =	simm.s32 $0xB;
	s20 =	rddreg [dreg:$0x16]  }
0xf2: {  	[tilespmem:s4], [sflag:$0xB] =	stream.linear.gather [spmem:s20], $0x2800, $0x38;
	[tilespmem:$0x1D980] =	vst v63  }
0xf3: {  	_ =	swait.ge [sflag:s23], $0x2800  }
0xf4: {  	[sflag:s23] =	ssyncset.done $0x0  }
0xf5: {  	s22 =	rddreg [dreg:$0x3];
	[sflag:s23] =	ssyncadd.s32 $0xFFFFD800  }
0xf6: {  	[hbm4b:s22+s3] =	stream.linear.scatter [tilespmem:s4], [sflag:$0xA], $0x2800, $0x38;
	[tilespmem:$0x1D980] =	vst v63  }
0xf7: {  	_ =	swait.ge [sflag:s1], $0x2800  }
0xf8: {  	[sflag:s1] =	ssyncset.done $0x0  }
0xf9: {  	s25 =	rddreg [dreg:$0x13];
	[sflag:s1] =	ssyncadd.s32 $0xFFFFD800  }
0xfa: {  	[tilespmem:s4], [sflag:$0xB] =	stream.linear.gather [spmem:s25], $0x2800, $0x38;
	[tilespmem:$0x1D980] =	vst v63  }
0xfb: {  	_ =	swait.ge [sflag:s23], $0x2800  }
0xfc: {  	[sflag:s23] =	ssyncset.done $0x0  }
0xfd: {  	s26 =	rddreg [dreg:$0x4];
	[sflag:s23] =	ssyncadd.s32 $0xFFFFD800  }
0xfe: {  	[hbm4b:s26+s3] =	stream.linear.scatter [tilespmem:s4], [sflag:$0xA], $0x2800, $0x38;
	[tilespmem:$0x1D980] =	vst v63  }
0xff: {  	_ =	swait.ge [sflag:s1], $0x2800  }
0x100: {  	[sflag:s1] =	ssyncset.done $0x0  }
0x101: {  	s21 =	rddreg [dreg:$0xf];
	[sflag:s1] =	ssyncadd.s32 $0xFFFFD800  }
0x102: {  	[tilespmem:s4], [sflag:$0xB] =	stream.linear.gather [spmem:s21], $0x2800, $0x38;
	[tilespmem:$0x1D980] =	vst v63  }
0x103: {  	_ =	swait.ge [sflag:s23], $0x2800  }
0x104: {  	[sflag:s23] =	ssyncset.done $0x0  }
0x105: {  	s20 =	rddreg [dreg:$0x5];
	[sflag:s23] =	ssyncadd.s32 $0xFFFFD800  }
0x106: {  	[hbm4b:s20+s3] =	stream.linear.scatter [tilespmem:s4], [sflag:$0xA], $0x2800, $0x38;
	[tilespmem:$0x1D980] =	vst v63  }
0x107: {  	_ =	swait.ge [sflag:s1], $0x2800  }
0x108: {  	[sflag:s1] =	ssyncset.done $0x0  }
0x109: {  	s24 =	rddreg [dreg:$0x10];
	[sflag:s1] =	ssyncadd.s32 $0xFFFFD800  }
0x10a: {  	[tilespmem:s4], [sflag:$0xB] =	stream.linear.gather [spmem:s24], $0x2800, $0x38;
	[tilespmem:$0x1D980] =	vst v63  }
0x10b: {  	_ =	swait.ge [sflag:s23], $0x2800  }
0x10c: {  	[sflag:s23] =	ssyncset.done $0x0  }
0x10d: {  	s25 =	rddreg [dreg:$0x6];
	[sflag:s23] =	ssyncadd.s32 $0xFFFFD800  }
0x10e: {  	[hbm4b:s25+s3] =	stream.linear.scatter [tilespmem:s4], [sflag:$0xA], $0x2800, $0x38;
	[tilespmem:$0x1D980] =	vst v63  }
0x10f: {  	_ =	swait.ge [sflag:s1], $0x2800  }
0x110: {  	[sflag:s1] =	ssyncset.done $0x0  }
0x111: {  	s20 =	rddreg [dreg:$0x11];
	[sflag:s1] =	ssyncadd.s32 $0xFFFFD800  }
0x112: {  	[tilespmem:s4], [sflag:$0xB] =	stream.linear.gather [spmem:s20], $0x2800, $0x38;
	[tilespmem:$0x1D980] =	vst v63  }
0x113: {  	_ =	swait.ge [sflag:s23], $0x2800  }
0x114: {  	[sflag:s23] =	ssyncset.done $0x0  }
0x115: {  	s26 =	rddreg [dreg:$0x7];
	[sflag:s23] =	ssyncadd.s32 $0xFFFFD800  }
0x116: {  	[hbm4b:s26+s3] =	stream.linear.scatter [tilespmem:s4], [sflag:$0xA], $0x2800, $0x38;
	[tilespmem:$0x1D980] =	vst v63  }
0x117: {  	_ =	swait.ge [sflag:s1], $0x2800  }
0x118: {  	[sflag:s1] =	ssyncset.done $0x0  }
0x119: {  	s25 =	rddreg [dreg:$0x12];
	[sflag:s1] =	ssyncadd.s32 $0xFFFFD800  }
0x11a: {  	[tilespmem:s4], [sflag:$0xB] =	stream.linear.gather [spmem:s25], $0x2800, $0x38;
	[tilespmem:$0x1D980] =	vst v63  }
0x11b: {  	_ =	swait.ge [sflag:s23], $0x2800  }
0x11c: {  	[sflag:s23] =	ssyncset.done $0x0  }
0x11d: {  	s24 =	rddreg [dreg:$0x8];
	[sflag:s23] =	ssyncadd.s32 $0xFFFFD800  }
0x11e: {  	[hbm4b:s24+s3] =	stream.linear.scatter [tilespmem:s4], [sflag:$0xA], $0x2800, $0x38;
	[tilespmem:$0x1D980] =	vst v63  }
0x11f: {  	_ =	swait.ge [sflag:s1], $0x2800  }
0x120: {  	[sflag:s1] =	ssyncset.done $0x0  }
0x121: {  	s28 =	rddreg [dreg:$0x14];
	[sflag:s1] =	ssyncadd.s32 $0xFFFFD800  }
0x122: {  	[tilespmem:s4], [sflag:$0xB] =	stream.linear.gather [spmem:s28], $0x2800, $0x38;
	[tilespmem:$0x1D980] =	vst v63  }
0x123: {  	_ =	swait.ge [sflag:s23], $0x2800  }
0x124: {  	[sflag:s23] =	ssyncset.done $0x0  }
0x125: {  	s26 =	rddreg [dreg:$0x9];
	[sflag:s23] =	ssyncadd.s32 $0xFFFFD800  }
0x126: {  	[hbm4b:s26+s3] =	stream.linear.scatter [tilespmem:s4], [sflag:$0xA], $0x2800, $0x38;
	[tilespmem:$0x1D980] =	vst v63  }
0x127: {  	_ =	swait.ge [sflag:s1], $0x2800  }
0x128: {  	s22 =	simm.s32 @!p0 $0x2900;
	[sflag:s1] =	ssyncset.done $0x0  }
0x129: {  	s23 =	simm.s32 @!p0 $0xB;
	s26 =	rddreg [dreg:$0x15];
	[sflag:s1] =	ssyncadd.s32 $0xFFFFD800  }
0x12a: {  	[tilespmem:s22], [sflag:$0xB] =	stream.linear.gather @!p0 [spmem:s26], $0x2800, $0x38;
	[tilespmem:$0x1D980] =	vst v63  }
0x12b: {  	_ =	swait.ge @!p0 [sflag:s23], $0x2800  }
0x12c: {  	[sflag:s23] =	ssyncset.done @!p0 $0x0  }
0x12d: {  	s24 =	rddreg [dreg:$0xa];
	[sflag:s23] =	ssyncadd.s32 @!p0 $0xFFFFD800;
	s23 =	simm.s32 @!p0 $0x0  }
0x12e: {  	[hbm4b:s24+s23] =	stream.linear.scatter @!p0 [tilespmem:s22], [sflag:$0xA], $0x2800, $0x38;
	[tilespmem:$0x1D980] =	vst v63  }
0x12f: {  	s22 =	simm.s32 @!p0 $0xA  }
0x130: {  	_ =	swait.ge @!p0 [sflag:s22], $0x2800  }
0x131: {  	s23 =	rddreg [dreg:$0x1b]  }
0x132: {  	s24 =	smov.u32 s21;
	s21 =	sadd.s32 $0x1, s23;
	s23 =	rddreg [dreg:$0xe]  }
0x133: {  	p1 =	sne.s32 s21, s23  }
.Ltmp1:
0x134: {  	_ = 	snop;
	(pc) =	sbr.rel @p1 .LBB2_1-.Ltmp1, $4  }
0x135: {  	_ = 	snop  }
0x136: {  	[dreg:$0x1b] =	wrdreg s21  }
0x137: {  	[sflag:s22] =	ssyncset.done @!p0 $0x0;
	s21 =	rddreg [dreg:$0x16]  }
0x138: {  	[sflag:s22] =	ssyncadd.s32 @!p0 $0xFFFFD800;
	s23 =	rddreg [dreg:$0x13]  }
0x139: {  	_ =	sfence.sel $0x180000  }
0x13a: {  	[bflag:$0x0] =	sbarrier.arrive $0xFFFF  }
0x13b: {  	_ =	strace $0x9000004D  }
0x13c: {  	s0 =	stileid.u32;
	[bflag:$0x2] =	sbarrier.arrive $0xFFFF  }
0x13d: {  	p0 =	sne.s32 s0, $0x0;
	s0 =	rddreg [dreg:$0x2]  }
0x13e: {  	s0 =	sadd.s32 @!p0 $0x100000, s0  }
0x13f: {  	[sflag:s0] =	ssyncadd.tile.s32 @!p0 $0x1;
	_ =	shalt  }
.Lfunc_end2:
_tile_overlayer_lowered:
.L_overlay_start_2:
0x140: {  	(tag) =	ssettag $0x2  }
0x141: {  	s0 =	rddreg [dreg:$0x0];
	s2 =	stileid.u32  }
0x142: {  	s1 =	rddreg [dreg:$0x1];
	p0 =	sne.s32 s2, $0x0  }
0x143: {  	s3 =	rddreg [dreg:$0x2];
	[bflag:$0x3] =	sbarrier.arrive $0xFFFF;
	s2 =	simm.s32 @!p0 $0x1C0A  }
0x144: {  	[timem:s3], [sflag:s2] =	dma.local @!p0 [hbm:s0], s1  }
0x145: {  	s0 =	simm.s32 @!p0 $0xA  }
0x146: {  	_ =	swait.ge @!p0 [sflag:s0], s1  }
0x147: {  	s1 =	ssub.s32 @!p0 $0x0, s1;
	[sflag:s0] =	ssyncset.done @!p0 $0x0  }
0x148: {  	[sflag:s0] =	ssyncadd.s32 @!p0 s1  }
0x149: {  	[bflag:$0x3] =	sbarrier.arrive $0xFFFF  }
0x14a: {  	_ =	shalt  }

// kernel: kernel.8.cloned.1.call-start
scs
__scs_entry_jumppad:
0x0: {  	(pc) =	sbr.rel $0x88, $3  }
0x1: {  	(tag) =	ssettag $0x0;
	lr =	simm.s32 $0x1  }
0x2: {  	[smem:$0x3F95] =	sst lr;
	_ =	strace $0xD0000000  }
0x3: {  	_ = 	snop  }
0x4: {  	_ = 	snop  }
0x5: {  	_ = 	snop  }
0x6: {  	_ = 	snop  }
0x7: {  	_ = 	snop  }
__scs_overlays_trampoline_lowered:
0x8: {  	[smem:$0x3FA4] =	sst s0  }
0x9: {  	[smem:$0x3FA5] =	sst s1  }
0xa: {  	[smem:$0x3FA6] =	sst s2  }
0xb: {  	[smem:$0x3FA7] =	sst s3  }
0xc: {  	[smem:$0x3FA8] =	sst s4  }
0xd: {  	[smem:$0x3FA9] =	sst s5  }
0xe: {  	[smem:$0x3FAA] =	sst s6  }
0xf: {  	[smem:$0x3FAB] =	sst s7  }
0x10: {  	[smem:$0x3FAC] =	sst s8  }
0x11: {  	[smem:$0x3FAD] =	sst s9;
	s0 =	simm.s32 @!p0 $0x0  }
0x12: {  	s1 =	sld [smem:$0x3F93];
	s0 =	simm.s32 @p0 $0x1  }
0x13: {  	[smem:$0x3FAE] =	sst s0;
	s0 =	simm.s32 @!p1 $0x0  }
0x14: {  	s2 =	sld [smem:$0x3F92];
	s0 =	simm.s32 @p1 $0x1  }
0x15: {  	[smem:$0x3FAF] =	sst s0;
	s0 =	simm.s32 @!p2 $0x0  }
0x16: {  	s3 =	sld [smem:$0x3FDB];
	s0 =	simm.s32 @p2 $0x1  }
0x17: {  	s4 =	simm.s32 $0x1BF5;
	[smem:$0x3FB1] =	sst s0  }
0x18: {  	s0 =	sld [smem:$0x3F94];
	_ =	swait.ge [sflag:s4], $0x0  }
0x19: {  	s7 =	sld [smem:$0x3F95]  }
0x1a: {  	s8 =	sadd.s32 $0xFFFFE003, lr  }
0x1b: {  	s9 =	sadd.s32 $0xFFFFFEF7, lr;
	s5 =	simm.s32 $0xFFFFFFFF;
	p2 =	slt.u32 s8, $0xFFFFF086  }
0x1c: {  	p1 =	slt.u32 s9, $0xF7A;
	s5 =	simm.s32 @!p2 $0x0  }
0x1d: {  	s5 =	simm.s32 @p1 $0x1;
	p0 =	seq.s32 s7, s2  }
0x1e: {  	s7 =	smul.u32 @!p0 $0xF7A, s2;
	p2 =	seq.s32 @!p0 s5, $0x0  }
0x1f: {  	s9 =	smul.u32 $0xF7A, s1;
	s8 =	simm.s32 @!p0 $0x1BF5;
	p2 =	por !p2, p0  }
0x20: {  	[sflag:s8] =	ssyncset.s32 @!p0 $0xFFFFF086;
	s6 =	sadd.s32 @!p0 s3, s7;
	s7 =	simm.s32 @!p0 $0x108  }
0x21: {  	s3 =	sadd.s32 s3, s9;
	s6 =	sadd.s32 @!p0 $0x88, s6;
	s7 =	simm.s32 @p2 $0x1082  }
0x22: {  	[simem:s7], [sflag:s8] =	dma.local @!p0 [hbm:s6], $0xF7A  }
0x23: {  	s9 =	sor.u32 $0xD0000000, s2;
	s6 =	simm.s32 $0x108;
	_ =	swait.ge @!p0 [sflag:s8], $0x0  }
0x24: {  	s3 =	sadd.s32 $0x88, s3;
	s6 =	simm.s32 @!p1 $0x1082;
	[sflag:s4] =	ssyncset.s32 $0xFFFFF086  }
0x25: {  	[simem:s6], [sflag:s4] =	dma.local [hbm:s3], $0xF7A  }
0x26: {  	[smem:$0x3F95] =	sst s1;
	(tag) =	ssettag s2;
	_ =	strace s9  }
0x27: {  	s1 =	sld [smem:$0x3FA5]  }
0x28: {  	s2 =	sld [smem:$0x3FA6]  }
0x29: {  	s4 =	sld [smem:$0x3FA8]  }
0x2a: {  	p0 =	seq.s32 s5, $0x0;
	s5 =	sld [smem:$0x3FA9]  }
0x2b: {  	s6 =	sld [smem:$0x3FAA]  }
0x2c: {  	s7 =	sld [smem:$0x3FAB]  }
0x2d: {  	s3 =	simm.s32 $0x108;
	s8 =	sld [smem:$0x3FAC]  }
0x2e: {  	s3 =	simm.s32 @!p0 $0x1082;
	s9 =	sld [smem:$0x3FAD]  }
0x2f: {  	lr =	sadd.s32 s0, s3;
	s0 =	sld [smem:$0x3FA4]  }
0x30: {  	s3 =	sld [smem:$0x3FA7]  }
0x31: {  	[smem:$0x3FB0] =	sst s10  }
0x32: {  	s10 =	sld [smem:$0x3FAE];
	_ =	sdelay $0x3  }
0x33: {  	p0 =	seq.s32 s10, $0x1;
	s10 =	sld [smem:$0x3FB0];
	_ =	sdelay $0x3  }
0x34: {  	[smem:$0x3FB0] =	sst s10  }
0x35: {  	s10 =	sld [smem:$0x3FAF];
	_ =	sdelay $0x3  }
0x36: {  	p1 =	seq.s32 s10, $0x1;
	s10 =	sld [smem:$0x3FB0];
	_ =	sdelay $0x3  }
0x37: {  	[smem:$0x3FB0] =	sst s10  }
0x38: {  	s10 =	sld [smem:$0x3FB1]  }
0x39: {  	_ = 	snop;
	(pc) =	sbr.ind lr, $3  }
0x3a: {  	_ = 	snop  }
0x3b: {  	_ = 	snop  }
0x3c: {  	p2 =	seq.s32 s10, $0x1;
	s10 =	sld [smem:$0x3FB0]  }
0x3d: {  	_ =	shalt  }
0x3e: {  	_ =	shalt  }
0x3f: {  	_ =	shalt  }
0x40: {  	_ =	shalt  }
0x41: {  	_ =	shalt  }
0x42: {  	_ =	shalt  }
0x43: {  	_ =	shalt  }
0x44: {  	_ =	shalt  }
0x45: {  	_ =	shalt  }
0x46: {  	_ =	shalt  }
0x47: {  	_ =	shalt  }
0x48: {  	_ =	shalt  }
0x49: {  	_ =	shalt  }
0x4a: {  	_ =	shalt  }
0x4b: {  	_ =	shalt  }
0x4c: {  	_ =	shalt  }
0x4d: {  	_ =	shalt  }
0x4e: {  	_ =	shalt  }
0x4f: {  	_ =	shalt  }
0x50: {  	_ =	shalt  }
0x51: {  	_ =	shalt  }
0x52: {  	_ =	shalt  }
0x53: {  	_ =	shalt  }
0x54: {  	_ =	shalt  }
0x55: {  	_ =	shalt  }
0x56: {  	_ =	shalt  }
0x57: {  	_ =	shalt  }
0x58: {  	_ =	shalt  }
0x59: {  	_ =	shalt  }
0x5a: {  	_ =	shalt  }
0x5b: {  	_ =	shalt  }
0x5c: {  	_ =	shalt  }
0x5d: {  	_ =	shalt  }
0x5e: {  	_ =	shalt  }
0x5f: {  	_ =	shalt  }
0x60: {  	_ =	shalt  }
0x61: {  	_ =	shalt  }
0x62: {  	_ =	shalt  }
0x63: {  	_ =	shalt  }
0x64: {  	_ =	shalt  }
0x65: {  	_ =	shalt  }
0x66: {  	_ =	shalt  }
0x67: {  	_ =	shalt  }
0x68: {  	_ =	shalt  }
0x69: {  	_ =	shalt  }
0x6a: {  	_ =	shalt  }
0x6b: {  	_ =	shalt  }
0x6c: {  	_ =	shalt  }
0x6d: {  	_ =	shalt  }
0x6e: {  	_ =	shalt  }
0x6f: {  	_ =	shalt  }
0x70: {  	_ =	shalt  }
0x71: {  	_ =	shalt  }
0x72: {  	_ =	shalt  }
0x73: {  	_ =	shalt  }
0x74: {  	_ =	shalt  }
0x75: {  	_ =	shalt  }
0x76: {  	_ =	shalt  }
0x77: {  	_ =	shalt  }
0x78: {  	_ =	shalt  }
0x79: {  	_ =	shalt  }
0x7a: {  	_ =	shalt  }
0x7b: {  	_ =	shalt  }
0x7c: {  	_ =	shalt  }
0x7d: {  	_ =	shalt  }
0x7e: {  	_ =	shalt  }
0x7f: {  	_ =	shalt  }
0x80: {  	_ =	shalt  }
0x81: {  	_ =	shalt  }
0x82: {  	_ =	shalt  }
0x83: {  	_ =	shalt  }
0x84: {  	_ =	shalt  }
0x85: {  	_ =	shalt  }
0x86: {  	_ =	shalt  }
0x87: {  	_ =	shalt  }
.Lfunc_end0:
.L_simem_size_0:
called_computation_lowered:
.L_overlay_start_0:
0x88: {  	s2 =	sld [smem:$0x3FD9]  }
0x89: {  	s3 =	sld [smem:$0x3FFE];
	_ =	sdelay $0x1  }
0x8a: {  	s1 =	srdreg.scid  }
0x8b: {  	s0 =	sand.u32 $0x1, s1  }
0x8c: {  	s16 =	sshll.u32 s0, $0xA;
	s2 =	sadd.s32 s3, s2  }
0x8d: {  	s2 =	sadd.s32 s2, s16  }
0x8e: {  	[smem:$0x3FBC] =	sst s2  }
0x8f: {  	_ = 	snop  }
0x90: {  	(tm) =	ssettm $0x1  }
0x91: {  	s17 =	sld [smem:$0x3FFB];
	_ =	sdelay $0x3  }
0x92: {  	_ =	strace s17  }
0x93: {  	s2 =	sld [smem:$0x3FFC];
	_ =	sdelay $0x3  }
0x94: {  	_ =	strace s2  }
0x95: {  	s2 =	sld [smem:$0x3FFD];
	_ =	sdelay $0x3  }
0x96: {  	_ =	strace s2  }
0x97: {  	_ =	strace $0x8FFFFFFF  }
0x98: {  	s18 =	sld [smem:$0x3FDB];
	_ =	sdelay $0x1  }
0x99: {  	s19 =	simm.s32 $_scs_section_size  }
0x9a: {  	s4 =	simm.s32 $_size__tile_overlayer_lowered;
	s5 =	simm.s32 $_tile_overlayer_lowered  }
0x9b: {  	s22 =	simm.s32 $0x1BFF;
	s21 =	sshll.u32 s5, $0x1;
	s2 =	sadd.s32 s19, s18  }
0x9c: {  	s6 =	simm.s32 $0x0;
	s20 =	sshll.u32 s4, $0x1;
	s4 =	sadd.s32 s21, s2  }
0x9d: {  	[timem:s6], [sflag:s22] =	dma.local [hbm:s4], s20  }
0x9e: {  	_ =	swait.ge [sflag:s22], s20  }
0x9f: {  	s3 =	ssub.s32 $0x0, s20;
	[sflag:s22] =	ssyncset.done $0x0  }
0xa0: {  	[sflag:s22] =	ssyncadd.s32 s3;
	_ =	sdelay $0x1  }
0xa1: {  	s23 =	simm.s32 $0x1B8B  }
0xa2: {  	_ =	swait.ge [sflag:s23], $0x1  }
0xa3: {  	[sflag:s23] =	ssyncset.done $0x0  }
0xa4: {  	s25 =	simm.s32 $0x1B8E;
	s24 =	sld [smem:$0x3FFE];
	[sflag:s23] =	ssyncadd.s32 $0xFFFFFFFF  }
0xa5: {  	s26 =	simm.s32 $execute0_lowered;
	[smem:$0x3FD2] =	sst s25  }
0xa6: {  	s4 =	sshll.u32 s26, $0x1;
	_ =	strace $0x80000046;
	[dreg:$0x1] =	wrdreg $0xFFFFFFFF  }
0xa7: {  	s28 =	simm.s32 $_size_execute0_lowered;
	s2 =	sadd.s32 s2, s4;
	[dreg:$0x0] =	wrdreg $0x0  }
0xa8: {  	s4 =	sshll.u32 s28, $0x1;
	[dreg:$0x2] =	wrdreg s2  }
0xa9: {  	[dreg:$0x3] =	wrdreg s4  }
0xaa: {  	[dreg:$0x4] =	wrdreg $0xC0  }
0xab: {  	_ =	task [dreg:s6], $0x5FFFF  }
0xac: {  	[dreg:$0x1] =	wrdreg $0xFFFFFFFF  }
0xad: {  	[dreg:$0x0] =	wrdreg $0x60  }
0xae: {  	[dreg:$0x2] =	wrdreg s24  }
0xaf: {  	[dreg:$0x3] =	wrdreg $0x84800  }
0xb0: {  	[dreg:$0x4] =	wrdreg $0x86F80  }
0xb1: {  	[dreg:$0x5] =	wrdreg $0x9  }
0xb2: {  	_ =	task.clear_ibuf [dreg:s6], $0x6FFFF;
	_ =	strace $0x90000046  }
0xb3: {  	s29 =	simm.s32 $0x9;
	_ =	strace $0x80000048  }
0xb4: {  	_ =	swait.ge [sflag:s29], $0x1  }
0xb5: {  	[sflag:s29] =	ssyncadd.s32 $0xFFFFFFFF  }
0xb6: {  	_ =	strace $0x90000048  }
0xb7: {  	_ =	sfence  }
0xb8: {  	s30 =	sld [smem:$0x0];
	_ =	sdelay $0x2  }
0xb9: {  	s31 =	sshll.u32 s1, $0xD;
	s1 =	sshrl.u32 s1, $0x2  }
0xba: {  	s3 =	sand.u32 $0x4000, s31;
	s1 =	sadd.s32 s1, s30  }
0xbb: {  	s0 =	sor.u32 s3, s0;
	s1 =	sshll.u32 s1, $0x11  }
0xbc: {  	s0 =	sor.u32 s1, s0  }
0xbd: {  	s0 =	sadd.s32 $0x8F2B, s0  }
0xbe: {  	[sflag:s0] =	ssyncadd.remote.s32 $0x1  }
0xbf: {  	_ =	sfence.sel $0xFFFF  }
0xc0: {  	[dreg:$0x0] =	wrdreg $0xFFFFFFFF;
	(pc) =	sbr.abs _section_cstart, $3  }
0xc1: {  	[dreg:$0x1] =	wrdreg $0xFFFFFFFF  }
0xc2: {  	_ =	task.clear_ibuf [dreg:s6], $0x2FFFF;
	_ =	strace $0x9FFFFFFF  }
0xc3: {  	(tm) =	ssettm $0x7FFFFFFF  }
tec
execute0_lowered:
.L_overlay_start_1:
0x0: {  	(tag) =	ssettag $0x1  }
0x1: {  	s5 =	rddreg [dreg:$0x0]  }
0x2: {  	s2 =	rddreg [dreg:$0x1]  }
0x3: {  	s3 =	rddreg [dreg:$0x2]  }
0x4: {  	s0 =	rddreg [dreg:$0x3]  }
0x5: {  	s6 =	srdreg.scid;
	s1 =	stileid.u32;
	s4 =	simm.s32 $0x0  }
0x6: {  	s13 =	simm.s32 $0x4000;
	s14 =	simm.s32 $0x50;
	s15 =	simm.s32 $0x8000  }
0x7: {  	s16 =	simm.s32 $0x80;
	s17 =	simm.s32 $0x4080;
	s18 =	simm.s32 $0x1  }
0x8: {  	s19 =	simm.s32 $0x3;
	s20 =	simm.s32 $0x2;
	s21 =	simm.s32 $0x4  }
0x9: {  	s22 =	simm.s32 $0x3E00;
	s23 =	simm.s32 $0x7E00;
	s24 =	simm.s32 $0x0  }
0xa: {  	s6 =	sand.u32 $0x1, s6;
	s8 =	smul.u32 $0x3E8, s1;
	[smem:$0x7FF] =	sst s4  }
0xb: {  	s10 =	sshll.u32 s1, $0xB;
	p0 =	sgt.u32 s1, $0x9;
	s7 =	smul.u32 $0x2710, s6  }
0xc: {  	_ =	strace $0x80000047;
	s9 =	sshll.u32 s6, $0xF;
	s6 =	ssub.s32 $0x2, s6  }
0xd: {  	s9 =	sor.u32 s10, s9;
	s31 =	sshrl.u32 s6, $0x1;
	s7 =	sadd.s32 s8, s7  }
0xe: {  	s9 =	sadd.s32 s9, s5;
	s12 =	ssub.s32 s6, s31;
	s7 =	sshrl.u32 s7, $0x3  }
0xf: {  	s6 =	sadd.s32 $0x27000, s9;
	s11 =	sadd.s32 s7, s5;
	s5 =	sadd.s32 $0x17000, s9  }
0x10: {  	s7 =	sadd.s32 s8, s2;
	s8 =	sadd.s32 s8, s3;
	s9 =	sadd.s32 $0x37000, s11  }
0x11: {  	v0 =	vimm.f32 $1.000000000e+00;
	v1 =	vimm.f32 $0.0e+00;
	s10 =	sadd.s32 $0x37A00, s11;
	s11 =	smax.u32 s12, $0x1;
	s12 =	simm.s32 $0x5  }
.LBB2_1:
0x12: {  	[tilespmem:s4], [sflag:$0x5] =	stream.linear.gather [hbm4b:s5+s4], $0x3E80, $0x38;
	[tilespmem:$0x8970] =	vst v63  }
0x13: {  	_ =	swait.ge [sflag:s12], $0x3E80  }
0x14: {  	[sflag:s12] =	ssyncset.done $0x0  }
0x15: {  	[sflag:s12] =	ssyncadd.s32 $0xFFFFC180  }
0x16: {  	[tilespmem:s13], [sflag:$0x5] =	stream.linear.gather [hbm4b:s6+s4], $0x3E80, $0x38;
	[tilespmem:$0x8970] =	vst v63  }
0x17: {  	_ =	swait.ge [sflag:s12], $0x3E80  }
0x18: {  	[sflag:s12] =	ssyncset.done $0x0  }
0x19: {  	[sflag:s12] =	ssyncadd.s32 $0xFFFFC180  }
0x1a: {  	[tilespmem:$0x8000] =	vst v0  }
0x1b: {  	[tilespmem:$0x8010] =	vst v0  }
0x1c: {  	[tilespmem:$0x8020] =	vst v0  }
0x1d: {  	[tilespmem:$0x8030] =	vst v0  }
0x1e: {  	s25 =	simm.s32 $0x40;
	s26 =	simm.s32 $0x0;
	[tilespmem:$0x8040] =	vst v0  }
.LBB2_2:
0x1f: {  	p1 =	sne.s32 s25, $0xF40;
	[tilespmem:s26+$0x8080] =	vst v1;
	s26 =	smov.u32 s25;
	s25 =	sadd.s32 $0x40, s25  }
.Ltmp0:
0x20: {  	(pc) =	sbr.rel @p1 .LBB2_2-.Ltmp0, $2  }
0x21: {  	_ =	sdelay $0x2  }
0x22: {  	s26 =	sshra.s32 s26, $0x2  }
0x23: {  	[tilespmem:s26+$0x8080] =	vst v1;
	s25 =	simm.s32 @!p0 $0x8080;
	s26 =	simm.s32 @!p0 $0x5  }
0x24: {  	[spmem:s7] =	stream.linear.scatter @!p0 [tilespmem:s25], [sflag:$0x5], $0x3E8, $0x38;
	[tilespmem:$0x8970] =	vst v63  }
0x25: {  	_ =	swait.ge @!p0 [sflag:s26], $0x3E8  }
0x26: {  	[sflag:s26] =	ssyncset.done @!p0 $0x0  }
0x27: {  	[sflag:s26] =	ssyncadd.s32 @!p0 $0xFFFFFC18  }
0x28: {  	[spmem:s8] =	stream.linear.scatter @!p0 [tilespmem:s25], [sflag:$0x5], $0x3E8, $0x38;
	[tilespmem:$0x8970] =	vst v63  }
0x29: {  	_ =	swait.ge @!p0 [sflag:s26], $0x3E8  }
0x2a: {  	[sflag:s26] =	ssyncset.done @!p0 $0x0  }
0x2b: {  	[sflag:s26] =	ssyncadd.s32 @!p0 $0xFFFFFC18  }
0x2c: {  	[bflag:$0x0] =	sbarrier.arrive $0xFFFF  }
0x2d: {  	[spmem:s2] =	stream.indirect.scatter.add.f32 [tilespmem:s15], [sflag:$0x1], $0x1, s4, s14, $0xb8;
	[tilespmem:$0x8970] =	vst v63  }
0x2e: {  	_ = 	snop  }
0x2f: {  	[spmem:s3] =	stream.indirect.scatter.add.f32 [tilespmem:s15], [sflag:$0x3], $0x1, s13, s14, $0xb8;
	[tilespmem:$0x8970] =	vst v63  }
0x30: {  	_ = 	snop  }
0x31: {  	[spmem:s2] =	stream.indirect.scatter.add.f32 [tilespmem:s15], [sflag:$0x2], $0x1, s16, s14, $0xb8;
	[tilespmem:$0x8970] =	vst v63  }
0x32: {  	_ = 	snop  }
0x33: {  	[spmem:s3] =	stream.indirect.scatter.add.f32 [tilespmem:s15], [sflag:$0x4], $0x1, s17, s14, $0xb8;
	[tilespmem:$0x8970] =	vst v63  }
0x34: {  	_ =	swait.ge [sflag:s18], $0x50  }
0x35: {  	[sflag:s18] =	ssyncset.done $0x0  }
0x36: {  	s29 =	simm.s32 $0x100;
	[sflag:s18] =	ssyncadd.s32 $0xFFFFFFB0  }
0x37: {  	[spmem:s2] =	stream.indirect.scatter.add.f32 [tilespmem:s15], [sflag:$0x1], $0x1, s29, s14, $0xb8;
	[tilespmem:$0x8970] =	vst v63  }
0x38: {  	_ =	swait.ge [sflag:s19], $0x50  }
0x39: {  	[sflag:s19] =	ssyncset.done $0x0  }
0x3a: {  	s30 =	simm.s32 $0x4100;
	[sflag:s19] =	ssyncadd.s32 $0xFFFFFFB0  }
0x3b: {  	[spmem:s3] =	stream.indirect.scatter.add.f32 [tilespmem:s15], [sflag:$0x3], $0x1, s30, s14, $0xb8;
	[tilespmem:$0x8970] =	vst v63  }
0x3c: {  	_ =	swait.ge [sflag:s20], $0x50  }
0x3d: {  	[sflag:s20] =	ssyncset.done $0x0  }
0x3e: {  	s31 =	simm.s32 $0x180;
	[sflag:s20] =	ssyncadd.s32 $0xFFFFFFB0  }
0x3f: {  	[spmem:s2] =	stream.indirect.scatter.add.f32 [tilespmem:s15], [sflag:$0x2], $0x1, s31, s14, $0xb8;
	[tilespmem:$0x8970] =	vst v63  }
0x40: {  	_ =	swait.ge [sflag:s21], $0x50  }
0x41: {  	[sflag:s21] =	ssyncset.done $0x0  }
0x42: {  	s25 =	simm.s32 $0xFFFF1000;
	s26 =	simm.s32 $0x4180;
	[sflag:s21] =	ssyncadd.s32 $0xFFFFFFB0  }
.LBB2_4:
0x43: {  	[spmem:s3] =	stream.indirect.scatter.add.f32 [tilespmem:s15], [sflag:$0x4], $0x1, s26, s14, $0xb8;
	[tilespmem:$0x8970] =	vst v63  }
0x44: {  	s26 =	smov.u32 s25  }
0x45: {  	p1 =	sne.s32 s25, $0xFFFFFC00;
	s25 =	sadd.s32 $0x400, s25;
	_ =	swait.ge [sflag:s18], $0x50  }
0x46: {  	s26 =	sshra.s32 s26, $0x2;
	[sflag:s18] =	ssyncset.done $0x0  }
0x47: {  	s28 =	sadd.s32 $0x3E00, s26;
	[sflag:s18] =	ssyncadd.s32 $0xFFFFFFB0  }
0x48: {  	[spmem:s2] =	stream.indirect.scatter.add.f32 [tilespmem:s15], [sflag:$0x1], $0x1, s28, s14, $0xb8;
	[tilespmem:$0x8970] =	vst v63  }
0x49: {  	_ =	swait.ge [sflag:s19], $0x50  }
0x4a: {  	[sflag:s19] =	ssyncset.done $0x0  }
0x4b: {  	s28 =	sadd.s32 $0x7E00, s26;
	[sflag:s19] =	ssyncadd.s32 $0xFFFFFFB0  }
0x4c: {  	[spmem:s3] =	stream.indirect.scatter.add.f32 [tilespmem:s15], [sflag:$0x3], $0x1, s28, s14, $0xb8;
	[tilespmem:$0x8970] =	vst v63  }
0x4d: {  	_ =	swait.ge [sflag:s20], $0x50  }
0x4e: {  	[sflag:s20] =	ssyncset.done $0x0  }
.Ltmp1:
0x4f: {  	s28 =	sadd.s32 $0x3E80, s26;
	[sflag:s20] =	ssyncadd.s32 $0xFFFFFFB0;
	(pc) =	sbr.rel @p1 .LBB2_4-.Ltmp1, $4  }
0x50: {  	[spmem:s2] =	stream.indirect.scatter.add.f32 [tilespmem:s15], [sflag:$0x2], $0x1, s28, s14, $0xb8;
	[tilespmem:$0x8970] =	vst v63  }
0x51: {  	_ =	swait.ge [sflag:s21], $0x50  }
0x52: {  	[sflag:s21] =	ssyncset.done $0x0  }
0x53: {  	s26 =	sadd.s32 $0x7E80, s26;
	[sflag:s21] =	ssyncadd.s32 $0xFFFFFFB0  }
0x54: {  	[spmem:s3] =	stream.indirect.scatter.add.f32 [tilespmem:s15], [sflag:$0x4], $0x1, s26, s14, $0xb8;
	[tilespmem:$0x8970] =	vst v63  }
0x55: {  	_ =	swait.ge [sflag:s18], $0x50  }
0x56: {  	[sflag:s18] =	ssyncset.done $0x0  }
0x57: {  	[sflag:s18] =	ssyncadd.s32 $0xFFFFFFB0  }
0x58: {  	[spmem:s2] =	stream.indirect.scatter.add.f32 [tilespmem:s15], [sflag:$0x1], $0x1, s22, s14, $0xb8;
	[tilespmem:$0x8970] =	vst v63  }
0x59: {  	_ =	swait.ge [sflag:s19], $0x50  }
0x5a: {  	[sflag:s19] =	ssyncset.done $0x0  }
0x5b: {  	[sflag:s19] =	ssyncadd.s32 $0xFFFFFFB0  }
0x5c: {  	[spmem:s3] =	stream.indirect.scatter.add.f32 [tilespmem:s15], [sflag:$0x3], $0x1, s23, s14, $0xb8;
	[tilespmem:$0x8970] =	vst v63  }
0x5d: {  	_ =	swait.ge [sflag:s20], $0x50  }
0x5e: {  	[sflag:s20] =	ssyncset.done $0x0  }
0x5f: {  	[sflag:s20] =	ssyncadd.s32 $0xFFFFFFB0  }
0x60: {  	_ =	swait.ge [sflag:s21], $0x50  }
0x61: {  	[sflag:s21] =	ssyncset.done $0x0  }
0x62: {  	[sflag:s21] =	ssyncadd.s32 $0xFFFFFFB0  }
0x63: {  	_ =	swait.ge [sflag:s18], $0x50  }
0x64: {  	[sflag:s18] =	ssyncset.done $0x0  }
0x65: {  	[sflag:s18] =	ssyncadd.s32 $0xFFFFFFB0  }
0x66: {  	_ =	swait.ge [sflag:s19], $0x50  }
0x67: {  	[sflag:s19] =	ssyncset.done $0x0  }
0x68: {  	[sflag:s19] =	ssyncadd.s32 $0xFFFFFFB0  }
0x69: {  	s25 =	simm.s32 @!p0 $0x8080;
	s26 =	simm.s32 @!p0 $0x5;
	[bflag:$0x0] =	sbarrier.arrive $0xFFFF  }
0x6a: {  	[tilespmem:s25], [sflag:$0x5] =	stream.linear.gather @!p0 [spmem:s7], $0x3E8, $0x38;
	[tilespmem:$0x8970] =	vst v63  }
0x6b: {  	_ =	swait.ge @!p0 [sflag:s26], $0x3E8  }
0x6c: {  	[sflag:s26] =	ssyncset.done @!p0 $0x0  }
0x6d: {  	s28 =	simm.s32 @!p0 $0x0;
	[sflag:s26] =	ssyncadd.s32 @!p0 $0xFFFFFC18  }
0x6e: {  	[hbm4b:s9+s28] =	stream.linear.scatter @!p0 [tilespmem:s25], [sflag:$0x5], $0x3E8, $0x38;
	[tilespmem:$0x8970] =	vst v63  }
0x6f: {  	_ =	swait.ge @!p0 [sflag:s26], $0x3E8  }
0x70: {  	[sflag:s26] =	ssyncset.done @!p0 $0x0  }
0x71: {  	[sflag:s26] =	ssyncadd.s32 @!p0 $0xFFFFFC18  }
0x72: {  	[tilespmem:s25], [sflag:$0x5] =	stream.linear.gather @!p0 [spmem:s8], $0x3E8, $0x38;
	[tilespmem:$0x8970] =	vst v63  }
0x73: {  	s24 =	sadd.s32 $0x1, s24;
	_ =	swait.ge @!p0 [sflag:s26], $0x3E8  }
0x74: {  	p1 =	sne.s32 s24, s11;
	[sflag:s26] =	ssyncset.done @!p0 $0x0  }
.Ltmp2:
0x75: {  	[sflag:s26] =	ssyncadd.s32 @!p0 $0xFFFFFC18;
	(pc) =	sbr.rel @p1 .LBB2_1-.Ltmp2, $4  }
0x76: {  	[hbm4b:s10+s28] =	stream.linear.scatter @!p0 [tilespmem:s25], [sflag:$0x5], $0x3E8, $0x38;
	[tilespmem:$0x8970] =	vst v63  }
0x77: {  	_ =	swait.ge @!p0 [sflag:s26], $0x3E8  }
0x78: {  	[sflag:s26] =	ssyncset.done @!p0 $0x0  }
0x79: {  	[sflag:s26] =	ssyncadd.s32 @!p0 $0xFFFFFC18  }
0x7a: {  	_ =	sfence.sel $0x180000  }
0x7b: {  	[bflag:$0x0] =	sbarrier.arrive $0xFFFF  }
0x7c: {  	p0 =	sne.s32 s1, $0x0;
	_ =	strace $0x90000047  }
0x7d: {  	s0 =	sadd.s32 @!p0 $0x100000, s0;
	[bflag:$0x2] =	sbarrier.arrive $0xFFFF  }
0x7e: {  	[sflag:s0] =	ssyncadd.tile.s32 @!p0 $0x1;
	_ =	shalt  }
.Lfunc_end2:
_tile_overlayer_lowered:
.L_overlay_start_2:
0x7f: {  	(tag) =	ssettag $0x2  }
0x80: {  	s0 =	rddreg [dreg:$0x0];
	s2 =	stileid.u32  }
0x81: {  	s1 =	rddreg [dreg:$0x1];
	p0 =	sne.s32 s2, $0x0  }
0x82: {  	s3 =	rddreg [dreg:$0x2];
	[bflag:$0x3] =	sbarrier.arrive $0xFFFF;
	s2 =	simm.s32 @!p0 $0x1C05  }
0x83: {  	[timem:s3], [sflag:s2] =	dma.local @!p0 [hbm:s0], s1  }
0x84: {  	s0 =	simm.s32 @!p0 $0x5  }
0x85: {  	_ =	swait.ge @!p0 [sflag:s0], s1  }
0x86: {  	s1 =	ssub.s32 @!p0 $0x0, s1;
	[sflag:s0] =	ssyncset.done @!p0 $0x0  }
0x87: {  	[sflag:s0] =	ssyncadd.s32 @!p0 s1  }
0x88: {  	[bflag:$0x3] =	sbarrier.arrive $0xFFFF  }
0x89: {  	_ =	shalt  }

</sc_bundles>
